<compile_context>
chip_gen: v7x
topology: tpu7x:2x2x1
jax: 0.10.2.dev20260603
libtpu: 0.0.44.dev20260713+nightly
codegen_flags: <defaults>
</compile_context>

<pallas_src>
import functools

import jax
import jax.numpy as jnp
from jax import lax
from jax.experimental import pallas as pl
from jax.experimental.pallas import tpu as pltpu
from jax.experimental.pallas import tpu_sc as plsc

B = 16384
D = 32
H = 64
NROWS = 1000000
RPP = 128 // D
NC = 2
NS = 16
NW = NC * NS
BPW = B // NW
CHUNK = 128
NCHUNK = BPW // CHUNK


_TBLK = 32768
_TGRID = -(-NROWS // _TBLK)


def _transp_body(ut_ref, it_ref, uo_ref, io_ref):
    x = ut_ref[...]
    z = it_ref[...]
    row = jax.lax.broadcasted_iota(jnp.int32, (D, 128), 0)
    col = jax.lax.broadcasted_iota(jnp.int32, (D, 128), 1)
    dn = (((0,), (0,)), ((), ()))
    eas = [(col == row + a * D).astype(jnp.float32) for a in range(RPP)]
    for g in range(_TBLK // 1024):
        u = jnp.zeros((256, 128), jnp.float32)
        v = jnp.zeros((256, 128), jnp.float32)
        for a in range(RPP):
            c0 = g * 1024 + a * 256
            u = u + jax.lax.dot_general(x[:, c0:c0 + 256], eas[a], dn,
                                        preferred_element_type=jnp.float32)
            v = v + jax.lax.dot_general(z[:, c0:c0 + 256], eas[a], dn,
                                        preferred_element_type=jnp.float32)
        uo_ref[pl.ds(g * 256, 256), :] = u
        io_ref[pl.ds(g * 256, 256), :] = v


_transp = pl.pallas_call(
    _transp_body,
    grid=(_TGRID,),
    in_specs=[
        pl.BlockSpec((D, _TBLK), lambda i: (0, i)),
        pl.BlockSpec((D, _TBLK), lambda i: (0, i)),
    ],
    out_specs=[
        pl.BlockSpec((_TBLK // 4, 128), lambda i: (i, 0)),
        pl.BlockSpec((_TBLK // 4, 128), lambda i: (i, 0)),
    ],
    out_shape=[
        jax.ShapeDtypeStruct((_TGRID * (_TBLK // 4), 128), jnp.float32),
        jax.ShapeDtypeStruct((_TGRID * (_TBLK // 4), 128), jnp.float32),
    ],
    compiler_params=pltpu.CompilerParams(fuse_transposed_lhs_in_matmul=True),
)


_mesh = plsc.VectorSubcoreMesh(core_axis_name="c", subcore_axis_name="s")


@functools.partial(
    pl.kernel,
    mesh=_mesh,
    out_type=[
        jax.ShapeDtypeStruct((B, 128), jnp.float32),
        jax.ShapeDtypeStruct((B, 128), jnp.float32),
    ],
    scratch_types=[
        pltpu.VMEM((NCHUNK, CHUNK), jnp.int32),
        pltpu.VMEM((NCHUNK, CHUNK), jnp.int32),
        pltpu.VMEM((BPW // 2, 128), jnp.float32),
        pltpu.VMEM((BPW // 2, 128), jnp.float32),
        pltpu.SemaphoreType.DMA,
        pltpu.SemaphoreType.DMA,
    ],
)
def _gather_uv(uid_hbm, iid_hbm, ut_hbm, it_hbm, u_out, v_out,
               uidx, iidx, urows, vrows, usem, vsem):
    wid = lax.axis_index("s") * NC + lax.axis_index("c")
    base = wid * BPW
    pltpu.sync_copy(uid_hbm.at[pl.ds(wid * NCHUNK, NCHUNK)], uidx)
    pltpu.sync_copy(iid_hbm.at[pl.ds(wid * NCHUNK, NCHUNK)], iidx)
    for half in range(2):
        cps = []
        for j in range(NCHUNK // 2):
            jj = half * (NCHUNK // 2) + j
            cps.append(pltpu.async_copy(
                ut_hbm.at[uidx.at[jj]],
                urows.at[pl.ds(j * CHUNK, CHUNK)], usem))
            cps.append(pltpu.async_copy(
                it_hbm.at[iidx.at[jj]],
                vrows.at[pl.ds(j * CHUNK, CHUNK)], vsem))
        for cp in cps:
            cp.wait()
        pltpu.sync_copy(urows, u_out.at[pl.ds(base + half * (BPW // 2),
                                              BPW // 2)])
        pltpu.sync_copy(vrows, v_out.at[pl.ds(base + half * (BPW // 2),
                                              BPW // 2)])



_BLK = 2048


def _mlp_body(u_ref, v_ref, ru_ref, rv_ref, cc_ref, w1u_ref, w1v_ref,
              b1_ref, w2_ref, b2_ref, o_ref):
    cc = cc_ref[...]
    um = jnp.where(cc == ru_ref[...], u_ref[...], 0.)
    vm = jnp.where(cc == rv_ref[...], v_ref[...], 0.)
    h = jnp.dot(um, w1u_ref[...], preferred_element_type=jnp.float32)
    h = h + jnp.dot(vm, w1v_ref[...], preferred_element_type=jnp.float32)
    h = jnp.maximum(h + b1_ref[...], 0.0)
    o_ref[...] = (jnp.dot(h, w2_ref[...], preferred_element_type=jnp.float32)
                  + b2_ref[...])


_mlp = pl.pallas_call(
    _mlp_body,
    grid=(B // _BLK,),
    in_specs=[
        pl.BlockSpec((_BLK, 128), lambda i: (i, 0)),
        pl.BlockSpec((_BLK, 128), lambda i: (i, 0)),
        pl.BlockSpec((_BLK, 1), lambda i: (i, 0)),
        pl.BlockSpec((_BLK, 1), lambda i: (i, 0)),
        pl.BlockSpec((1, 128), lambda i: (0, 0)),
        pl.BlockSpec((128, H), lambda i: (0, 0)),
        pl.BlockSpec((128, H), lambda i: (0, 0)),
        pl.BlockSpec((1, H), lambda i: (0, 0)),
        pl.BlockSpec((H, 1), lambda i: (0, 0)),
        pl.BlockSpec((1, 1), lambda i: (0, 0)),
    ],
    out_specs=pl.BlockSpec((_BLK, 1), lambda i: (i, 0)),
    out_shape=jax.ShapeDtypeStruct((B, 1), jnp.float32),
)


def kernel(userID, ItemID, user_table, item_table, W1, b1, W2, b2):
    uid = userID.astype(jnp.int32)
    iid = ItemID.astype(jnp.int32)
    upix = ((uid // 1024) * 256 + uid % 256).reshape(B // CHUNK, CHUNK)
    ipix = ((iid // 1024) * 256 + iid % 256).reshape(B // CHUNK, CHUNK)
    ut_c, it_c = _transp(user_table.T, item_table.T)
    u128, v128 = _gather_uv(upix, ipix, ut_c, it_c)
    ru = ((uid // 256) % RPP).astype(jnp.float32).reshape(B, 1)
    rv = ((iid // 256) % RPP).astype(jnp.float32).reshape(B, 1)
    colchunk = (jnp.arange(128, dtype=jnp.int32) // D).astype(
        jnp.float32).reshape(1, 128)
    w1u_s = jnp.tile(W1[:D], (RPP, 1))
    w1v_s = jnp.tile(W1[D:], (RPP, 1))
    y = _mlp(u128, v128, ru, rv, colchunk, w1u_s, w1v_s, b1.reshape(1, H),
             W2, b2.reshape(1, 1))
    return y.reshape(B)

# --- scband reference (transcript-rebuilt; emitter-appended) ---
"""Pipeline reference for scband-mf-61787399520658 (READ-ONLY COPY).

The authoritative reference and input builder live on the scoring server;
editing this copy changes nothing except your own understanding.
"""

import jax, jax.numpy as jnp
import numpy as np

NUM_USERS = 1000000
NUM_ITEMS = 1000000
EMBED_DIM = 32
BATCH = 16384
MLP_HIDDEN = 64


def setup_inputs(seed: int = 0) -> dict:
    key = jax.random.key(seed)
    k1, k2, k3, k4, k5, k6 = jax.random.split(key, 6)
    userID = jax.random.randint(k1, (BATCH,), 0, NUM_USERS, dtype=jnp.int64 if jax.config.jax_enable_x64 else jnp.int32)
    ItemID = jax.random.randint(k2, (BATCH,), 0, NUM_ITEMS, dtype=jnp.int64 if jax.config.jax_enable_x64 else jnp.int32)
    user_table = jax.random.normal(k3, (NUM_USERS, EMBED_DIM), dtype=jnp.float32) * 0.05
    item_table = jax.random.normal(k4, (NUM_ITEMS, EMBED_DIM), dtype=jnp.float32) * 0.05
    W1 = jax.random.normal(k5, (2 * EMBED_DIM, MLP_HIDDEN), dtype=jnp.float32) * 0.05
    b1 = jnp.zeros((MLP_HIDDEN,), dtype=jnp.float32)
    W2 = jax.random.normal(k6, (MLP_HIDDEN, 1), dtype=jnp.float32) * 0.05
    b2 = jnp.zeros((1,), dtype=jnp.float32)
    return {"userID": userID, "ItemID": ItemID, "user_table": user_table,
            "item_table": item_table, "W1": W1, "b1": b1, "W2": W2, "b2": b2}


def reference(userID, ItemID, user_table, item_table, W1, b1, W2, b2):
    # Mapper: latent-factor embedding lookups for user and item ids
    u = jnp.take(user_table, userID, axis=0)          # [B, D]
    v = jnp.take(item_table, ItemID, axis=0)          # [B, D]
    # MLPInteraction: concat embeddings -> dense + relu
    x = jnp.concatenate([u, v], axis=-1)              # [B, 2D]
    h = jax.nn.relu(x @ W1 + b1)                      # [B, H]
    # RatingPredictionOptimizer: dense to scalar rating per example
    y = (h @ W2 + b2)[:, 0]                           # [B]
    return y

if __name__ == "__main__":
    import jax
    _d = setup_inputs()
    print(jax.jit(kernel)(*tuple(_d.values())))

</pallas_src>

<mosaic_0001>
#map = affine_map<(d0, d1) -> (0, 0)>
module attributes {stable_mosaic.version = 14 : i64} {
  func.func @_gather_uv(%arg0: i32, %arg1: i32, %arg2: memref<128x128xi32, #tpu.memory_space<hbm>>, %arg3: memref<128x128xi32, #tpu.memory_space<hbm>>, %arg4: memref<253952x128xf32, #tpu.memory_space<hbm>>, %arg5: memref<253952x128xf32, #tpu.memory_space<hbm>>, %arg6: memref<16384x128xf32, #tpu.memory_space<hbm>>, %arg7: memref<16384x128xf32, #tpu.memory_space<hbm>>, %arg8: memref<4x128xi32, #tpu.memory_space<vmem>>, %arg9: memref<4x128xi32, #tpu.memory_space<vmem>>, %arg10: memref<256x128xf32, #tpu.memory_space<vmem>>, %arg11: memref<256x128xf32, #tpu.memory_space<vmem>>, %arg12: memref<!tpu.dma_semaphore, #tpu.memory_space<semaphore_mem>>, %arg13: memref<!tpu.dma_semaphore, #tpu.memory_space<semaphore_mem>>) attributes {dimension_semantics = [#tpu.dimension_semantics<core_parallel>, #tpu.dimension_semantics<subcore_parallel>], iteration_bounds = array<i64: 2, 16>, scalar_prefetch = 0 : i64, scratch_operands = 6 : i64, tpu.core_type = #tpu.core_type<sc_vector_subcore>, window_params = [{transform_indices = #map}, {transform_indices = #map}, {transform_indices = #map}, {transform_indices = #map}, {transform_indices = #map}, {transform_indices = #map}]} {
    %mul3A = arith.constant 2 : i32
    %mul3A_0 = arith.muli %arg1, %mul3A : i32
    %add3A = arith.addi %mul3A_0, %arg0 : i32
    %mul3A_1 = arith.constant 512 : i32
    %mul3A_2 = arith.muli %add3A, %mul3A_1 : i32
    %mul3A_3 = arith.constant 4 : i32
    %mul3A_4 = arith.muli %add3A, %mul3A_3 : i32
    "tpu.region"() ({
      %run_scoped3A = tpu.sem_alloc : memref<!tpu.dma_semaphore, #tpu.memory_space<semaphore_mem>>
      %dma_start3A_173 = arith.constant 0 : i32
      %dma_start3A_174 = tpu.memref_slice %arg2[%mul3A_4, %dma_start3A_173] : memref<128x128xi32, #tpu.memory_space<hbm>> -> memref<4x128xi32, #tpu.memory_space<hbm>>
      %dma_start3A_175 = arith.constant 0 : i32
      %dma_start3A_176 = tpu.memref_slice %arg2[%mul3A_4, %dma_start3A_175] : memref<128x128xi32, #tpu.memory_space<hbm>> -> memref<4x128xi32, #tpu.memory_space<hbm>>
      tpu.enqueue_dma source(%dma_start3A_176 : memref<4x128xi32, #tpu.memory_space<hbm>>) target(%arg8 : memref<4x128xi32, #tpu.memory_space<vmem>>) target_semaphore(%run_scoped3A : memref<!tpu.dma_semaphore, #tpu.memory_space<semaphore_mem>>)
      %dma_wait3A_177 = arith.constant 0 : i32
      %dma_wait3A_178 = tpu.memref_slice %arg2[%mul3A_4, %dma_wait3A_177] : memref<128x128xi32, #tpu.memory_space<hbm>> -> memref<4x128xi32, #tpu.memory_space<hbm>>
      %dma_wait3A_179 = arith.constant 0 : i32
      %dma_wait3A_180 = tpu.memref_slice %arg2[%mul3A_4, %dma_wait3A_179] : memref<128x128xi32, #tpu.memory_space<hbm>> -> memref<4x128xi32, #tpu.memory_space<hbm>>
      tpu.wait_dma2 semaphore(%run_scoped3A : memref<!tpu.dma_semaphore, #tpu.memory_space<semaphore_mem>>) src(%dma_wait3A_180 : memref<4x128xi32, #tpu.memory_space<hbm>>) dst(%arg8 : memref<4x128xi32, #tpu.memory_space<vmem>>)
      tpu.yield
    }) : () -> ()
    %mul3A_5 = arith.constant 4 : i32
    %mul3A_6 = arith.muli %add3A, %mul3A_5 : i32
    "tpu.region"() ({
      %run_scoped3A = tpu.sem_alloc : memref<!tpu.dma_semaphore, #tpu.memory_space<semaphore_mem>>
      %dma_start3A_173 = arith.constant 0 : i32
      %dma_start3A_174 = tpu.memref_slice %arg3[%mul3A_6, %dma_start3A_173] : memref<128x128xi32, #tpu.memory_space<hbm>> -> memref<4x128xi32, #tpu.memory_space<hbm>>
      %dma_start3A_175 = arith.constant 0 : i32
      %dma_start3A_176 = tpu.memref_slice %arg3[%mul3A_6, %dma_start3A_175] : memref<128x128xi32, #tpu.memory_space<hbm>> -> memref<4x128xi32, #tpu.memory_space<hbm>>
      tpu.enqueue_dma source(%dma_start3A_176 : memref<4x128xi32, #tpu.memory_space<hbm>>) target(%arg9 : memref<4x128xi32, #tpu.memory_space<vmem>>) target_semaphore(%run_scoped3A : memref<!tpu.dma_semaphore, #tpu.memory_space<semaphore_mem>>)
      %dma_wait3A_177 = arith.constant 0 : i32
      %dma_wait3A_178 = tpu.memref_slice %arg3[%mul3A_6, %dma_wait3A_177] : memref<128x128xi32, #tpu.memory_space<hbm>> -> memref<4x128xi32, #tpu.memory_space<hbm>>
      %dma_wait3A_179 = arith.constant 0 : i32
      %dma_wait3A_180 = tpu.memref_slice %arg3[%mul3A_6, %dma_wait3A_179] : memref<128x128xi32, #tpu.memory_space<hbm>> -> memref<4x128xi32, #tpu.memory_space<hbm>>
      tpu.wait_dma2 semaphore(%run_scoped3A : memref<!tpu.dma_semaphore, #tpu.memory_space<semaphore_mem>>) src(%dma_wait3A_180 : memref<4x128xi32, #tpu.memory_space<hbm>>) dst(%arg9 : memref<4x128xi32, #tpu.memory_space<vmem>>)
      tpu.yield
    }) : () -> ()
    %dma_start3A = arith.constant 0 : i32
    %dma_start3A_7 = arith.constant 0 : i32
    %dma_start3A_8 = arith.constant 0 : i32
    %dma_start3A_9 = tpu.memref_slice %arg10[%dma_start3A_7, %dma_start3A_8] : memref<256x128xf32, #tpu.memory_space<vmem>> -> memref<128x128xf32, #tpu.memory_space<vmem>>
    %dma_start3A_10 = arith.constant 0 : i32
    %dma_start3A_11 = tpu.memref_slice %arg8[%dma_start3A, %dma_start3A_10] : memref<4x128xi32, #tpu.memory_space<vmem>> -> memref<1x128xi32, #tpu.memory_space<vmem>>
    %dma_start3A_12 = tpu.memref_squeeze %dma_start3A_11 : memref<1x128xi32, #tpu.memory_space<vmem>> -> memref<128xi32, #tpu.memory_space<vmem>>
    %dma_start3A_13 = arith.constant 0 : i32
    %dma_start3A_14 = arith.constant 0 : i32
    %dma_start3A_15 = tpu.memref_slice %arg4[%dma_start3A_13, %dma_start3A_14] : memref<253952x128xf32, #tpu.memory_space<hbm>> -> memref<253952x128xf32, #tpu.memory_space<hbm>>
    tpu.enqueue_indirect_dma source(%dma_start3A_15 : memref<253952x128xf32, #tpu.memory_space<hbm>>) target(%dma_start3A_9 : memref<128x128xf32, #tpu.memory_space<vmem>>) offsets(%dma_start3A_12 : memref<128xi32, #tpu.memory_space<vmem>>) semaphore(%arg12 : memref<!tpu.dma_semaphore, #tpu.memory_space<semaphore_mem>>)
    %dma_start3A_16 = arith.constant 0 : i32
    %dma_start3A_17 = arith.constant 0 : i32
    %dma_start3A_18 = arith.constant 0 : i32
    %dma_start3A_19 = tpu.memref_slice %arg11[%dma_start3A_17, %dma_start3A_18] : memref<256x128xf32, #tpu.memory_space<vmem>> -> memref<128x128xf32, #tpu.memory_space<vmem>>
    %dma_start3A_20 = arith.constant 0 : i32
    %dma_start3A_21 = tpu.memref_slice %arg9[%dma_start3A_16, %dma_start3A_20] : memref<4x128xi32, #tpu.memory_space<vmem>> -> memref<1x128xi32, #tpu.memory_space<vmem>>
    %dma_start3A_22 = tpu.memref_squeeze %dma_start3A_21 : memref<1x128xi32, #tpu.memory_space<vmem>> -> memref<128xi32, #tpu.memory_space<vmem>>
    %dma_start3A_23 = arith.constant 0 : i32
    %dma_start3A_24 = arith.constant 0 : i32
    %dma_start3A_25 = tpu.memref_slice %arg5[%dma_start3A_23, %dma_start3A_24] : memref<253952x128xf32, #tpu.memory_space<hbm>> -> memref<253952x128xf32, #tpu.memory_space<hbm>>
    tpu.enqueue_indirect_dma source(%dma_start3A_25 : memref<253952x128xf32, #tpu.memory_space<hbm>>) target(%dma_start3A_19 : memref<128x128xf32, #tpu.memory_space<vmem>>) offsets(%dma_start3A_22 : memref<128xi32, #tpu.memory_space<vmem>>) semaphore(%arg13 : memref<!tpu.dma_semaphore, #tpu.memory_space<semaphore_mem>>)
    %dma_start3A_26 = arith.constant 1 : i32
    %dma_start3A_27 = arith.constant 128 : i32
    %dma_start3A_28 = arith.constant 0 : i32
    %dma_start3A_29 = tpu.memref_slice %arg10[%dma_start3A_27, %dma_start3A_28] : memref<256x128xf32, #tpu.memory_space<vmem>> -> memref<128x128xf32, #tpu.memory_space<vmem>>
    %dma_start3A_30 = arith.constant 0 : i32
    %dma_start3A_31 = tpu.memref_slice %arg8[%dma_start3A_26, %dma_start3A_30] : memref<4x128xi32, #tpu.memory_space<vmem>> -> memref<1x128xi32, #tpu.memory_space<vmem>>
    %dma_start3A_32 = tpu.memref_squeeze %dma_start3A_31 : memref<1x128xi32, #tpu.memory_space<vmem>> -> memref<128xi32, #tpu.memory_space<vmem>>
    %dma_start3A_33 = arith.constant 0 : i32
    %dma_start3A_34 = arith.constant 0 : i32
    %dma_start3A_35 = tpu.memref_slice %arg4[%dma_start3A_33, %dma_start3A_34] : memref<253952x128xf32, #tpu.memory_space<hbm>> -> memref<253952x128xf32, #tpu.memory_space<hbm>>
    tpu.enqueue_indirect_dma source(%dma_start3A_35 : memref<253952x128xf32, #tpu.memory_space<hbm>>) target(%dma_start3A_29 : memref<128x128xf32, #tpu.memory_space<vmem>>) offsets(%dma_start3A_32 : memref<128xi32, #tpu.memory_space<vmem>>) semaphore(%arg12 : memref<!tpu.dma_semaphore, #tpu.memory_space<semaphore_mem>>)
    %dma_start3A_36 = arith.constant 1 : i32
    %dma_start3A_37 = arith.constant 128 : i32
    %dma_start3A_38 = arith.constant 0 : i32
    %dma_start3A_39 = tpu.memref_slice %arg11[%dma_start3A_37, %dma_start3A_38] : memref<256x128xf32, #tpu.memory_space<vmem>> -> memref<128x128xf32, #tpu.memory_space<vmem>>
    %dma_start3A_40 = arith.constant 0 : i32
    %dma_start3A_41 = tpu.memref_slice %arg9[%dma_start3A_36, %dma_start3A_40] : memref<4x128xi32, #tpu.memory_space<vmem>> -> memref<1x128xi32, #tpu.memory_space<vmem>>
    %dma_start3A_42 = tpu.memref_squeeze %dma_start3A_41 : memref<1x128xi32, #tpu.memory_space<vmem>> -> memref<128xi32, #tpu.memory_space<vmem>>
    %dma_start3A_43 = arith.constant 0 : i32
    %dma_start3A_44 = arith.constant 0 : i32
    %dma_start3A_45 = tpu.memref_slice %arg5[%dma_start3A_43, %dma_start3A_44] : memref<253952x128xf32, #tpu.memory_space<hbm>> -> memref<253952x128xf32, #tpu.memory_space<hbm>>
    tpu.enqueue_indirect_dma source(%dma_start3A_45 : memref<253952x128xf32, #tpu.memory_space<hbm>>) target(%dma_start3A_39 : memref<128x128xf32, #tpu.memory_space<vmem>>) offsets(%dma_start3A_42 : memref<128xi32, #tpu.memory_space<vmem>>) semaphore(%arg13 : memref<!tpu.dma_semaphore, #tpu.memory_space<semaphore_mem>>)
    %dma_wait3A = arith.constant 0 : i32
    %dma_wait3A_46 = arith.constant 0 : i32
    %dma_wait3A_47 = arith.constant 0 : i32
    %dma_wait3A_48 = tpu.memref_slice %arg10[%dma_wait3A_46, %dma_wait3A_47] : memref<256x128xf32, #tpu.memory_space<vmem>> -> memref<128x128xf32, #tpu.memory_space<vmem>>
    %dma_wait3A_49 = arith.constant 0 : i32
    %dma_wait3A_50 = tpu.memref_slice %arg8[%dma_wait3A, %dma_wait3A_49] : memref<4x128xi32, #tpu.memory_space<vmem>> -> memref<1x128xi32, #tpu.memory_space<vmem>>
    %dma_wait3A_51 = tpu.memref_squeeze %dma_wait3A_50 : memref<1x128xi32, #tpu.memory_space<vmem>> -> memref<128xi32, #tpu.memory_space<vmem>>
    %dma_wait3A_52 = arith.constant 0 : i32
    %dma_wait3A_53 = arith.constant 0 : i32
    %dma_wait3A_54 = tpu.memref_slice %arg4[%dma_wait3A_52, %dma_wait3A_53] : memref<253952x128xf32, #tpu.memory_space<hbm>> -> memref<253952x128xf32, #tpu.memory_space<hbm>>
    tpu.wait_indirect_dma semaphore(%arg12 : memref<!tpu.dma_semaphore, #tpu.memory_space<semaphore_mem>>) src(%dma_wait3A_54 : memref<253952x128xf32, #tpu.memory_space<hbm>>) dst(%dma_wait3A_48 : memref<128x128xf32, #tpu.memory_space<vmem>>)
    %dma_wait3A_55 = arith.constant 0 : i32
    %dma_wait3A_56 = arith.constant 0 : i32
    %dma_wait3A_57 = arith.constant 0 : i32
    %dma_wait3A_58 = tpu.memref_slice %arg11[%dma_wait3A_56, %dma_wait3A_57] : memref<256x128xf32, #tpu.memory_space<vmem>> -> memref<128x128xf32, #tpu.memory_space<vmem>>
    %dma_wait3A_59 = arith.constant 0 : i32
    %dma_wait3A_60 = tpu.memref_slice %arg9[%dma_wait3A_55, %dma_wait3A_59] : memref<4x128xi32, #tpu.memory_space<vmem>> -> memref<1x128xi32, #tpu.memory_space<vmem>>
    %dma_wait3A_61 = tpu.memref_squeeze %dma_wait3A_60 : memref<1x128xi32, #tpu.memory_space<vmem>> -> memref<128xi32, #tpu.memory_space<vmem>>
    %dma_wait3A_62 = arith.constant 0 : i32
    %dma_wait3A_63 = arith.constant 0 : i32
    %dma_wait3A_64 = tpu.memref_slice %arg5[%dma_wait3A_62, %dma_wait3A_63] : memref<253952x128xf32, #tpu.memory_space<hbm>> -> memref<253952x128xf32, #tpu.memory_space<hbm>>
    tpu.wait_indirect_dma semaphore(%arg13 : memref<!tpu.dma_semaphore, #tpu.memory_space<semaphore_mem>>) src(%dma_wait3A_64 : memref<253952x128xf32, #tpu.memory_space<hbm>>) dst(%dma_wait3A_58 : memref<128x128xf32, #tpu.memory_space<vmem>>)
    %dma_wait3A_65 = arith.constant 1 : i32
    %dma_wait3A_66 = arith.constant 128 : i32
    %dma_wait3A_67 = arith.constant 0 : i32
    %dma_wait3A_68 = tpu.memref_slice %arg10[%dma_wait3A_66, %dma_wait3A_67] : memref<256x128xf32, #tpu.memory_space<vmem>> -> memref<128x128xf32, #tpu.memory_space<vmem>>
    %dma_wait3A_69 = arith.constant 0 : i32
    %dma_wait3A_70 = tpu.memref_slice %arg8[%dma_wait3A_65, %dma_wait3A_69] : memref<4x128xi32, #tpu.memory_space<vmem>> -> memref<1x128xi32, #tpu.memory_space<vmem>>
    %dma_wait3A_71 = tpu.memref_squeeze %dma_wait3A_70 : memref<1x128xi32, #tpu.memory_space<vmem>> -> memref<128xi32, #tpu.memory_space<vmem>>
    %dma_wait3A_72 = arith.constant 0 : i32
    %dma_wait3A_73 = arith.constant 0 : i32
    %dma_wait3A_74 = tpu.memref_slice %arg4[%dma_wait3A_72, %dma_wait3A_73] : memref<253952x128xf32, #tpu.memory_space<hbm>> -> memref<253952x128xf32, #tpu.memory_space<hbm>>
    tpu.wait_indirect_dma semaphore(%arg12 : memref<!tpu.dma_semaphore, #tpu.memory_space<semaphore_mem>>) src(%dma_wait3A_74 : memref<253952x128xf32, #tpu.memory_space<hbm>>) dst(%dma_wait3A_68 : memref<128x128xf32, #tpu.memory_space<vmem>>)
    %dma_wait3A_75 = arith.constant 1 : i32
    %dma_wait3A_76 = arith.constant 128 : i32
    %dma_wait3A_77 = arith.constant 0 : i32
    %dma_wait3A_78 = tpu.memref_slice %arg11[%dma_wait3A_76, %dma_wait3A_77] : memref<256x128xf32, #tpu.memory_space<vmem>> -> memref<128x128xf32, #tpu.memory_space<vmem>>
    %dma_wait3A_79 = arith.constant 0 : i32
    %dma_wait3A_80 = tpu.memref_slice %arg9[%dma_wait3A_75, %dma_wait3A_79] : memref<4x128xi32, #tpu.memory_space<vmem>> -> memref<1x128xi32, #tpu.memory_space<vmem>>
    %dma_wait3A_81 = tpu.memref_squeeze %dma_wait3A_80 : memref<1x128xi32, #tpu.memory_space<vmem>> -> memref<128xi32, #tpu.memory_space<vmem>>
    %dma_wait3A_82 = arith.constant 0 : i32
    %dma_wait3A_83 = arith.constant 0 : i32
    %dma_wait3A_84 = tpu.memref_slice %arg5[%dma_wait3A_82, %dma_wait3A_83] : memref<253952x128xf32, #tpu.memory_space<hbm>> -> memref<253952x128xf32, #tpu.memory_space<hbm>>
    tpu.wait_indirect_dma semaphore(%arg13 : memref<!tpu.dma_semaphore, #tpu.memory_space<semaphore_mem>>) src(%dma_wait3A_84 : memref<253952x128xf32, #tpu.memory_space<hbm>>) dst(%dma_wait3A_78 : memref<128x128xf32, #tpu.memory_space<vmem>>)
    %add3A_85 = arith.constant 0 : i32
    %add3A_86 = arith.addi %mul3A_2, %add3A_85 : i32
    "tpu.region"() ({
      %run_scoped3A = tpu.sem_alloc : memref<!tpu.dma_semaphore, #tpu.memory_space<semaphore_mem>>
      %dma_start3A_173 = arith.constant 0 : i32
      %dma_start3A_174 = tpu.memref_slice %arg6[%add3A_86, %dma_start3A_173] : memref<16384x128xf32, #tpu.memory_space<hbm>> -> memref<256x128xf32, #tpu.memory_space<hbm>>
      %dma_start3A_175 = arith.constant 0 : i32
      %dma_start3A_176 = tpu.memref_slice %arg6[%add3A_86, %dma_start3A_175] : memref<16384x128xf32, #tpu.memory_space<hbm>> -> memref<256x128xf32, #tpu.memory_space<hbm>>
      tpu.enqueue_dma source(%arg10 : memref<256x128xf32, #tpu.memory_space<vmem>>) target(%dma_start3A_176 : memref<256x128xf32, #tpu.memory_space<hbm>>) target_semaphore(%run_scoped3A : memref<!tpu.dma_semaphore, #tpu.memory_space<semaphore_mem>>)
      %dma_wait3A_177 = arith.constant 0 : i32
      %dma_wait3A_178 = tpu.memref_slice %arg6[%add3A_86, %dma_wait3A_177] : memref<16384x128xf32, #tpu.memory_space<hbm>> -> memref<256x128xf32, #tpu.memory_space<hbm>>
      %dma_wait3A_179 = arith.constant 0 : i32
      %dma_wait3A_180 = tpu.memref_slice %arg6[%add3A_86, %dma_wait3A_179] : memref<16384x128xf32, #tpu.memory_space<hbm>> -> memref<256x128xf32, #tpu.memory_space<hbm>>
      tpu.wait_dma2 semaphore(%run_scoped3A : memref<!tpu.dma_semaphore, #tpu.memory_space<semaphore_mem>>) src(%arg10 : memref<256x128xf32, #tpu.memory_space<vmem>>) dst(%dma_wait3A_180 : memref<256x128xf32, #tpu.memory_space<hbm>>)
      tpu.yield
    }) : () -> ()
    %add3A_87 = arith.constant 0 : i32
    %add3A_88 = arith.addi %mul3A_2, %add3A_87 : i32
    "tpu.region"() ({
      %run_scoped3A = tpu.sem_alloc : memref<!tpu.dma_semaphore, #tpu.memory_space<semaphore_mem>>
      %dma_start3A_173 = arith.constant 0 : i32
      %dma_start3A_174 = tpu.memref_slice %arg7[%add3A_88, %dma_start3A_173] : memref<16384x128xf32, #tpu.memory_space<hbm>> -> memref<256x128xf32, #tpu.memory_space<hbm>>
      %dma_start3A_175 = arith.constant 0 : i32
      %dma_start3A_176 = tpu.memref_slice %arg7[%add3A_88, %dma_start3A_175] : memref<16384x128xf32, #tpu.memory_space<hbm>> -> memref<256x128xf32, #tpu.memory_space<hbm>>
      tpu.enqueue_dma source(%arg11 : memref<256x128xf32, #tpu.memory_space<vmem>>) target(%dma_start3A_176 : memref<256x128xf32, #tpu.memory_space<hbm>>) target_semaphore(%run_scoped3A : memref<!tpu.dma_semaphore, #tpu.memory_space<semaphore_mem>>)
      %dma_wait3A_177 = arith.constant 0 : i32
      %dma_wait3A_178 = tpu.memref_slice %arg7[%add3A_88, %dma_wait3A_177] : memref<16384x128xf32, #tpu.memory_space<hbm>> -> memref<256x128xf32, #tpu.memory_space<hbm>>
      %dma_wait3A_179 = arith.constant 0 : i32
      %dma_wait3A_180 = tpu.memref_slice %arg7[%add3A_88, %dma_wait3A_179] : memref<16384x128xf32, #tpu.memory_space<hbm>> -> memref<256x128xf32, #tpu.memory_space<hbm>>
      tpu.wait_dma2 semaphore(%run_scoped3A : memref<!tpu.dma_semaphore, #tpu.memory_space<semaphore_mem>>) src(%arg11 : memref<256x128xf32, #tpu.memory_space<vmem>>) dst(%dma_wait3A_180 : memref<256x128xf32, #tpu.memory_space<hbm>>)
      tpu.yield
    }) : () -> ()
    %dma_start3A_89 = arith.constant 2 : i32
    %dma_start3A_90 = arith.constant 0 : i32
    %dma_start3A_91 = arith.constant 0 : i32
    %dma_start3A_92 = tpu.memref_slice %arg10[%dma_start3A_90, %dma_start3A_91] : memref<256x128xf32, #tpu.memory_space<vmem>> -> memref<128x128xf32, #tpu.memory_space<vmem>>
    %dma_start3A_93 = arith.constant 0 : i32
    %dma_start3A_94 = tpu.memref_slice %arg8[%dma_start3A_89, %dma_start3A_93] : memref<4x128xi32, #tpu.memory_space<vmem>> -> memref<1x128xi32, #tpu.memory_space<vmem>>
    %dma_start3A_95 = tpu.memref_squeeze %dma_start3A_94 : memref<1x128xi32, #tpu.memory_space<vmem>> -> memref<128xi32, #tpu.memory_space<vmem>>
    %dma_start3A_96 = arith.constant 0 : i32
    %dma_start3A_97 = arith.constant 0 : i32
    %dma_start3A_98 = tpu.memref_slice %arg4[%dma_start3A_96, %dma_start3A_97] : memref<253952x128xf32, #tpu.memory_space<hbm>> -> memref<253952x128xf32, #tpu.memory_space<hbm>>
    tpu.enqueue_indirect_dma source(%dma_start3A_98 : memref<253952x128xf32, #tpu.memory_space<hbm>>) target(%dma_start3A_92 : memref<128x128xf32, #tpu.memory_space<vmem>>) offsets(%dma_start3A_95 : memref<128xi32, #tpu.memory_space<vmem>>) semaphore(%arg12 : memref<!tpu.dma_semaphore, #tpu.memory_space<semaphore_mem>>)
    %dma_start3A_99 = arith.constant 2 : i32
    %dma_start3A_100 = arith.constant 0 : i32
    %dma_start3A_101 = arith.constant 0 : i32
    %dma_start3A_102 = tpu.memref_slice %arg11[%dma_start3A_100, %dma_start3A_101] : memref<256x128xf32, #tpu.memory_space<vmem>> -> memref<128x128xf32, #tpu.memory_space<vmem>>
    %dma_start3A_103 = arith.constant 0 : i32
    %dma_start3A_104 = tpu.memref_slice %arg9[%dma_start3A_99, %dma_start3A_103] : memref<4x128xi32, #tpu.memory_space<vmem>> -> memref<1x128xi32, #tpu.memory_space<vmem>>
    %dma_start3A_105 = tpu.memref_squeeze %dma_start3A_104 : memref<1x128xi32, #tpu.memory_space<vmem>> -> memref<128xi32, #tpu.memory_space<vmem>>
    %dma_start3A_106 = arith.constant 0 : i32
    %dma_start3A_107 = arith.constant 0 : i32
    %dma_start3A_108 = tpu.memref_slice %arg5[%dma_start3A_106, %dma_start3A_107] : memref<253952x128xf32, #tpu.memory_space<hbm>> -> memref<253952x128xf32, #tpu.memory_space<hbm>>
    tpu.enqueue_indirect_dma source(%dma_start3A_108 : memref<253952x128xf32, #tpu.memory_space<hbm>>) target(%dma_start3A_102 : memref<128x128xf32, #tpu.memory_space<vmem>>) offsets(%dma_start3A_105 : memref<128xi32, #tpu.memory_space<vmem>>) semaphore(%arg13 : memref<!tpu.dma_semaphore, #tpu.memory_space<semaphore_mem>>)
    %dma_start3A_109 = arith.constant 3 : i32
    %dma_start3A_110 = arith.constant 128 : i32
    %dma_start3A_111 = arith.constant 0 : i32
    %dma_start3A_112 = tpu.memref_slice %arg10[%dma_start3A_110, %dma_start3A_111] : memref<256x128xf32, #tpu.memory_space<vmem>> -> memref<128x128xf32, #tpu.memory_space<vmem>>
    %dma_start3A_113 = arith.constant 0 : i32
    %dma_start3A_114 = tpu.memref_slice %arg8[%dma_start3A_109, %dma_start3A_113] : memref<4x128xi32, #tpu.memory_space<vmem>> -> memref<1x128xi32, #tpu.memory_space<vmem>>
    %dma_start3A_115 = tpu.memref_squeeze %dma_start3A_114 : memref<1x128xi32, #tpu.memory_space<vmem>> -> memref<128xi32, #tpu.memory_space<vmem>>
    %dma_start3A_116 = arith.constant 0 : i32
    %dma_start3A_117 = arith.constant 0 : i32
    %dma_start3A_118 = tpu.memref_slice %arg4[%dma_start3A_116, %dma_start3A_117] : memref<253952x128xf32, #tpu.memory_space<hbm>> -> memref<253952x128xf32, #tpu.memory_space<hbm>>
    tpu.enqueue_indirect_dma source(%dma_start3A_118 : memref<253952x128xf32, #tpu.memory_space<hbm>>) target(%dma_start3A_112 : memref<128x128xf32, #tpu.memory_space<vmem>>) offsets(%dma_start3A_115 : memref<128xi32, #tpu.memory_space<vmem>>) semaphore(%arg12 : memref<!tpu.dma_semaphore, #tpu.memory_space<semaphore_mem>>)
    %dma_start3A_119 = arith.constant 3 : i32
    %dma_start3A_120 = arith.constant 128 : i32
    %dma_start3A_121 = arith.constant 0 : i32
    %dma_start3A_122 = tpu.memref_slice %arg11[%dma_start3A_120, %dma_start3A_121] : memref<256x128xf32, #tpu.memory_space<vmem>> -> memref<128x128xf32, #tpu.memory_space<vmem>>
    %dma_start3A_123 = arith.constant 0 : i32
    %dma_start3A_124 = tpu.memref_slice %arg9[%dma_start3A_119, %dma_start3A_123] : memref<4x128xi32, #tpu.memory_space<vmem>> -> memref<1x128xi32, #tpu.memory_space<vmem>>
    %dma_start3A_125 = tpu.memref_squeeze %dma_start3A_124 : memref<1x128xi32, #tpu.memory_space<vmem>> -> memref<128xi32, #tpu.memory_space<vmem>>
    %dma_start3A_126 = arith.constant 0 : i32
    %dma_start3A_127 = arith.constant 0 : i32
    %dma_start3A_128 = tpu.memref_slice %arg5[%dma_start3A_126, %dma_start3A_127] : memref<253952x128xf32, #tpu.memory_space<hbm>> -> memref<253952x128xf32, #tpu.memory_space<hbm>>
    tpu.enqueue_indirect_dma source(%dma_start3A_128 : memref<253952x128xf32, #tpu.memory_space<hbm>>) target(%dma_start3A_122 : memref<128x128xf32, #tpu.memory_space<vmem>>) offsets(%dma_start3A_125 : memref<128xi32, #tpu.memory_space<vmem>>) semaphore(%arg13 : memref<!tpu.dma_semaphore, #tpu.memory_space<semaphore_mem>>)
    %dma_wait3A_129 = arith.constant 2 : i32
    %dma_wait3A_130 = arith.constant 0 : i32
    %dma_wait3A_131 = arith.constant 0 : i32
    %dma_wait3A_132 = tpu.memref_slice %arg10[%dma_wait3A_130, %dma_wait3A_131] : memref<256x128xf32, #tpu.memory_space<vmem>> -> memref<128x128xf32, #tpu.memory_space<vmem>>
    %dma_wait3A_133 = arith.constant 0 : i32
    %dma_wait3A_134 = tpu.memref_slice %arg8[%dma_wait3A_129, %dma_wait3A_133] : memref<4x128xi32, #tpu.memory_space<vmem>> -> memref<1x128xi32, #tpu.memory_space<vmem>>
    %dma_wait3A_135 = tpu.memref_squeeze %dma_wait3A_134 : memref<1x128xi32, #tpu.memory_space<vmem>> -> memref<128xi32, #tpu.memory_space<vmem>>
    %dma_wait3A_136 = arith.constant 0 : i32
    %dma_wait3A_137 = arith.constant 0 : i32
    %dma_wait3A_138 = tpu.memref_slice %arg4[%dma_wait3A_136, %dma_wait3A_137] : memref<253952x128xf32, #tpu.memory_space<hbm>> -> memref<253952x128xf32, #tpu.memory_space<hbm>>
    tpu.wait_indirect_dma semaphore(%arg12 : memref<!tpu.dma_semaphore, #tpu.memory_space<semaphore_mem>>) src(%dma_wait3A_138 : memref<253952x128xf32, #tpu.memory_space<hbm>>) dst(%dma_wait3A_132 : memref<128x128xf32, #tpu.memory_space<vmem>>)
    %dma_wait3A_139 = arith.constant 2 : i32
    %dma_wait3A_140 = arith.constant 0 : i32
    %dma_wait3A_141 = arith.constant 0 : i32
    %dma_wait3A_142 = tpu.memref_slice %arg11[%dma_wait3A_140, %dma_wait3A_141] : memref<256x128xf32, #tpu.memory_space<vmem>> -> memref<128x128xf32, #tpu.memory_space<vmem>>
    %dma_wait3A_143 = arith.constant 0 : i32
    %dma_wait3A_144 = tpu.memref_slice %arg9[%dma_wait3A_139, %dma_wait3A_143] : memref<4x128xi32, #tpu.memory_space<vmem>> -> memref<1x128xi32, #tpu.memory_space<vmem>>
    %dma_wait3A_145 = tpu.memref_squeeze %dma_wait3A_144 : memref<1x128xi32, #tpu.memory_space<vmem>> -> memref<128xi32, #tpu.memory_space<vmem>>
    %dma_wait3A_146 = arith.constant 0 : i32
    %dma_wait3A_147 = arith.constant 0 : i32
    %dma_wait3A_148 = tpu.memref_slice %arg5[%dma_wait3A_146, %dma_wait3A_147] : memref<253952x128xf32, #tpu.memory_space<hbm>> -> memref<253952x128xf32, #tpu.memory_space<hbm>>
    tpu.wait_indirect_dma semaphore(%arg13 : memref<!tpu.dma_semaphore, #tpu.memory_space<semaphore_mem>>) src(%dma_wait3A_148 : memref<253952x128xf32, #tpu.memory_space<hbm>>) dst(%dma_wait3A_142 : memref<128x128xf32, #tpu.memory_space<vmem>>)
    %dma_wait3A_149 = arith.constant 3 : i32
    %dma_wait3A_150 = arith.constant 128 : i32
    %dma_wait3A_151 = arith.constant 0 : i32
    %dma_wait3A_152 = tpu.memref_slice %arg10[%dma_wait3A_150, %dma_wait3A_151] : memref<256x128xf32, #tpu.memory_space<vmem>> -> memref<128x128xf32, #tpu.memory_space<vmem>>
    %dma_wait3A_153 = arith.constant 0 : i32
    %dma_wait3A_154 = tpu.memref_slice %arg8[%dma_wait3A_149, %dma_wait3A_153] : memref<4x128xi32, #tpu.memory_space<vmem>> -> memref<1x128xi32, #tpu.memory_space<vmem>>
    %dma_wait3A_155 = tpu.memref_squeeze %dma_wait3A_154 : memref<1x128xi32, #tpu.memory_space<vmem>> -> memref<128xi32, #tpu.memory_space<vmem>>
    %dma_wait3A_156 = arith.constant 0 : i32
    %dma_wait3A_157 = arith.constant 0 : i32
    %dma_wait3A_158 = tpu.memref_slice %arg4[%dma_wait3A_156, %dma_wait3A_157] : memref<253952x128xf32, #tpu.memory_space<hbm>> -> memref<253952x128xf32, #tpu.memory_space<hbm>>
    tpu.wait_indirect_dma semaphore(%arg12 : memref<!tpu.dma_semaphore, #tpu.memory_space<semaphore_mem>>) src(%dma_wait3A_158 : memref<253952x128xf32, #tpu.memory_space<hbm>>) dst(%dma_wait3A_152 : memref<128x128xf32, #tpu.memory_space<vmem>>)
    %dma_wait3A_159 = arith.constant 3 : i32
    %dma_wait3A_160 = arith.constant 128 : i32
    %dma_wait3A_161 = arith.constant 0 : i32
    %dma_wait3A_162 = tpu.memref_slice %arg11[%dma_wait3A_160, %dma_wait3A_161] : memref<256x128xf32, #tpu.memory_space<vmem>> -> memref<128x128xf32, #tpu.memory_space<vmem>>
    %dma_wait3A_163 = arith.constant 0 : i32
    %dma_wait3A_164 = tpu.memref_slice %arg9[%dma_wait3A_159, %dma_wait3A_163] : memref<4x128xi32, #tpu.memory_space<vmem>> -> memref<1x128xi32, #tpu.memory_space<vmem>>
    %dma_wait3A_165 = tpu.memref_squeeze %dma_wait3A_164 : memref<1x128xi32, #tpu.memory_space<vmem>> -> memref<128xi32, #tpu.memory_space<vmem>>
    %dma_wait3A_166 = arith.constant 0 : i32
    %dma_wait3A_167 = arith.constant 0 : i32
    %dma_wait3A_168 = tpu.memref_slice %arg5[%dma_wait3A_166, %dma_wait3A_167] : memref<253952x128xf32, #tpu.memory_space<hbm>> -> memref<253952x128xf32, #tpu.memory_space<hbm>>
    tpu.wait_indirect_dma semaphore(%arg13 : memref<!tpu.dma_semaphore, #tpu.memory_space<semaphore_mem>>) src(%dma_wait3A_168 : memref<253952x128xf32, #tpu.memory_space<hbm>>) dst(%dma_wait3A_162 : memref<128x128xf32, #tpu.memory_space<vmem>>)
    %add3A_169 = arith.constant 256 : i32
    %add3A_170 = arith.addi %mul3A_2, %add3A_169 : i32
    "tpu.region"() ({
      %run_scoped3A = tpu.sem_alloc : memref<!tpu.dma_semaphore, #tpu.memory_space<semaphore_mem>>
      %dma_start3A_173 = arith.constant 0 : i32
      %dma_start3A_174 = tpu.memref_slice %arg6[%add3A_170, %dma_start3A_173] : memref<16384x128xf32, #tpu.memory_space<hbm>> -> memref<256x128xf32, #tpu.memory_space<hbm>>
      %dma_start3A_175 = arith.constant 0 : i32
      %dma_start3A_176 = tpu.memref_slice %arg6[%add3A_170, %dma_start3A_175] : memref<16384x128xf32, #tpu.memory_space<hbm>> -> memref<256x128xf32, #tpu.memory_space<hbm>>
      tpu.enqueue_dma source(%arg10 : memref<256x128xf32, #tpu.memory_space<vmem>>) target(%dma_start3A_176 : memref<256x128xf32, #tpu.memory_space<hbm>>) target_semaphore(%run_scoped3A : memref<!tpu.dma_semaphore, #tpu.memory_space<semaphore_mem>>)
      %dma_wait3A_177 = arith.constant 0 : i32
      %dma_wait3A_178 = tpu.memref_slice %arg6[%add3A_170, %dma_wait3A_177] : memref<16384x128xf32, #tpu.memory_space<hbm>> -> memref<256x128xf32, #tpu.memory_space<hbm>>
      %dma_wait3A_179 = arith.constant 0 : i32
      %dma_wait3A_180 = tpu.memref_slice %arg6[%add3A_170, %dma_wait3A_179] : memref<16384x128xf32, #tpu.memory_space<hbm>> -> memref<256x128xf32, #tpu.memory_space<hbm>>
      tpu.wait_dma2 semaphore(%run_scoped3A : memref<!tpu.dma_semaphore, #tpu.memory_space<semaphore_mem>>) src(%arg10 : memref<256x128xf32, #tpu.memory_space<vmem>>) dst(%dma_wait3A_180 : memref<256x128xf32, #tpu.memory_space<hbm>>)
      tpu.yield
    }) : () -> ()
    %add3A_171 = arith.constant 256 : i32
    %add3A_172 = arith.addi %mul3A_2, %add3A_171 : i32
    "tpu.region"() ({
      %run_scoped3A = tpu.sem_alloc : memref<!tpu.dma_semaphore, #tpu.memory_space<semaphore_mem>>
      %dma_start3A_173 = arith.constant 0 : i32
      %dma_start3A_174 = tpu.memref_slice %arg7[%add3A_172, %dma_start3A_173] : memref<16384x128xf32, #tpu.memory_space<hbm>> -> memref<256x128xf32, #tpu.memory_space<hbm>>
      %dma_start3A_175 = arith.constant 0 : i32
      %dma_start3A_176 = tpu.memref_slice %arg7[%add3A_172, %dma_start3A_175] : memref<16384x128xf32, #tpu.memory_space<hbm>> -> memref<256x128xf32, #tpu.memory_space<hbm>>
      tpu.enqueue_dma source(%arg11 : memref<256x128xf32, #tpu.memory_space<vmem>>) target(%dma_start3A_176 : memref<256x128xf32, #tpu.memory_space<hbm>>) target_semaphore(%run_scoped3A : memref<!tpu.dma_semaphore, #tpu.memory_space<semaphore_mem>>)
      %dma_wait3A_177 = arith.constant 0 : i32
      %dma_wait3A_178 = tpu.memref_slice %arg7[%add3A_172, %dma_wait3A_177] : memref<16384x128xf32, #tpu.memory_space<hbm>> -> memref<256x128xf32, #tpu.memory_space<hbm>>
      %dma_wait3A_179 = arith.constant 0 : i32
      %dma_wait3A_180 = tpu.memref_slice %arg7[%add3A_172, %dma_wait3A_179] : memref<16384x128xf32, #tpu.memory_space<hbm>> -> memref<256x128xf32, #tpu.memory_space<hbm>>
      tpu.wait_dma2 semaphore(%run_scoped3A : memref<!tpu.dma_semaphore, #tpu.memory_space<semaphore_mem>>) src(%arg11 : memref<256x128xf32, #tpu.memory_space<vmem>>) dst(%dma_wait3A_180 : memref<256x128xf32, #tpu.memory_space<hbm>>)
      tpu.yield
    }) : () -> ()
    return
  }
}

module attributes {stable_mosaic.version = 14 : i64} {
  func.func @_transp_body(%arg0: i32, %arg1: memref<32x32768xf32, #tpu.memory_space<vmem>>, %arg2: memref<32x32768xf32, #tpu.memory_space<vmem>>, %arg3: memref<8192x128xf32, #tpu.memory_space<vmem>>, %arg4: memref<8192x128xf32, #tpu.memory_space<vmem>>) attributes {dimension_semantics = [#tpu.dimension_semantics<arbitrary>], iteration_bounds = array<i64: 31>, scalar_prefetch = 0 : i64, scratch_operands = 0 : i64, tpu.core_type = #tpu.core_type<tc>, window_params = [{transform_indices = @transform_0, window_bounds = array<i64: 32, 32768>}, {transform_indices = @transform_1, window_bounds = array<i64: 32, 32768>}, {transform_indices = @transform_2, window_bounds = array<i64: 8192, 128>}, {transform_indices = @transform_3, window_bounds = array<i64: 8192, 128>}]} {
    %get3A = arith.constant 0 : index
    %get3A_0 = arith.constant 0 : index
    %get3A_1 = vector.load %arg1[%get3A, %get3A_0] : memref<32x32768xf32, #tpu.memory_space<vmem>>, vector<32x32768xf32>
    %get3A_2 = arith.constant 0 : index
    %get3A_3 = arith.constant 0 : index
    %get3A_4 = vector.load %arg2[%get3A_2, %get3A_3] : memref<32x32768xf32, #tpu.memory_space<vmem>>, vector<32x32768xf32>
    %iota3A = tpu.iota {dimensions = array<i32: 0>} : vector<32x128xi32>
    %iota3A_5 = tpu.iota {dimensions = array<i32: 1>} : vector<32x128xi32>
    %add3A = arith.constant 0 : i32
    %add3A_6 = vector.broadcast %add3A : i32 to vector<32x128xi32>
    %add3A_7 = arith.addi %iota3A, %add3A_6 : vector<32x128xi32>
    %eq3A = arith.cmpi eq, %iota3A_5, %add3A_7 : vector<32x128xi32>
    %convert_element_type3A = arith.extui %eq3A : vector<32x128xi1> to vector<32x128xi32>
    %convert_element_type3A_8 = arith.sitofp %convert_element_type3A : vector<32x128xi32> to vector<32x128xf32>
    %add3A_9 = arith.constant 32 : i32
    %add3A_10 = vector.broadcast %add3A_9 : i32 to vector<32x128xi32>
    %add3A_11 = arith.addi %iota3A, %add3A_10 : vector<32x128xi32>
    %eq3A_12 = arith.cmpi eq, %iota3A_5, %add3A_11 : vector<32x128xi32>
    %convert_element_type3A_13 = arith.extui %eq3A_12 : vector<32x128xi1> to vector<32x128xi32>
    %convert_element_type3A_14 = arith.sitofp %convert_element_type3A_13 : vector<32x128xi32> to vector<32x128xf32>
    %add3A_15 = arith.constant 64 : i32
    %add3A_16 = vector.broadcast %add3A_15 : i32 to vector<32x128xi32>
    %add3A_17 = arith.addi %iota3A, %add3A_16 : vector<32x128xi32>
    %eq3A_18 = arith.cmpi eq, %iota3A_5, %add3A_17 : vector<32x128xi32>
    %convert_element_type3A_19 = arith.extui %eq3A_18 : vector<32x128xi1> to vector<32x128xi32>
    %convert_element_type3A_20 = arith.sitofp %convert_element_type3A_19 : vector<32x128xi32> to vector<32x128xf32>
    %add3A_21 = arith.constant 96 : i32
    %add3A_22 = vector.broadcast %add3A_21 : i32 to vector<32x128xi32>
    %add3A_23 = arith.addi %iota3A, %add3A_22 : vector<32x128xi32>
    %eq3A_24 = arith.cmpi eq, %iota3A_5, %add3A_23 : vector<32x128xi32>
    %convert_element_type3A_25 = arith.extui %eq3A_24 : vector<32x128xi1> to vector<32x128xi32>
    %convert_element_type3A_26 = arith.sitofp %convert_element_type3A_25 : vector<32x128xi32> to vector<32x128xf32>
    %broadcast_in_dim3A = arith.constant 0.000000e+00 : f32
    %broadcast_in_dim3A_27 = vector.broadcast %broadcast_in_dim3A : f32 to vector<256x128xf32>
    %broadcast_in_dim3A_28 = arith.constant 0.000000e+00 : f32
    %broadcast_in_dim3A_29 = vector.broadcast %broadcast_in_dim3A_28 : f32 to vector<256x128xf32>
    %slice3A = vector.extract_strided_slice %get3A_1 {offsets = [0, 0], sizes = [32, 256], strides = [1, 1]} : vector<32x32768xf32> to vector<32x256xf32>
    %dot_general3A = arith.constant dense<0.000000e+00> : vector<256x128xf32>
    %dot_general3A_30 = tpu.matmul %slice3A, %convert_element_type3A_8, %dot_general3A {dimension_numbers = #tpu.dot_dimension_numbers<[0], [0], [1], [1], [0, 1, 1, 1], [], []>, transpose_lhs_hint = true} : vector<32x256xf32>, vector<32x128xf32>, vector<256x128xf32> -> vector<256x128xf32>
    %add3A_31 = arith.addf %broadcast_in_dim3A_27, %dot_general3A_30 : vector<256x128xf32>
    %slice3A_32 = vector.extract_strided_slice %get3A_4 {offsets = [0, 0], sizes = [32, 256], strides = [1, 1]} : vector<32x32768xf32> to vector<32x256xf32>
    %dot_general3A_33 = arith.constant dense<0.000000e+00> : vector<256x128xf32>
    %dot_general3A_34 = tpu.matmul %slice3A_32, %convert_element_type3A_8, %dot_general3A_33 {dimension_numbers = #tpu.dot_dimension_numbers<[0], [0], [1], [1], [0, 1, 1, 1], [], []>, transpose_lhs_hint = true} : vector<32x256xf32>, vector<32x128xf32>, vector<256x128xf32> -> vector<256x128xf32>
    %add3A_35 = arith.addf %broadcast_in_dim3A_29, %dot_general3A_34 : vector<256x128xf32>
    %slice3A_36 = vector.extract_strided_slice %get3A_1 {offsets = [0, 256], sizes = [32, 256], strides = [1, 1]} : vector<32x32768xf32> to vector<32x256xf32>
    %dot_general3A_37 = arith.constant dense<0.000000e+00> : vector<256x128xf32>
    %dot_general3A_38 = tpu.matmul %slice3A_36, %convert_element_type3A_14, %dot_general3A_37 {dimension_numbers = #tpu.dot_dimension_numbers<[0], [0], [1], [1], [0, 1, 1, 1], [], []>, transpose_lhs_hint = true} : vector<32x256xf32>, vector<32x128xf32>, vector<256x128xf32> -> vector<256x128xf32>
    %add3A_39 = arith.addf %add3A_31, %dot_general3A_38 : vector<256x128xf32>
    %slice3A_40 = vector.extract_strided_slice %get3A_4 {offsets = [0, 256], sizes = [32, 256], strides = [1, 1]} : vector<32x32768xf32> to vector<32x256xf32>
    %dot_general3A_41 = arith.constant dense<0.000000e+00> : vector<256x128xf32>
    %dot_general3A_42 = tpu.matmul %slice3A_40, %convert_element_type3A_14, %dot_general3A_41 {dimension_numbers = #tpu.dot_dimension_numbers<[0], [0], [1], [1], [0, 1, 1, 1], [], []>, transpose_lhs_hint = true} : vector<32x256xf32>, vector<32x128xf32>, vector<256x128xf32> -> vector<256x128xf32>
    %add3A_43 = arith.addf %add3A_35, %dot_general3A_42 : vector<256x128xf32>
    %slice3A_44 = vector.extract_strided_slice %get3A_1 {offsets = [0, 512], sizes = [32, 256], strides = [1, 1]} : vector<32x32768xf32> to vector<32x256xf32>
    %dot_general3A_45 = arith.constant dense<0.000000e+00> : vector<256x128xf32>
    %dot_general3A_46 = tpu.matmul %slice3A_44, %convert_element_type3A_20, %dot_general3A_45 {dimension_numbers = #tpu.dot_dimension_numbers<[0], [0], [1], [1], [0, 1, 1, 1], [], []>, transpose_lhs_hint = true} : vector<32x256xf32>, vector<32x128xf32>, vector<256x128xf32> -> vector<256x128xf32>
    %add3A_47 = arith.addf %add3A_39, %dot_general3A_46 : vector<256x128xf32>
    %slice3A_48 = vector.extract_strided_slice %get3A_4 {offsets = [0, 512], sizes = [32, 256], strides = [1, 1]} : vector<32x32768xf32> to vector<32x256xf32>
    %dot_general3A_49 = arith.constant dense<0.000000e+00> : vector<256x128xf32>
    %dot_general3A_50 = tpu.matmul %slice3A_48, %convert_element_type3A_20, %dot_general3A_49 {dimension_numbers = #tpu.dot_dimension_numbers<[0], [0], [1], [1], [0, 1, 1, 1], [], []>, transpose_lhs_hint = true} : vector<32x256xf32>, vector<32x128xf32>, vector<256x128xf32> -> vector<256x128xf32>
    %add3A_51 = arith.addf %add3A_43, %dot_general3A_50 : vector<256x128xf32>
    %slice3A_52 = vector.extract_strided_slice %get3A_1 {offsets = [0, 768], sizes = [32, 256], strides = [1, 1]} : vector<32x32768xf32> to vector<32x256xf32>
    %dot_general3A_53 = arith.constant dense<0.000000e+00> : vector<256x128xf32>
    %dot_general3A_54 = tpu.matmul %slice3A_52, %convert_element_type3A_26, %dot_general3A_53 {dimension_numbers = #tpu.dot_dimension_numbers<[0], [0], [1], [1], [0, 1, 1, 1], [], []>, transpose_lhs_hint = true} : vector<32x256xf32>, vector<32x128xf32>, vector<256x128xf32> -> vector<256x128xf32>
    %add3A_55 = arith.addf %add3A_47, %dot_general3A_54 : vector<256x128xf32>
    %slice3A_56 = vector.extract_strided_slice %get3A_4 {offsets = [0, 768], sizes = [32, 256], strides = [1, 1]} : vector<32x32768xf32> to vector<32x256xf32>
    %dot_general3A_57 = arith.constant dense<0.000000e+00> : vector<256x128xf32>
    %dot_general3A_58 = tpu.matmul %slice3A_56, %convert_element_type3A_26, %dot_general3A_57 {dimension_numbers = #tpu.dot_dimension_numbers<[0], [0], [1], [1], [0, 1, 1, 1], [], []>, transpose_lhs_hint = true} : vector<32x256xf32>, vector<32x128xf32>, vector<256x128xf32> -> vector<256x128xf32>
    %add3A_59 = arith.addf %add3A_51, %dot_general3A_58 : vector<256x128xf32>
    %swap3A = arith.constant 0 : index
    %swap3A_60 = arith.constant 0 : index
    %swap3A_61 = vector.load %arg3[%swap3A, %swap3A_60] : memref<8192x128xf32, #tpu.memory_space<vmem>>, vector<256x128xf32>
    tpu.vector_store %arg3[%swap3A, %swap3A_60], %add3A_55 {strides = array<i32>} : memref<8192x128xf32, #tpu.memory_space<vmem>>, vector<256x128xf32>,
    %swap3A_62 = arith.constant 0 : index
    %swap3A_63 = arith.constant 0 : index
    %swap3A_64 = vector.load %arg4[%swap3A_62, %swap3A_63] : memref<8192x128xf32, #tpu.memory_space<vmem>>, vector<256x128xf32>
    tpu.vector_store %arg4[%swap3A_62, %swap3A_63], %add3A_59 {strides = array<i32>} : memref<8192x128xf32, #tpu.memory_space<vmem>>, vector<256x128xf32>,
    %broadcast_in_dim3A_65 = arith.constant 0.000000e+00 : f32
    %broadcast_in_dim3A_66 = vector.broadcast %broadcast_in_dim3A_65 : f32 to vector<256x128xf32>
    %broadcast_in_dim3A_67 = arith.constant 0.000000e+00 : f32
    %broadcast_in_dim3A_68 = vector.broadcast %broadcast_in_dim3A_67 : f32 to vector<256x128xf32>
    %slice3A_69 = vector.extract_strided_slice %get3A_1 {offsets = [0, 1024], sizes = [32, 256], strides = [1, 1]} : vector<32x32768xf32> to vector<32x256xf32>
    %dot_general3A_70 = arith.constant dense<0.000000e+00> : vector<256x128xf32>
    %dot_general3A_71 = tpu.matmul %slice3A_69, %convert_element_type3A_8, %dot_general3A_70 {dimension_numbers = #tpu.dot_dimension_numbers<[0], [0], [1], [1], [0, 1, 1, 1], [], []>, transpose_lhs_hint = true} : vector<32x256xf32>, vector<32x128xf32>, vector<256x128xf32> -> vector<256x128xf32>
    %add3A_72 = arith.addf %broadcast_in_dim3A_66, %dot_general3A_71 : vector<256x128xf32>
    %slice3A_73 = vector.extract_strided_slice %get3A_4 {offsets = [0, 1024], sizes = [32, 256], strides = [1, 1]} : vector<32x32768xf32> to vector<32x256xf32>
    %dot_general3A_74 = arith.constant dense<0.000000e+00> : vector<256x128xf32>
    %dot_general3A_75 = tpu.matmul %slice3A_73, %convert_element_type3A_8, %dot_general3A_74 {dimension_numbers = #tpu.dot_dimension_numbers<[0], [0], [1], [1], [0, 1, 1, 1], [], []>, transpose_lhs_hint = true} : vector<32x256xf32>, vector<32x128xf32>, vector<256x128xf32> -> vector<256x128xf32>
    %add3A_76 = arith.addf %broadcast_in_dim3A_68, %dot_general3A_75 : vector<256x128xf32>
    %slice3A_77 = vector.extract_strided_slice %get3A_1 {offsets = [0, 1280], sizes = [32, 256], strides = [1, 1]} : vector<32x32768xf32> to vector<32x256xf32>
    %dot_general3A_78 = arith.constant dense<0.000000e+00> : vector<256x128xf32>
    %dot_general3A_79 = tpu.matmul %slice3A_77, %convert_element_type3A_14, %dot_general3A_78 {dimension_numbers = #tpu.dot_dimension_numbers<[0], [0], [1], [1], [0, 1, 1, 1], [], []>, transpose_lhs_hint = true} : vector<32x256xf32>, vector<32x128xf32>, vector<256x128xf32> -> vector<256x128xf32>
    %add3A_80 = arith.addf %add3A_72, %dot_general3A_79 : vector<256x128xf32>
    %slice3A_81 = vector.extract_strided_slice %get3A_4 {offsets = [0, 1280], sizes = [32, 256], strides = [1, 1]} : vector<32x32768xf32> to vector<32x256xf32>
    %dot_general3A_82 = arith.constant dense<0.000000e+00> : vector<256x128xf32>
    %dot_general3A_83 = tpu.matmul %slice3A_81, %convert_element_type3A_14, %dot_general3A_82 {dimension_numbers = #tpu.dot_dimension_numbers<[0], [0], [1], [1], [0, 1, 1, 1], [], []>, transpose_lhs_hint = true} : vector<32x256xf32>, vector<32x128xf32>, vector<256x128xf32> -> vector<256x128xf32>
    %add3A_84 = arith.addf %add3A_76, %dot_general3A_83 : vector<256x128xf32>
    %slice3A_85 = vector.extract_strided_slice %get3A_1 {offsets = [0, 1536], sizes = [32, 256], strides = [1, 1]} : vector<32x32768xf32> to vector<32x256xf32>
    %dot_general3A_86 = arith.constant dense<0.000000e+00> : vector<256x128xf32>
    %dot_general3A_87 = tpu.matmul %slice3A_85, %convert_element_type3A_20, %dot_general3A_86 {dimension_numbers = #tpu.dot_dimension_numbers<[0], [0], [1], [1], [0, 1, 1, 1], [], []>, transpose_lhs_hint = true} : vector<32x256xf32>, vector<32x128xf32>, vector<256x128xf32> -> vector<256x128xf32>
    %add3A_88 = arith.addf %add3A_80, %dot_general3A_87 : vector<256x128xf32>
    %slice3A_89 = vector.extract_strided_slice %get3A_4 {offsets = [0, 1536], sizes = [32, 256], strides = [1, 1]} : vector<32x32768xf32> to vector<32x256xf32>
    %dot_general3A_90 = arith.constant dense<0.000000e+00> : vector<256x128xf32>
    %dot_general3A_91 = tpu.matmul %slice3A_89, %convert_element_type3A_20, %dot_general3A_90 {dimension_numbers = #tpu.dot_dimension_numbers<[0], [0], [1], [1], [0, 1, 1, 1], [], []>, transpose_lhs_hint = true} : vector<32x256xf32>, vector<32x128xf32>, vector<256x128xf32> -> vector<256x128xf32>
    %add3A_92 = arith.addf %add3A_84, %dot_general3A_91 : vector<256x128xf32>
    %slice3A_93 = vector.extract_strided_slice %get3A_1 {offsets = [0, 1792], sizes = [32, 256], strides = [1, 1]} : vector<32x32768xf32> to vector<32x256xf32>
    %dot_general3A_94 = arith.constant dense<0.000000e+00> : vector<256x128xf32>
    %dot_general3A_95 = tpu.matmul %slice3A_93, %convert_element_type3A_26, %dot_general3A_94 {dimension_numbers = #tpu.dot_dimension_numbers<[0], [0], [1], [1], [0, 1, 1, 1], [], []>, transpose_lhs_hint = true} : vector<32x256xf32>, vector<32x128xf32>, vector<256x128xf32> -> vector<256x128xf32>
    %add3A_96 = arith.addf %add3A_88, %dot_general3A_95 : vector<256x128xf32>
    %slice3A_97 = vector.extract_strided_slice %get3A_4 {offsets = [0, 1792], sizes = [32, 256], strides = [1, 1]} : vector<32x32768xf32> to vector<32x256xf32>
    %dot_general3A_98 = arith.constant dense<0.000000e+00> : vector<256x128xf32>
    %dot_general3A_99 = tpu.matmul %slice3A_97, %convert_element_type3A_26, %dot_general3A_98 {dimension_numbers = #tpu.dot_dimension_numbers<[0], [0], [1], [1], [0, 1, 1, 1], [], []>, transpose_lhs_hint = true} : vector<32x256xf32>, vector<32x128xf32>, vector<256x128xf32> -> vector<256x128xf32>
    %add3A_100 = arith.addf %add3A_92, %dot_general3A_99 : vector<256x128xf32>
    %swap3A_101 = arith.constant 256 : index
    %swap3A_102 = arith.constant 0 : index
    %swap3A_103 = vector.load %arg3[%swap3A_101, %swap3A_102] : memref<8192x128xf32, #tpu.memory_space<vmem>>, vector<256x128xf32>
    tpu.vector_store %arg3[%swap3A_101, %swap3A_102], %add3A_96 {strides = array<i32>} : memref<8192x128xf32, #tpu.memory_space<vmem>>, vector<256x128xf32>,
    %swap3A_104 = arith.constant 256 : index
    %swap3A_105 = arith.constant 0 : index
    %swap3A_106 = vector.load %arg4[%swap3A_104, %swap3A_105] : memref<8192x128xf32, #tpu.memory_space<vmem>>, vector<256x128xf32>
    tpu.vector_store %arg4[%swap3A_104, %swap3A_105], %add3A_100 {strides = array<i32>} : memref<8192x128xf32, #tpu.memory_space<vmem>>, vector<256x128xf32>,
    %broadcast_in_dim3A_107 = arith.constant 0.000000e+00 : f32
    %broadcast_in_dim3A_108 = vector.broadcast %broadcast_in_dim3A_107 : f32 to vector<256x128xf32>
    %broadcast_in_dim3A_109 = arith.constant 0.000000e+00 : f32
    %broadcast_in_dim3A_110 = vector.broadcast %broadcast_in_dim3A_109 : f32 to vector<256x128xf32>
    %slice3A_111 = vector.extract_strided_slice %get3A_1 {offsets = [0, 2048], sizes = [32, 256], strides = [1, 1]} : vector<32x32768xf32> to vector<32x256xf32>
    %dot_general3A_112 = arith.constant dense<0.000000e+00> : vector<256x128xf32>
    %dot_general3A_113 = tpu.matmul %slice3A_111, %convert_element_type3A_8, %dot_general3A_112 {dimension_numbers = #tpu.dot_dimension_numbers<[0], [0], [1], [1], [0, 1, 1, 1], [], []>, transpose_lhs_hint = true} : vector<32x256xf32>, vector<32x128xf32>, vector<256x128xf32> -> vector<256x128xf32>
    %add3A_114 = arith.addf %broadcast_in_dim3A_108, %dot_general3A_113 : vector<256x128xf32>
    %slice3A_115 = vector.extract_strided_slice %get3A_4 {offsets = [0, 2048], sizes = [32, 256], strides = [1, 1]} : vector<32x32768xf32> to vector<32x256xf32>
    %dot_general3A_116 = arith.constant dense<0.000000e+00> : vector<256x128xf32>
    %dot_general3A_117 = tpu.matmul %slice3A_115, %convert_element_type3A_8, %dot_general3A_116 {dimension_numbers = #tpu.dot_dimension_numbers<[0], [0], [1], [1], [0, 1, 1, 1], [], []>, transpose_lhs_hint = true} : vector<32x256xf32>, vector<32x128xf32>, vector<256x128xf32> -> vector<256x128xf32>
    %add3A_118 = arith.addf %broadcast_in_dim3A_110, %dot_general3A_117 : vector<256x128xf32>
    %slice3A_119 = vector.extract_strided_slice %get3A_1 {offsets = [0, 2304], sizes = [32, 256], strides = [1, 1]} : vector<32x32768xf32> to vector<32x256xf32>
    %dot_general3A_120 = arith.constant dense<0.000000e+00> : vector<256x128xf32>
    %dot_general3A_121 = tpu.matmul %slice3A_119, %convert_element_type3A_14, %dot_general3A_120 {dimension_numbers = #tpu.dot_dimension_numbers<[0], [0], [1], [1], [0, 1, 1, 1], [], []>, transpose_lhs_hint = true} : vector<32x256xf32>, vector<32x128xf32>, vector<256x128xf32> -> vector<256x128xf32>
    %add3A_122 = arith.addf %add3A_114, %dot_general3A_121 : vector<256x128xf32>
    %slice3A_123 = vector.extract_strided_slice %get3A_4 {offsets = [0, 2304], sizes = [32, 256], strides = [1, 1]} : vector<32x32768xf32> to vector<32x256xf32>
    %dot_general3A_124 = arith.constant dense<0.000000e+00> : vector<256x128xf32>
    %dot_general3A_125 = tpu.matmul %slice3A_123, %convert_element_type3A_14, %dot_general3A_124 {dimension_numbers = #tpu.dot_dimension_numbers<[0], [0], [1], [1], [0, 1, 1, 1], [], []>, transpose_lhs_hint = true} : vector<32x256xf32>, vector<32x128xf32>, vector<256x128xf32> -> vector<256x128xf32>
    %add3A_126 = arith.addf %add3A_118, %dot_general3A_125 : vector<256x128xf32>
    %slice3A_127 = vector.extract_strided_slice %get3A_1 {offsets = [0, 2560], sizes = [32, 256], strides = [1, 1]} : vector<32x32768xf32> to vector<32x256xf32>
    %dot_general3A_128 = arith.constant dense<0.000000e+00> : vector<256x128xf32>
    %dot_general3A_129 = tpu.matmul %slice3A_127, %convert_element_type3A_20, %dot_general3A_128 {dimension_numbers = #tpu.dot_dimension_numbers<[0], [0], [1], [1], [0, 1, 1, 1], [], []>, transpose_lhs_hint = true} : vector<32x256xf32>, vector<32x128xf32>, vector<256x128xf32> -> vector<256x128xf32>
    %add3A_130 = arith.addf %add3A_122, %dot_general3A_129 : vector<256x128xf32>
    %slice3A_131 = vector.extract_strided_slice %get3A_4 {offsets = [0, 2560], sizes = [32, 256], strides = [1, 1]} : vector<32x32768xf32> to vector<32x256xf32>
    %dot_general3A_132 = arith.constant dense<0.000000e+00> : vector<256x128xf32>
    %dot_general3A_133 = tpu.matmul %slice3A_131, %convert_element_type3A_20, %dot_general3A_132 {dimension_numbers = #tpu.dot_dimension_numbers<[0], [0], [1], [1], [0, 1, 1, 1], [], []>, transpose_lhs_hint = true} : vector<32x256xf32>, vector<32x128xf32>, vector<256x128xf32> -> vector<256x128xf32>
    %add3A_134 = arith.addf %add3A_126, %dot_general3A_133 : vector<256x128xf32>
    %slice3A_135 = vector.extract_strided_slice %get3A_1 {offsets = [0, 2816], sizes = [32, 256], strides = [1, 1]} : vector<32x32768xf32> to vector<32x256xf32>
    %dot_general3A_136 = arith.constant dense<0.000000e+00> : vector<256x128xf32>
    %dot_general3A_137 = tpu.matmul %slice3A_135, %convert_element_type3A_26, %dot_general3A_136 {dimension_numbers = #tpu.dot_dimension_numbers<[0], [0], [1], [1], [0, 1, 1, 1], [], []>, transpose_lhs_hint = true} : vector<32x256xf32>, vector<32x128xf32>, vector<256x128xf32> -> vector<256x128xf32>
    %add3A_138 = arith.addf %add3A_130, %dot_general3A_137 : vector<256x128xf32>
    %slice3A_139 = vector.extract_strided_slice %get3A_4 {offsets = [0, 2816], sizes = [32, 256], strides = [1, 1]} : vector<32x32768xf32> to vector<32x256xf32>
    %dot_general3A_140 = arith.constant dense<0.000000e+00> : vector<256x128xf32>
    %dot_general3A_141 = tpu.matmul %slice3A_139, %convert_element_type3A_26, %dot_general3A_140 {dimension_numbers = #tpu.dot_dimension_numbers<[0], [0], [1], [1], [0, 1, 1, 1], [], []>, transpose_lhs_hint = true} : vector<32x256xf32>, vector<32x128xf32>, vector<256x128xf32> -> vector<256x128xf32>
    %add3A_142 = arith.addf %add3A_134, %dot_general3A_141 : vector<256x128xf32>
    %swap3A_143 = arith.constant 512 : index
    %swap3A_144 = arith.constant 0 : index
    %swap3A_145 = vector.load %arg3[%swap3A_143, %swap3A_144] : memref<8192x128xf32, #tpu.memory_space<vmem>>, vector<256x128xf32>
    tpu.vector_store %arg3[%swap3A_143, %swap3A_144], %add3A_138 {strides = array<i32>} : memref<8192x128xf32, #tpu.memory_space<vmem>>, vector<256x128xf32>,
    %swap3A_146 = arith.constant 512 : index
    %swap3A_147 = arith.constant 0 : index
    %swap3A_148 = vector.load %arg4[%swap3A_146, %swap3A_147] : memref<8192x128xf32, #tpu.memory_space<vmem>>, vector<256x128xf32>
    tpu.vector_store %arg4[%swap3A_146, %swap3A_147], %add3A_142 {strides = array<i32>} : memref<8192x128xf32, #tpu.memory_space<vmem>>, vector<256x128xf32>,
    %broadcast_in_dim3A_149 = arith.constant 0.000000e+00 : f32
    %broadcast_in_dim3A_150 = vector.broadcast %broadcast_in_dim3A_149 : f32 to vector<256x128xf32>
    %broadcast_in_dim3A_151 = arith.constant 0.000000e+00 : f32
    %broadcast_in_dim3A_152 = vector.broadcast %broadcast_in_dim3A_151 : f32 to vector<256x128xf32>
    %slice3A_153 = vector.extract_strided_slice %get3A_1 {offsets = [0, 3072], sizes = [32, 256], strides = [1, 1]} : vector<32x32768xf32> to vector<32x256xf32>
    %dot_general3A_154 = arith.constant dense<0.000000e+00> : vector<256x128xf32>
    %dot_general3A_155 = tpu.matmul %slice3A_153, %convert_element_type3A_8, %dot_general3A_154 {dimension_numbers = #tpu.dot_dimension_numbers<[0], [0], [1], [1], [0, 1, 1, 1], [], []>, transpose_lhs_hint = true} : vector<32x256xf32>, vector<32x128xf32>, vector<256x128xf32> -> vector<256x128xf32>
    %add3A_156 = arith.addf %broadcast_in_dim3A_150, %dot_general3A_155 : vector<256x128xf32>
    %slice3A_157 = vector.extract_strided_slice %get3A_4 {offsets = [0, 3072], sizes = [32, 256], strides = [1, 1]} : vector<32x32768xf32> to vector<32x256xf32>
    %dot_general3A_158 = arith.constant dense<0.000000e+00> : vector<256x128xf32>
    %dot_general3A_159 = tpu.matmul %slice3A_157, %convert_element_type3A_8, %dot_general3A_158 {dimension_numbers = #tpu.dot_dimension_numbers<[0], [0], [1], [1], [0, 1, 1, 1], [], []>, transpose_lhs_hint = true} : vector<32x256xf32>, vector<32x128xf32>, vector<256x128xf32> -> vector<256x128xf32>
    %add3A_160 = arith.addf %broadcast_in_dim3A_152, %dot_general3A_159 : vector<256x128xf32>
    %slice3A_161 = vector.extract_strided_slice %get3A_1 {offsets = [0, 3328], sizes = [32, 256], strides = [1, 1]} : vector<32x32768xf32> to vector<32x256xf32>
    %dot_general3A_162 = arith.constant dense<0.000000e+00> : vector<256x128xf32>
    %dot_general3A_163 = tpu.matmul %slice3A_161, %convert_element_type3A_14, %dot_general3A_162 {dimension_numbers = #tpu.dot_dimension_numbers<[0], [0], [1], [1], [0, 1, 1, 1], [], []>, transpose_lhs_hint = true} : vector<32x256xf32>, vector<32x128xf32>, vector<256x128xf32> -> vector<256x128xf32>
    %add3A_164 = arith.addf %add3A_156, %dot_general3A_163 : vector<256x128xf32>
    %slice3A_165 = vector.extract_strided_slice %get3A_4 {offsets = [0, 3328], sizes = [32, 256], strides = [1, 1]} : vector<32x32768xf32> to vector<32x256xf32>
    %dot_general3A_166 = arith.constant dense<0.000000e+00> : vector<256x128xf32>
    %dot_general3A_167 = tpu.matmul %slice3A_165, %convert_element_type3A_14, %dot_general3A_166 {dimension_numbers = #tpu.dot_dimension_numbers<[0], [0], [1], [1], [0, 1, 1, 1], [], []>, transpose_lhs_hint = true} : vector<32x256xf32>, vector<32x128xf32>, vector<256x128xf32> -> vector<256x128xf32>
    %add3A_168 = arith.addf %add3A_160, %dot_general3A_167 : vector<256x128xf32>
    %slice3A_169 = vector.extract_strided_slice %get3A_1 {offsets = [0, 3584], sizes = [32, 256], strides = [1, 1]} : vector<32x32768xf32> to vector<32x256xf32>
    %dot_general3A_170 = arith.constant dense<0.000000e+00> : vector<256x128xf32>
    %dot_general3A_171 = tpu.matmul %slice3A_169, %convert_element_type3A_20, %dot_general3A_170 {dimension_numbers = #tpu.dot_dimension_numbers<[0], [0], [1], [1], [0, 1, 1, 1], [], []>, transpose_lhs_hint = true} : vector<32x256xf32>, vector<32x128xf32>, vector<256x128xf32> -> vector<256x128xf32>
    %add3A_172 = arith.addf %add3A_164, %dot_general3A_171 : vector<256x128xf32>
    %slice3A_173 = vector.extract_strided_slice %get3A_4 {offsets = [0, 3584], sizes = [32, 256], strides = [1, 1]} : vector<32x32768xf32> to vector<32x256xf32>
    %dot_general3A_174 = arith.constant dense<0.000000e+00> : vector<256x128xf32>
    %dot_general3A_175 = tpu.matmul %slice3A_173, %convert_element_type3A_20, %dot_general3A_174 {dimension_numbers = #tpu.dot_dimension_numbers<[0], [0], [1], [1], [0, 1, 1, 1], [], []>, transpose_lhs_hint = true} : vector<32x256xf32>, vector<32x128xf32>, vector<256x128xf32> -> vector<256x128xf32>
    %add3A_176 = arith.addf %add3A_168, %dot_general3A_175 : vector<256x128xf32>
    %slice3A_177 = vector.extract_strided_slice %get3A_1 {offsets = [0, 3840], sizes = [32, 256], strides = [1, 1]} : vector<32x32768xf32> to vector<32x256xf32>
    %dot_general3A_178 = arith.constant dense<0.000000e+00> : vector<256x128xf32>
    %dot_general3A_179 = tpu.matmul %slice3A_177, %convert_element_type3A_26, %dot_general3A_178 {dimension_numbers = #tpu.dot_dimension_numbers<[0], [0], [1], [1], [0, 1, 1, 1], [], []>, transpose_lhs_hint = true} : vector<32x256xf32>, vector<32x128xf32>, vector<256x128xf32> -> vector<256x128xf32>
    %add3A_180 = arith.addf %add3A_172, %dot_general3A_179 : vector<256x128xf32>
    %slice3A_181 = vector.extract_strided_slice %get3A_4 {offsets = [0, 3840], sizes = [32, 256], strides = [1, 1]} : vector<32x32768xf32> to vector<32x256xf32>
    %dot_general3A_182 = arith.constant dense<0.000000e+00> : vector<256x128xf32>
    %dot_general3A_183 = tpu.matmul %slice3A_181, %convert_element_type3A_26, %dot_general3A_182 {dimension_numbers = #tpu.dot_dimension_numbers<[0], [0], [1], [1], [0, 1, 1, 1], [], []>, transpose_lhs_hint = true} : vector<32x256xf32>, vector<32x128xf32>, vector<256x128xf32> -> vector<256x128xf32>
    %add3A_184 = arith.addf %add3A_176, %dot_general3A_183 : vector<256x128xf32>
    %swap3A_185 = arith.constant 768 : index
    %swap3A_186 = arith.constant 0 : index
    %swap3A_187 = vector.load %arg3[%swap3A_185, %swap3A_186] : memref<8192x128xf32, #tpu.memory_space<vmem>>, vector<256x128xf32>
    tpu.vector_store %arg3[%swap3A_185, %swap3A_186], %add3A_180 {strides = array<i32>} : memref<8192x128xf32, #tpu.memory_space<vmem>>, vector<256x128xf32>,
    %swap3A_188 = arith.constant 768 : index
    %swap3A_189 = arith.constant 0 : index
    %swap3A_190 = vector.load %arg4[%swap3A_188, %swap3A_189] : memref<8192x128xf32, #tpu.memory_space<vmem>>, vector<256x128xf32>
    tpu.vector_store %arg4[%swap3A_188, %swap3A_189], %add3A_184 {strides = array<i32>} : memref<8192x128xf32, #tpu.memory_space<vmem>>, vector<256x128xf32>,
    %broadcast_in_dim3A_191 = arith.constant 0.000000e+00 : f32
    %broadcast_in_dim3A_192 = vector.broadcast %broadcast_in_dim3A_191 : f32 to vector<256x128xf32>
    %broadcast_in_dim3A_193 = arith.constant 0.000000e+00 : f32
    %broadcast_in_dim3A_194 = vector.broadcast %broadcast_in_dim3A_193 : f32 to vector<256x128xf32>
    %slice3A_195 = vector.extract_strided_slice %get3A_1 {offsets = [0, 4096], sizes = [32, 256], strides = [1, 1]} : vector<32x32768xf32> to vector<32x256xf32>
    %dot_general3A_196 = arith.constant dense<0.000000e+00> : vector<256x128xf32>
    %dot_general3A_197 = tpu.matmul %slice3A_195, %convert_element_type3A_8, %dot_general3A_196 {dimension_numbers = #tpu.dot_dimension_numbers<[0], [0], [1], [1], [0, 1, 1, 1], [], []>, transpose_lhs_hint = true} : vector<32x256xf32>, vector<32x128xf32>, vector<256x128xf32> -> vector<256x128xf32>
    %add3A_198 = arith.addf %broadcast_in_dim3A_192, %dot_general3A_197 : vector<256x128xf32>
    %slice3A_199 = vector.extract_strided_slice %get3A_4 {offsets = [0, 4096], sizes = [32, 256], strides = [1, 1]} : vector<32x32768xf32> to vector<32x256xf32>
    %dot_general3A_200 = arith.constant dense<0.000000e+00> : vector<256x128xf32>
    %dot_general3A_201 = tpu.matmul %slice3A_199, %convert_element_type3A_8, %dot_general3A_200 {dimension_numbers = #tpu.dot_dimension_numbers<[0], [0], [1], [1], [0, 1, 1, 1], [], []>, transpose_lhs_hint = true} : vector<32x256xf32>, vector<32x128xf32>, vector<256x128xf32> -> vector<256x128xf32>
    %add3A_202 = arith.addf %broadcast_in_dim3A_194, %dot_general3A_201 : vector<256x128xf32>
    %slice3A_203 = vector.extract_strided_slice %get3A_1 {offsets = [0, 4352], sizes = [32, 256], strides = [1, 1]} : vector<32x32768xf32> to vector<32x256xf32>
    %dot_general3A_204 = arith.constant dense<0.000000e+00> : vector<256x128xf32>
    %dot_general3A_205 = tpu.matmul %slice3A_203, %convert_element_type3A_14, %dot_general3A_204 {dimension_numbers = #tpu.dot_dimension_numbers<[0], [0], [1], [1], [0, 1, 1, 1], [], []>, transpose_lhs_hint = true} : vector<32x256xf32>, vector<32x128xf32>, vector<256x128xf32> -> vector<256x128xf32>
    %add3A_206 = arith.addf %add3A_198, %dot_general3A_205 : vector<256x128xf32>
    %slice3A_207 = vector.extract_strided_slice %get3A_4 {offsets = [0, 4352], sizes = [32, 256], strides = [1, 1]} : vector<32x32768xf32> to vector<32x256xf32>
    %dot_general3A_208 = arith.constant dense<0.000000e+00> : vector<256x128xf32>
    %dot_general3A_209 = tpu.matmul %slice3A_207, %convert_element_type3A_14, %dot_general3A_208 {dimension_numbers = #tpu.dot_dimension_numbers<[0], [0], [1], [1], [0, 1, 1, 1], [], []>, transpose_lhs_hint = true} : vector<32x256xf32>, vector<32x128xf32>, vector<256x128xf32> -> vector<256x128xf32>
    %add3A_210 = arith.addf %add3A_202, %dot_general3A_209 : vector<256x128xf32>
    %slice3A_211 = vector.extract_strided_slice %get3A_1 {offsets = [0, 4608], sizes = [32, 256], strides = [1, 1]} : vector<32x32768xf32> to vector<32x256xf32>
    %dot_general3A_212 = arith.constant dense<0.000000e+00> : vector<256x128xf32>
    %dot_general3A_213 = tpu.matmul %slice3A_211, %convert_element_type3A_20, %dot_general3A_212 {dimension_numbers = #tpu.dot_dimension_numbers<[0], [0], [1], [1], [0, 1, 1, 1], [], []>, transpose_lhs_hint = true} : vector<32x256xf32>, vector<32x128xf32>, vector<256x128xf32> -> vector<256x128xf32>
    %add3A_214 = arith.addf %add3A_206, %dot_general3A_213 : vector<256x128xf32>
    %slice3A_215 = vector.extract_strided_slice %get3A_4 {offsets = [0, 4608], sizes = [32, 256], strides = [1, 1]} : vector<32x32768xf32> to vector<32x256xf32>
    %dot_general3A_216 = arith.constant dense<0.000000e+00> : vector<256x128xf32>
    %dot_general3A_217 = tpu.matmul %slice3A_215, %convert_element_type3A_20, %dot_general3A_216 {dimension_numbers = #tpu.dot_dimension_numbers<[0], [0], [1], [1], [0, 1, 1, 1], [], []>, transpose_lhs_hint = true} : vector<32x256xf32>, vector<32x128xf32>, vector<256x128xf32> -> vector<256x128xf32>
    %add3A_218 = arith.addf %add3A_210, %dot_general3A_217 : vector<256x128xf32>
    %slice3A_219 = vector.extract_strided_slice %get3A_1 {offsets = [0, 4864], sizes = [32, 256], strides = [1, 1]} : vector<32x32768xf32> to vector<32x256xf32>
    %dot_general3A_220 = arith.constant dense<0.000000e+00> : vector<256x128xf32>
    %dot_general3A_221 = tpu.matmul %slice3A_219, %convert_element_type3A_26, %dot_general3A_220 {dimension_numbers = #tpu.dot_dimension_numbers<[0], [0], [1], [1], [0, 1, 1, 1], [], []>, transpose_lhs_hint = true} : vector<32x256xf32>, vector<32x128xf32>, vector<256x128xf32> -> vector<256x128xf32>
    %add3A_222 = arith.addf %add3A_214, %dot_general3A_221 : vector<256x128xf32>
    %slice3A_223 = vector.extract_strided_slice %get3A_4 {offsets = [0, 4864], sizes = [32, 256], strides = [1, 1]} : vector<32x32768xf32> to vector<32x256xf32>
    %dot_general3A_224 = arith.constant dense<0.000000e+00> : vector<256x128xf32>
    %dot_general3A_225 = tpu.matmul %slice3A_223, %convert_element_type3A_26, %dot_general3A_224 {dimension_numbers = #tpu.dot_dimension_numbers<[0], [0], [1], [1], [0, 1, 1, 1], [], []>, transpose_lhs_hint = true} : vector<32x256xf32>, vector<32x128xf32>, vector<256x128xf32> -> vector<256x128xf32>
    %add3A_226 = arith.addf %add3A_218, %dot_general3A_225 : vector<256x128xf32>
    %swap3A_227 = arith.constant 1024 : index
    %swap3A_228 = arith.constant 0 : index
    %swap3A_229 = vector.load %arg3[%swap3A_227, %swap3A_228] : memref<8192x128xf32, #tpu.memory_space<vmem>>, vector<256x128xf32>
    tpu.vector_store %arg3[%swap3A_227, %swap3A_228], %add3A_222 {strides = array<i32>} : memref<8192x128xf32, #tpu.memory_space<vmem>>, vector<256x128xf32>,
    %swap3A_230 = arith.constant 1024 : index
    %swap3A_231 = arith.constant 0 : index
    %swap3A_232 = vector.load %arg4[%swap3A_230, %swap3A_231] : memref<8192x128xf32, #tpu.memory_space<vmem>>, vector<256x128xf32>
    tpu.vector_store %arg4[%swap3A_230, %swap3A_231], %add3A_226 {strides = array<i32>} : memref<8192x128xf32, #tpu.memory_space<vmem>>, vector<256x128xf32>,
    %broadcast_in_dim3A_233 = arith.constant 0.000000e+00 : f32
    %broadcast_in_dim3A_234 = vector.broadcast %broadcast_in_dim3A_233 : f32 to vector<256x128xf32>
    %broadcast_in_dim3A_235 = arith.constant 0.000000e+00 : f32
    %broadcast_in_dim3A_236 = vector.broadcast %broadcast_in_dim3A_235 : f32 to vector<256x128xf32>
    %slice3A_237 = vector.extract_strided_slice %get3A_1 {offsets = [0, 5120], sizes = [32, 256], strides = [1, 1]} : vector<32x32768xf32> to vector<32x256xf32>
    %dot_general3A_238 = arith.constant dense<0.000000e+00> : vector<256x128xf32>
    %dot_general3A_239 = tpu.matmul %slice3A_237, %convert_element_type3A_8, %dot_general3A_238 {dimension_numbers = #tpu.dot_dimension_numbers<[0], [0], [1], [1], [0, 1, 1, 1], [], []>, transpose_lhs_hint = true} : vector<32x256xf32>, vector<32x128xf32>, vector<256x128xf32> -> vector<256x128xf32>
    %add3A_240 = arith.addf %broadcast_in_dim3A_234, %dot_general3A_239 : vector<256x128xf32>
    %slice3A_241 = vector.extract_strided_slice %get3A_4 {offsets = [0, 5120], sizes = [32, 256], strides = [1, 1]} : vector<32x32768xf32> to vector<32x256xf32>
    %dot_general3A_242 = arith.constant dense<0.000000e+00> : vector<256x128xf32>
    %dot_general3A_243 = tpu.matmul %slice3A_241, %convert_element_type3A_8, %dot_general3A_242 {dimension_numbers = #tpu.dot_dimension_numbers<[0], [0], [1], [1], [0, 1, 1, 1], [], []>, transpose_lhs_hint = true} : vector<32x256xf32>, vector<32x128xf32>, vector<256x128xf32> -> vector<256x128xf32>
    %add3A_244 = arith.addf %broadcast_in_dim3A_236, %dot_general3A_243 : vector<256x128xf32>
    %slice3A_245 = vector.extract_strided_slice %get3A_1 {offsets = [0, 5376], sizes = [32, 256], strides = [1, 1]} : vector<32x32768xf32> to vector<32x256xf32>
    %dot_general3A_246 = arith.constant dense<0.000000e+00> : vector<256x128xf32>
    %dot_general3A_247 = tpu.matmul %slice3A_245, %convert_element_type3A_14, %dot_general3A_246 {dimension_numbers = #tpu.dot_dimension_numbers<[0], [0], [1], [1], [0, 1, 1, 1], [], []>, transpose_lhs_hint = true} : vector<32x256xf32>, vector<32x128xf32>, vector<256x128xf32> -> vector<256x128xf32>
    %add3A_248 = arith.addf %add3A_240, %dot_general3A_247 : vector<256x128xf32>
    %slice3A_249 = vector.extract_strided_slice %get3A_4 {offsets = [0, 5376], sizes = [32, 256], strides = [1, 1]} : vector<32x32768xf32> to vector<32x256xf32>
    %dot_general3A_250 = arith.constant dense<0.000000e+00> : vector<256x128xf32>
    %dot_general3A_251 = tpu.matmul %slice3A_249, %convert_element_type3A_14, %dot_general3A_250 {dimension_numbers = #tpu.dot_dimension_numbers<[0], [0], [1], [1], [0, 1, 1, 1], [], []>, transpose_lhs_hint = true} : vector<32x256xf32>, vector<32x128xf32>, vector<256x128xf32> -> vector<256x128xf32>
    %add3A_252 = arith.addf %add3A_244, %dot_general3A_251 : vector<256x128xf32>
    %slice3A_253 = vector.extract_strided_slice %get3A_1 {offsets = [0, 5632], sizes = [32, 256], strides = [1, 1]} : vector<32x32768xf32> to vector<32x256xf32>
    %dot_general3A_254 = arith.constant dense<0.000000e+00> : vector<256x128xf32>
    %dot_general3A_255 = tpu.matmul %slice3A_253, %convert_element_type3A_20, %dot_general3A_254 {dimension_numbers = #tpu.dot_dimension_numbers<[0], [0], [1], [1], [0, 1, 1, 1], [], []>, transpose_lhs_hint = true} : vector<32x256xf32>, vector<32x128xf32>, vector<256x128xf32> -> vector<256x128xf32>
    %add3A_256 = arith.addf %add3A_248, %dot_general3A_255 : vector<256x128xf32>
    %slice3A_257 = vector.extract_strided_slice %get3A_4 {offsets = [0, 5632], sizes = [32, 256], strides = [1, 1]} : vector<32x32768xf32> to vector<32x256xf32>
    %dot_general3A_258 = arith.constant dense<0.000000e+00> : vector<256x128xf32>
    %dot_general3A_259 = tpu.matmul %slice3A_257, %convert_element_type3A_20, %dot_general3A_258 {dimension_numbers = #tpu.dot_dimension_numbers<[0], [0], [1], [1], [0, 1, 1, 1], [], []>, transpose_lhs_hint = true} : vector<32x256xf32>, vector<32x128xf32>, vector<256x128xf32> -> vector<256x128xf32>
    %add3A_260 = arith.addf %add3A_252, %dot_general3A_259 : vector<256x128xf32>
    %slice3A_261 = vector.extract_strided_slice %get3A_1 {offsets = [0, 5888], sizes = [32, 256], strides = [1, 1]} : vector<32x32768xf32> to vector<32x256xf32>
    %dot_general3A_262 = arith.constant dense<0.000000e+00> : vector<256x128xf32>
    %dot_general3A_263 = tpu.matmul %slice3A_261, %convert_element_type3A_26, %dot_general3A_262 {dimension_numbers = #tpu.dot_dimension_numbers<[0], [0], [1], [1], [0, 1, 1, 1], [], []>, transpose_lhs_hint = true} : vector<32x256xf32>, vector<32x128xf32>, vector<256x128xf32> -> vector<256x128xf32>
    %add3A_264 = arith.addf %add3A_256, %dot_general3A_263 : vector<256x128xf32>
    %slice3A_265 = vector.extract_strided_slice %get3A_4 {offsets = [0, 5888], sizes = [32, 256], strides = [1, 1]} : vector<32x32768xf32> to vector<32x256xf32>
    %dot_general3A_266 = arith.constant dense<0.000000e+00> : vector<256x128xf32>
    %dot_general3A_267 = tpu.matmul %slice3A_265, %convert_element_type3A_26, %dot_general3A_266 {dimension_numbers = #tpu.dot_dimension_numbers<[0], [0], [1], [1], [0, 1, 1, 1], [], []>, transpose_lhs_hint = true} : vector<32x256xf32>, vector<32x128xf32>, vector<256x128xf32> -> vector<256x128xf32>
    %add3A_268 = arith.addf %add3A_260, %dot_general3A_267 : vector<256x128xf32>
    %swap3A_269 = arith.constant 1280 : index
    %swap3A_270 = arith.constant 0 : index
    %swap3A_271 = vector.load %arg3[%swap3A_269, %swap3A_270] : memref<8192x128xf32, #tpu.memory_space<vmem>>, vector<256x128xf32>
    tpu.vector_store %arg3[%swap3A_269, %swap3A_270], %add3A_264 {strides = array<i32>} : memref<8192x128xf32, #tpu.memory_space<vmem>>, vector<256x128xf32>,
    %swap3A_272 = arith.constant 1280 : index
    %swap3A_273 = arith.constant 0 : index
    %swap3A_274 = vector.load %arg4[%swap3A_272, %swap3A_273] : memref<8192x128xf32, #tpu.memory_space<vmem>>, vector<256x128xf32>
    tpu.vector_store %arg4[%swap3A_272, %swap3A_273], %add3A_268 {strides = array<i32>} : memref<8192x128xf32, #tpu.memory_space<vmem>>, vector<256x128xf32>,
    %broadcast_in_dim3A_275 = arith.constant 0.000000e+00 : f32
    %broadcast_in_dim3A_276 = vector.broadcast %broadcast_in_dim3A_275 : f32 to vector<256x128xf32>
    %broadcast_in_dim3A_277 = arith.constant 0.000000e+00 : f32
    %broadcast_in_dim3A_278 = vector.broadcast %broadcast_in_dim3A_277 : f32 to vector<256x128xf32>
    %slice3A_279 = vector.extract_strided_slice %get3A_1 {offsets = [0, 6144], sizes = [32, 256], strides = [1, 1]} : vector<32x32768xf32> to vector<32x256xf32>
    %dot_general3A_280 = arith.constant dense<0.000000e+00> : vector<256x128xf32>
    %dot_general3A_281 = tpu.matmul %slice3A_279, %convert_element_type3A_8, %dot_general3A_280 {dimension_numbers = #tpu.dot_dimension_numbers<[0], [0], [1], [1], [0, 1, 1, 1], [], []>, transpose_lhs_hint = true} : vector<32x256xf32>, vector<32x128xf32>, vector<256x128xf32> -> vector<256x128xf32>
    %add3A_282 = arith.addf %broadcast_in_dim3A_276, %dot_general3A_281 : vector<256x128xf32>
    %slice3A_283 = vector.extract_strided_slice %get3A_4 {offsets = [0, 6144], sizes = [32, 256], strides = [1, 1]} : vector<32x32768xf32> to vector<32x256xf32>
    %dot_general3A_284 = arith.constant dense<0.000000e+00> : vector<256x128xf32>
    %dot_general3A_285 = tpu.matmul %slice3A_283, %convert_element_type3A_8, %dot_general3A_284 {dimension_numbers = #tpu.dot_dimension_numbers<[0], [0], [1], [1], [0, 1, 1, 1], [], []>, transpose_lhs_hint = true} : vector<32x256xf32>, vector<32x128xf32>, vector<256x128xf32> -> vector<256x128xf32>
    %add3A_286 = arith.addf %broadcast_in_dim3A_278, %dot_general3A_285 : vector<256x128xf32>
    %slice3A_287 = vector.extract_strided_slice %get3A_1 {offsets = [0, 6400], sizes = [32, 256], strides = [1, 1]} : vector<32x32768xf32> to vector<32x256xf32>
    %dot_general3A_288 = arith.constant dense<0.000000e+00> : vector<256x128xf32>
    %dot_general3A_289 = tpu.matmul %slice3A_287, %convert_element_type3A_14, %dot_general3A_288 {dimension_numbers = #tpu.dot_dimension_numbers<[0], [0], [1], [1], [0, 1, 1, 1], [], []>, transpose_lhs_hint = true} : vector<32x256xf32>, vector<32x128xf32>, vector<256x128xf32> -> vector<256x128xf32>
    %add3A_290 = arith.addf %add3A_282, %dot_general3A_289 : vector<256x128xf32>
    %slice3A_291 = vector.extract_strided_slice %get3A_4 {offsets = [0, 6400], sizes = [32, 256], strides = [1, 1]} : vector<32x32768xf32> to vector<32x256xf32>
    %dot_general3A_292 = arith.constant dense<0.000000e+00> : vector<256x128xf32>
    %dot_general3A_293 = tpu.matmul %slice3A_291, %convert_element_type3A_14, %dot_general3A_292 {dimension_numbers = #tpu.dot_dimension_numbers<[0], [0], [1], [1], [0, 1, 1, 1], [], []>, transpose_lhs_hint = true} : vector<32x256xf32>, vector<32x128xf32>, vector<256x128xf32> -> vector<256x128xf32>
    %add3A_294 = arith.addf %add3A_286, %dot_general3A_293 : vector<256x128xf32>
    %slice3A_295 = vector.extract_strided_slice %get3A_1 {offsets = [0, 6656], sizes = [32, 256], strides = [1, 1]} : vector<32x32768xf32> to vector<32x256xf32>
    %dot_general3A_296 = arith.constant dense<0.000000e+00> : vector<256x128xf32>
    %dot_general3A_297 = tpu.matmul %slice3A_295, %convert_element_type3A_20, %dot_general3A_296 {dimension_numbers = #tpu.dot_dimension_numbers<[0], [0], [1], [1], [0, 1, 1, 1], [], []>, transpose_lhs_hint = true} : vector<32x256xf32>, vector<32x128xf32>, vector<256x128xf32> -> vector<256x128xf32>
    %add3A_298 = arith.addf %add3A_290, %dot_general3A_297 : vector<256x128xf32>
    %slice3A_299 = vector.extract_strided_slice %get3A_4 {offsets = [0, 6656], sizes = [32, 256], strides = [1, 1]} : vector<32x32768xf32> to vector<32x256xf32>
    %dot_general3A_300 = arith.constant dense<0.000000e+00> : vector<256x128xf32>
    %dot_general3A_301 = tpu.matmul %slice3A_299, %convert_element_type3A_20, %dot_general3A_300 {dimension_numbers = #tpu.dot_dimension_numbers<[0], [0], [1], [1], [0, 1, 1, 1], [], []>, transpose_lhs_hint = true} : vector<32x256xf32>, vector<32x128xf32>, vector<256x128xf32> -> vector<256x128xf32>
    %add3A_302 = arith.addf %add3A_294, %dot_general3A_301 : vector<256x128xf32>
    %slice3A_303 = vector.extract_strided_slice %get3A_1 {offsets = [0, 6912], sizes = [32, 256], strides = [1, 1]} : vector<32x32768xf32> to vector<32x256xf32>
    %dot_general3A_304 = arith.constant dense<0.000000e+00> : vector<256x128xf32>
    %dot_general3A_305 = tpu.matmul %slice3A_303, %convert_element_type3A_26, %dot_general3A_304 {dimension_numbers = #tpu.dot_dimension_numbers<[0], [0], [1], [1], [0, 1, 1, 1], [], []>, transpose_lhs_hint = true} : vector<32x256xf32>, vector<32x128xf32>, vector<256x128xf32> -> vector<256x128xf32>
    %add3A_306 = arith.addf %add3A_298, %dot_general3A_305 : vector<256x128xf32>
    %slice3A_307 = vector.extract_strided_slice %get3A_4 {offsets = [0, 6912], sizes = [32, 256], strides = [1, 1]} : vector<32x32768xf32> to vector<32x256xf32>
    %dot_general3A_308 = arith.constant dense<0.000000e+00> : vector<256x128xf32>
    %dot_general3A_309 = tpu.matmul %slice3A_307, %convert_element_type3A_26, %dot_general3A_308 {dimension_numbers = #tpu.dot_dimension_numbers<[0], [0], [1], [1], [0, 1, 1, 1], [], []>, transpose_lhs_hint = true} : vector<32x256xf32>, vector<32x128xf32>, vector<256x128xf32> -> vector<256x128xf32>
    %add3A_310 = arith.addf %add3A_302, %dot_general3A_309 : vector<256x128xf32>
    %swap3A_311 = arith.constant 1536 : index
    %swap3A_312 = arith.constant 0 : index
    %swap3A_313 = vector.load %arg3[%swap3A_311, %swap3A_312] : memref<8192x128xf32, #tpu.memory_space<vmem>>, vector<256x128xf32>
    tpu.vector_store %arg3[%swap3A_311, %swap3A_312], %add3A_306 {strides = array<i32>} : memref<8192x128xf32, #tpu.memory_space<vmem>>, vector<256x128xf32>,
    %swap3A_314 = arith.constant 1536 : index
    %swap3A_315 = arith.constant 0 : index
    %swap3A_316 = vector.load %arg4[%swap3A_314, %swap3A_315] : memref<8192x128xf32, #tpu.memory_space<vmem>>, vector<256x128xf32>
    tpu.vector_store %arg4[%swap3A_314, %swap3A_315], %add3A_310 {strides = array<i32>} : memref<8192x128xf32, #tpu.memory_space<vmem>>, vector<256x128xf32>,
    %broadcast_in_dim3A_317 = arith.constant 0.000000e+00 : f32
    %broadcast_in_dim3A_318 = vector.broadcast %broadcast_in_dim3A_317 : f32 to vector<256x128xf32>
    %broadcast_in_dim3A_319 = arith.constant 0.000000e+00 : f32
    %broadcast_in_dim3A_320 = vector.broadcast %broadcast_in_dim3A_319 : f32 to vector<256x128xf32>
    %slice3A_321 = vector.extract_strided_slice %get3A_1 {offsets = [0, 7168], sizes = [32, 256], strides = [1, 1]} : vector<32x32768xf32> to vector<32x256xf32>
    %dot_general3A_322 = arith.constant dense<0.000000e+00> : vector<256x128xf32>
    %dot_general3A_323 = tpu.matmul %slice3A_321, %convert_element_type3A_8, %dot_general3A_322 {dimension_numbers = #tpu.dot_dimension_numbers<[0], [0], [1], [1], [0, 1, 1, 1], [], []>, transpose_lhs_hint = true} : vector<32x256xf32>, vector<32x128xf32>, vector<256x128xf32> -> vector<256x128xf32>
    %add3A_324 = arith.addf %broadcast_in_dim3A_318, %dot_general3A_323 : vector<256x128xf32>
    %slice3A_325 = vector.extract_strided_slice %get3A_4 {offsets = [0, 7168], sizes = [32, 256], strides = [1, 1]} : vector<32x32768xf32> to vector<32x256xf32>
    %dot_general3A_326 = arith.constant dense<0.000000e+00> : vector<256x128xf32>
    %dot_general3A_327 = tpu.matmul %slice3A_325, %convert_element_type3A_8, %dot_general3A_326 {dimension_numbers = #tpu.dot_dimension_numbers<[0], [0], [1], [1], [0, 1, 1, 1], [], []>, transpose_lhs_hint = true} : vector<32x256xf32>, vector<32x128xf32>, vector<256x128xf32> -> vector<256x128xf32>
    %add3A_328 = arith.addf %broadcast_in_dim3A_320, %dot_general3A_327 : vector<256x128xf32>
    %slice3A_329 = vector.extract_strided_slice %get3A_1 {offsets = [0, 7424], sizes = [32, 256], strides = [1, 1]} : vector<32x32768xf32> to vector<32x256xf32>
    %dot_general3A_330 = arith.constant dense<0.000000e+00> : vector<256x128xf32>
    %dot_general3A_331 = tpu.matmul %slice3A_329, %convert_element_type3A_14, %dot_general3A_330 {dimension_numbers = #tpu.dot_dimension_numbers<[0], [0], [1], [1], [0, 1, 1, 1], [], []>, transpose_lhs_hint = true} : vector<32x256xf32>, vector<32x128xf32>, vector<256x128xf32> -> vector<256x128xf32>
    %add3A_332 = arith.addf %add3A_324, %dot_general3A_331 : vector<256x128xf32>
    %slice3A_333 = vector.extract_strided_slice %get3A_4 {offsets = [0, 7424], sizes = [32, 256], strides = [1, 1]} : vector<32x32768xf32> to vector<32x256xf32>
    %dot_general3A_334 = arith.constant dense<0.000000e+00> : vector<256x128xf32>
    %dot_general3A_335 = tpu.matmul %slice3A_333, %convert_element_type3A_14, %dot_general3A_334 {dimension_numbers = #tpu.dot_dimension_numbers<[0], [0], [1], [1], [0, 1, 1, 1], [], []>, transpose_lhs_hint = true} : vector<32x256xf32>, vector<32x128xf32>, vector<256x128xf32> -> vector<256x128xf32>
    %add3A_336 = arith.addf %add3A_328, %dot_general3A_335 : vector<256x128xf32>
    %slice3A_337 = vector.extract_strided_slice %get3A_1 {offsets = [0, 7680], sizes = [32, 256], strides = [1, 1]} : vector<32x32768xf32> to vector<32x256xf32>
    %dot_general3A_338 = arith.constant dense<0.000000e+00> : vector<256x128xf32>
    %dot_general3A_339 = tpu.matmul %slice3A_337, %convert_element_type3A_20, %dot_general3A_338 {dimension_numbers = #tpu.dot_dimension_numbers<[0], [0], [1], [1], [0, 1, 1, 1], [], []>, transpose_lhs_hint = true} : vector<32x256xf32>, vector<32x128xf32>, vector<256x128xf32> -> vector<256x128xf32>
    %add3A_340 = arith.addf %add3A_332, %dot_general3A_339 : vector<256x128xf32>
    %slice3A_341 = vector.extract_strided_slice %get3A_4 {offsets = [0, 7680], sizes = [32, 256], strides = [1, 1]} : vector<32x32768xf32> to vector<32x256xf32>
    %dot_general3A_342 = arith.constant dense<0.000000e+00> : vector<256x128xf32>
    %dot_general3A_343 = tpu.matmul %slice3A_341, %convert_element_type3A_20, %dot_general3A_342 {dimension_numbers = #tpu.dot_dimension_numbers<[0], [0], [1], [1], [0, 1, 1, 1], [], []>, transpose_lhs_hint = true} : vector<32x256xf32>, vector<32x128xf32>, vector<256x128xf32> -> vector<256x128xf32>
    %add3A_344 = arith.addf %add3A_336, %dot_general3A_343 : vector<256x128xf32>
    %slice3A_345 = vector.extract_strided_slice %get3A_1 {offsets = [0, 7936], sizes = [32, 256], strides = [1, 1]} : vector<32x32768xf32> to vector<32x256xf32>
    %dot_general3A_346 = arith.constant dense<0.000000e+00> : vector<256x128xf32>
    %dot_general3A_347 = tpu.matmul %slice3A_345, %convert_element_type3A_26, %dot_general3A_346 {dimension_numbers = #tpu.dot_dimension_numbers<[0], [0], [1], [1], [0, 1, 1, 1], [], []>, transpose_lhs_hint = true} : vector<32x256xf32>, vector<32x128xf32>, vector<256x128xf32> -> vector<256x128xf32>
    %add3A_348 = arith.addf %add3A_340, %dot_general3A_347 : vector<256x128xf32>
    %slice3A_349 = vector.extract_strided_slice %get3A_4 {offsets = [0, 7936], sizes = [32, 256], strides = [1, 1]} : vector<32x32768xf32> to vector<32x256xf32>
    %dot_general3A_350 = arith.constant dense<0.000000e+00> : vector<256x128xf32>
    %dot_general3A_351 = tpu.matmul %slice3A_349, %convert_element_type3A_26, %dot_general3A_350 {dimension_numbers = #tpu.dot_dimension_numbers<[0], [0], [1], [1], [0, 1, 1, 1], [], []>, transpose_lhs_hint = true} : vector<32x256xf32>, vector<32x128xf32>, vector<256x128xf32> -> vector<256x128xf32>
    %add3A_352 = arith.addf %add3A_344, %dot_general3A_351 : vector<256x128xf32>
    %swap3A_353 = arith.constant 1792 : index
    %swap3A_354 = arith.constant 0 : index
    %swap3A_355 = vector.load %arg3[%swap3A_353, %swap3A_354] : memref<8192x128xf32, #tpu.memory_space<vmem>>, vector<256x128xf32>
    tpu.vector_store %arg3[%swap3A_353, %swap3A_354], %add3A_348 {strides = array<i32>} : memref<8192x128xf32, #tpu.memory_space<vmem>>, vector<256x128xf32>,
    %swap3A_356 = arith.constant 1792 : index
    %swap3A_357 = arith.constant 0 : index
    %swap3A_358 = vector.load %arg4[%swap3A_356, %swap3A_357] : memref<8192x128xf32, #tpu.memory_space<vmem>>, vector<256x128xf32>
    tpu.vector_store %arg4[%swap3A_356, %swap3A_357], %add3A_352 {strides = array<i32>} : memref<8192x128xf32, #tpu.memory_space<vmem>>, vector<256x128xf32>,
    %broadcast_in_dim3A_359 = arith.constant 0.000000e+00 : f32
    %broadcast_in_dim3A_360 = vector.broadcast %broadcast_in_dim3A_359 : f32 to vector<256x128xf32>
    %broadcast_in_dim3A_361 = arith.constant 0.000000e+00 : f32
    %broadcast_in_dim3A_362 = vector.broadcast %broadcast_in_dim3A_361 : f32 to vector<256x128xf32>
    %slice3A_363 = vector.extract_strided_slice %get3A_1 {offsets = [0, 8192], sizes = [32, 256], strides = [1, 1]} : vector<32x32768xf32> to vector<32x256xf32>
    %dot_general3A_364 = arith.constant dense<0.000000e+00> : vector<256x128xf32>
    %dot_general3A_365 = tpu.matmul %slice3A_363, %convert_element_type3A_8, %dot_general3A_364 {dimension_numbers = #tpu.dot_dimension_numbers<[0], [0], [1], [1], [0, 1, 1, 1], [], []>, transpose_lhs_hint = true} : vector<32x256xf32>, vector<32x128xf32>, vector<256x128xf32> -> vector<256x128xf32>
    %add3A_366 = arith.addf %broadcast_in_dim3A_360, %dot_general3A_365 : vector<256x128xf32>
    %slice3A_367 = vector.extract_strided_slice %get3A_4 {offsets = [0, 8192], sizes = [32, 256], strides = [1, 1]} : vector<32x32768xf32> to vector<32x256xf32>
    %dot_general3A_368 = arith.constant dense<0.000000e+00> : vector<256x128xf32>
    %dot_general3A_369 = tpu.matmul %slice3A_367, %convert_element_type3A_8, %dot_general3A_368 {dimension_numbers = #tpu.dot_dimension_numbers<[0], [0], [1], [1], [0, 1, 1, 1], [], []>, transpose_lhs_hint = true} : vector<32x256xf32>, vector<32x128xf32>, vector<256x128xf32> -> vector<256x128xf32>
    %add3A_370 = arith.addf %broadcast_in_dim3A_362, %dot_general3A_369 : vector<256x128xf32>
    %slice3A_371 = vector.extract_strided_slice %get3A_1 {offsets = [0, 8448], sizes = [32, 256], strides = [1, 1]} : vector<32x32768xf32> to vector<32x256xf32>
    %dot_general3A_372 = arith.constant dense<0.000000e+00> : vector<256x128xf32>
    %dot_general3A_373 = tpu.matmul %slice3A_371, %convert_element_type3A_14, %dot_general3A_372 {dimension_numbers = #tpu.dot_dimension_numbers<[0], [0], [1], [1], [0, 1, 1, 1], [], []>, transpose_lhs_hint = true} : vector<32x256xf32>, vector<32x128xf32>, vector<256x128xf32> -> vector<256x128xf32>
    %add3A_374 = arith.addf %add3A_366, %dot_general3A_373 : vector<256x128xf32>
    %slice3A_375 = vector.extract_strided_slice %get3A_4 {offsets = [0, 8448], sizes = [32, 256], strides = [1, 1]} : vector<32x32768xf32> to vector<32x256xf32>
    %dot_general3A_376 = arith.constant dense<0.000000e+00> : vector<256x128xf32>
    %dot_general3A_377 = tpu.matmul %slice3A_375, %convert_element_type3A_14, %dot_general3A_376 {dimension_numbers = #tpu.dot_dimension_numbers<[0], [0], [1], [1], [0, 1, 1, 1], [], []>, transpose_lhs_hint = true} : vector<32x256xf32>, vector<32x128xf32>, vector<256x128xf32> -> vector<256x128xf32>
    %add3A_378 = arith.addf %add3A_370, %dot_general3A_377 : vector<256x128xf32>
    %slice3A_379 = vector.extract_strided_slice %get3A_1 {offsets = [0, 8704], sizes = [32, 256], strides = [1, 1]} : vector<32x32768xf32> to vector<32x256xf32>
    %dot_general3A_380 = arith.constant dense<0.000000e+00> : vector<256x128xf32>
    %dot_general3A_381 = tpu.matmul %slice3A_379, %convert_element_type3A_20, %dot_general3A_380 {dimension_numbers = #tpu.dot_dimension_numbers<[0], [0], [1], [1], [0, 1, 1, 1], [], []>, transpose_lhs_hint = true} : vector<32x256xf32>, vector<32x128xf32>, vector<256x128xf32> -> vector<256x128xf32>
    %add3A_382 = arith.addf %add3A_374, %dot_general3A_381 : vector<256x128xf32>
    %slice3A_383 = vector.extract_strided_slice %get3A_4 {offsets = [0, 8704], sizes = [32, 256], strides = [1, 1]} : vector<32x32768xf32> to vector<32x256xf32>
    %dot_general3A_384 = arith.constant dense<0.000000e+00> : vector<256x128xf32>
    %dot_general3A_385 = tpu.matmul %slice3A_383, %convert_element_type3A_20, %dot_general3A_384 {dimension_numbers = #tpu.dot_dimension_numbers<[0], [0], [1], [1], [0, 1, 1, 1], [], []>, transpose_lhs_hint = true} : vector<32x256xf32>, vector<32x128xf32>, vector<256x128xf32> -> vector<256x128xf32>
    %add3A_386 = arith.addf %add3A_378, %dot_general3A_385 : vector<256x128xf32>
    %slice3A_387 = vector.extract_strided_slice %get3A_1 {offsets = [0, 8960], sizes = [32, 256], strides = [1, 1]} : vector<32x32768xf32> to vector<32x256xf32>
    %dot_general3A_388 = arith.constant dense<0.000000e+00> : vector<256x128xf32>
    %dot_general3A_389 = tpu.matmul %slice3A_387, %convert_element_type3A_26, %dot_general3A_388 {dimension_numbers = #tpu.dot_dimension_numbers<[0], [0], [1], [1], [0, 1, 1, 1], [], []>, transpose_lhs_hint = true} : vector<32x256xf32>, vector<32x128xf32>, vector<256x128xf32> -> vector<256x128xf32>
    %add3A_390 = arith.addf %add3A_382, %dot_general3A_389 : vector<256x128xf32>
    %slice3A_391 = vector.extract_strided_slice %get3A_4 {offsets = [0, 8960], sizes = [32, 256], strides = [1, 1]} : vector<32x32768xf32> to vector<32x256xf32>
    %dot_general3A_392 = arith.constant dense<0.000000e+00> : vector<256x128xf32>
    %dot_general3A_393 = tpu.matmul %slice3A_391, %convert_element_type3A_26, %dot_general3A_392 {dimension_numbers = #tpu.dot_dimension_numbers<[0], [0], [1], [1], [0, 1, 1, 1], [], []>, transpose_lhs_hint = true} : vector<32x256xf32>, vector<32x128xf32>, vector<256x128xf32> -> vector<256x128xf32>
    %add3A_394 = arith.addf %add3A_386, %dot_general3A_393 : vector<256x128xf32>
    %swap3A_395 = arith.constant 2048 : index
    %swap3A_396 = arith.constant 0 : index
    %swap3A_397 = vector.load %arg3[%swap3A_395, %swap3A_396] : memref<8192x128xf32, #tpu.memory_space<vmem>>, vector<256x128xf32>
    tpu.vector_store %arg3[%swap3A_395, %swap3A_396], %add3A_390 {strides = array<i32>} : memref<8192x128xf32, #tpu.memory_space<vmem>>, vector<256x128xf32>,
    %swap3A_398 = arith.constant 2048 : index
    %swap3A_399 = arith.constant 0 : index
    %swap3A_400 = vector.load %arg4[%swap3A_398, %swap3A_399] : memref<8192x128xf32, #tpu.memory_space<vmem>>, vector<256x128xf32>
    tpu.vector_store %arg4[%swap3A_398, %swap3A_399], %add3A_394 {strides = array<i32>} : memref<8192x128xf32, #tpu.memory_space<vmem>>, vector<256x128xf32>,
    %broadcast_in_dim3A_401 = arith.constant 0.000000e+00 : f32
    %broadcast_in_dim3A_402 = vector.broadcast %broadcast_in_dim3A_401 : f32 to vector<256x128xf32>
    %broadcast_in_dim3A_403 = arith.constant 0.000000e+00 : f32
    %broadcast_in_dim3A_404 = vector.broadcast %broadcast_in_dim3A_403 : f32 to vector<256x128xf32>
    %slice3A_405 = vector.extract_strided_slice %get3A_1 {offsets = [0, 9216], sizes = [32, 256], strides = [1, 1]} : vector<32x32768xf32> to vector<32x256xf32>
    %dot_general3A_406 = arith.constant dense<0.000000e+00> : vector<256x128xf32>
    %dot_general3A_407 = tpu.matmul %slice3A_405, %convert_element_type3A_8, %dot_general3A_406 {dimension_numbers = #tpu.dot_dimension_numbers<[0], [0], [1], [1], [0, 1, 1, 1], [], []>, transpose_lhs_hint = true} : vector<32x256xf32>, vector<32x128xf32>, vector<256x128xf32> -> vector<256x128xf32>
    %add3A_408 = arith.addf %broadcast_in_dim3A_402, %dot_general3A_407 : vector<256x128xf32>
    %slice3A_409 = vector.extract_strided_slice %get3A_4 {offsets = [0, 9216], sizes = [32, 256], strides = [1, 1]} : vector<32x32768xf32> to vector<32x256xf32>
    %dot_general3A_410 = arith.constant dense<0.000000e+00> : vector<256x128xf32>
    %dot_general3A_411 = tpu.matmul %slice3A_409, %convert_element_type3A_8, %dot_general3A_410 {dimension_numbers = #tpu.dot_dimension_numbers<[0], [0], [1], [1], [0, 1, 1, 1], [], []>, transpose_lhs_hint = true} : vector<32x256xf32>, vector<32x128xf32>, vector<256x128xf32> -> vector<256x128xf32>
    %add3A_412 = arith.addf %broadcast_in_dim3A_404, %dot_general3A_411 : vector<256x128xf32>
    %slice3A_413 = vector.extract_strided_slice %get3A_1 {offsets = [0, 9472], sizes = [32, 256], strides = [1, 1]} : vector<32x32768xf32> to vector<32x256xf32>
    %dot_general3A_414 = arith.constant dense<0.000000e+00> : vector<256x128xf32>
    %dot_general3A_415 = tpu.matmul %slice3A_413, %convert_element_type3A_14, %dot_general3A_414 {dimension_numbers = #tpu.dot_dimension_numbers<[0], [0], [1], [1], [0, 1, 1, 1], [], []>, transpose_lhs_hint = true} : vector<32x256xf32>, vector<32x128xf32>, vector<256x128xf32> -> vector<256x128xf32>
    %add3A_416 = arith.addf %add3A_408, %dot_general3A_415 : vector<256x128xf32>
    %slice3A_417 = vector.extract_strided_slice %get3A_4 {offsets = [0, 9472], sizes = [32, 256], strides = [1, 1]} : vector<32x32768xf32> to vector<32x256xf32>
    %dot_general3A_418 = arith.constant dense<0.000000e+00> : vector<256x128xf32>
    %dot_general3A_419 = tpu.matmul %slice3A_417, %convert_element_type3A_14, %dot_general3A_418 {dimension_numbers = #tpu.dot_dimension_numbers<[0], [0], [1], [1], [0, 1, 1, 1], [], []>, transpose_lhs_hint = true} : vector<32x256xf32>, vector<32x128xf32>, vector<256x128xf32> -> vector<256x128xf32>
    %add3A_420 = arith.addf %add3A_412, %dot_general3A_419 : vector<256x128xf32>
    %slice3A_421 = vector.extract_strided_slice %get3A_1 {offsets = [0, 9728], sizes = [32, 256], strides = [1, 1]} : vector<32x32768xf32> to vector<32x256xf32>
    %dot_general3A_422 = arith.constant dense<0.000000e+00> : vector<256x128xf32>
    %dot_general3A_423 = tpu.matmul %slice3A_421, %convert_element_type3A_20, %dot_general3A_422 {dimension_numbers = #tpu.dot_dimension_numbers<[0], [0], [1], [1], [0, 1, 1, 1], [], []>, transpose_lhs_hint = true} : vector<32x256xf32>, vector<32x128xf32>, vector<256x128xf32> -> vector<256x128xf32>
    %add3A_424 = arith.addf %add3A_416, %dot_general3A_423 : vector<256x128xf32>
    %slice3A_425 = vector.extract_strided_slice %get3A_4 {offsets = [0, 9728], sizes = [32, 256], strides = [1, 1]} : vector<32x32768xf32> to vector<32x256xf32>
    %dot_general3A_426 = arith.constant dense<0.000000e+00> : vector<256x128xf32>
    %dot_general3A_427 = tpu.matmul %slice3A_425, %convert_element_type3A_20, %dot_general3A_426 {dimension_numbers = #tpu.dot_dimension_numbers<[0], [0], [1], [1], [0, 1, 1, 1], [], []>, transpose_lhs_hint = true} : vector<32x256xf32>, vector<32x128xf32>, vector<256x128xf32> -> vector<256x128xf32>
    %add3A_428 = arith.addf %add3A_420, %dot_general3A_427 : vector<256x128xf32>
    %slice3A_429 = vector.extract_strided_slice %get3A_1 {offsets = [0, 9984], sizes = [32, 256], strides = [1, 1]} : vector<32x32768xf32> to vector<32x256xf32>
    %dot_general3A_430 = arith.constant dense<0.000000e+00> : vector<256x128xf32>
    %dot_general3A_431 = tpu.matmul %slice3A_429, %convert_element_type3A_26, %dot_general3A_430 {dimension_numbers = #tpu.dot_dimension_numbers<[0], [0], [1], [1], [0, 1, 1, 1], [], []>, transpose_lhs_hint = true} : vector<32x256xf32>, vector<32x128xf32>, vector<256x128xf32> -> vector<256x128xf32>
    %add3A_432 = arith.addf %add3A_424, %dot_general3A_431 : vector<256x128xf32>
    %slice3A_433 = vector.extract_strided_slice %get3A_4 {offsets = [0, 9984], sizes = [32, 256], strides = [1, 1]} : vector<32x32768xf32> to vector<32x256xf32>
    %dot_general3A_434 = arith.constant dense<0.000000e+00> : vector<256x128xf32>
    %dot_general3A_435 = tpu.matmul %slice3A_433, %convert_element_type3A_26, %dot_general3A_434 {dimension_numbers = #tpu.dot_dimension_numbers<[0], [0], [1], [1], [0, 1, 1, 1], [], []>, transpose_lhs_hint = true} : vector<32x256xf32>, vector<32x128xf32>, vector<256x128xf32> -> vector<256x128xf32>
    %add3A_436 = arith.addf %add3A_428, %dot_general3A_435 : vector<256x128xf32>
    %swap3A_437 = arith.constant 2304 : index
    %swap3A_438 = arith.constant 0 : index
    %swap3A_439 = vector.load %arg3[%swap3A_437, %swap3A_438] : memref<8192x128xf32, #tpu.memory_space<vmem>>, vector<256x128xf32>
    tpu.vector_store %arg3[%swap3A_437, %swap3A_438], %add3A_432 {strides = array<i32>} : memref<8192x128xf32, #tpu.memory_space<vmem>>, vector<256x128xf32>,
    %swap3A_440 = arith.constant 2304 : index
    %swap3A_441 = arith.constant 0 : index
    %swap3A_442 = vector.load %arg4[%swap3A_440, %swap3A_441] : memref<8192x128xf32, #tpu.memory_space<vmem>>, vector<256x128xf32>
    tpu.vector_store %arg4[%swap3A_440, %swap3A_441], %add3A_436 {strides = array<i32>} : memref<8192x128xf32, #tpu.memory_space<vmem>>, vector<256x128xf32>,
    %broadcast_in_dim3A_443 = arith.constant 0.000000e+00 : f32
    %broadcast_in_dim3A_444 = vector.broadcast %broadcast_in_dim3A_443 : f32 to vector<256x128xf32>
    %broadcast_in_dim3A_445 = arith.constant 0.000000e+00 : f32
    %broadcast_in_dim3A_446 = vector.broadcast %broadcast_in_dim3A_445 : f32 to vector<256x128xf32>
    %slice3A_447 = vector.extract_strided_slice %get3A_1 {offsets = [0, 10240], sizes = [32, 256], strides = [1, 1]} : vector<32x32768xf32> to vector<32x256xf32>
    %dot_general3A_448 = arith.constant dense<0.000000e+00> : vector<256x128xf32>
    %dot_general3A_449 = tpu.matmul %slice3A_447, %convert_element_type3A_8, %dot_general3A_448 {dimension_numbers = #tpu.dot_dimension_numbers<[0], [0], [1], [1], [0, 1, 1, 1], [], []>, transpose_lhs_hint = true} : vector<32x256xf32>, vector<32x128xf32>, vector<256x128xf32> -> vector<256x128xf32>
    %add3A_450 = arith.addf %broadcast_in_dim3A_444, %dot_general3A_449 : vector<256x128xf32>
    %slice3A_451 = vector.extract_strided_slice %get3A_4 {offsets = [0, 10240], sizes = [32, 256], strides = [1, 1]} : vector<32x32768xf32> to vector<32x256xf32>
    %dot_general3A_452 = arith.constant dense<0.000000e+00> : vector<256x128xf32>
    %dot_general3A_453 = tpu.matmul %slice3A_451, %convert_element_type3A_8, %dot_general3A_452 {dimension_numbers = #tpu.dot_dimension_numbers<[0], [0], [1], [1], [0, 1, 1, 1], [], []>, transpose_lhs_hint = true} : vector<32x256xf32>, vector<32x128xf32>, vector<256x128xf32> -> vector<256x128xf32>
    %add3A_454 = arith.addf %broadcast_in_dim3A_446, %dot_general3A_453 : vector<256x128xf32>
    %slice3A_455 = vector.extract_strided_slice %get3A_1 {offsets = [0, 10496], sizes = [32, 256], strides = [1, 1]} : vector<32x32768xf32> to vector<32x256xf32>
    %dot_general3A_456 = arith.constant dense<0.000000e+00> : vector<256x128xf32>
    %dot_general3A_457 = tpu.matmul %slice3A_455, %convert_element_type3A_14, %dot_general3A_456 {dimension_numbers = #tpu.dot_dimension_numbers<[0], [0], [1], [1], [0, 1, 1, 1], [], []>, transpose_lhs_hint = true} : vector<32x256xf32>, vector<32x128xf32>, vector<256x128xf32> -> vector<256x128xf32>
    %add3A_458 = arith.addf %add3A_450, %dot_general3A_457 : vector<256x128xf32>
    %slice3A_459 = vector.extract_strided_slice %get3A_4 {offsets = [0, 10496], sizes = [32, 256], strides = [1, 1]} : vector<32x32768xf32> to vector<32x256xf32>
    %dot_general3A_460 = arith.constant dense<0.000000e+00> : vector<256x128xf32>
    %dot_general3A_461 = tpu.matmul %slice3A_459, %convert_element_type3A_14, %dot_general3A_460 {dimension_numbers = #tpu.dot_dimension_numbers<[0], [0], [1], [1], [0, 1, 1, 1], [], []>, transpose_lhs_hint = true} : vector<32x256xf32>, vector<32x128xf32>, vector<256x128xf32> -> vector<256x128xf32>
    %add3A_462 = arith.addf %add3A_454, %dot_general3A_461 : vector<256x128xf32>
    %slice3A_463 = vector.extract_strided_slice %get3A_1 {offsets = [0, 10752], sizes = [32, 256], strides = [1, 1]} : vector<32x32768xf32> to vector<32x256xf32>
    %dot_general3A_464 = arith.constant dense<0.000000e+00> : vector<256x128xf32>
    %dot_general3A_465 = tpu.matmul %slice3A_463, %convert_element_type3A_20, %dot_general3A_464 {dimension_numbers = #tpu.dot_dimension_numbers<[0], [0], [1], [1], [0, 1, 1, 1], [], []>, transpose_lhs_hint = true} : vector<32x256xf32>, vector<32x128xf32>, vector<256x128xf32> -> vector<256x128xf32>
    %add3A_466 = arith.addf %add3A_458, %dot_general3A_465 : vector<256x128xf32>
    %slice3A_467 = vector.extract_strided_slice %get3A_4 {offsets = [0, 10752], sizes = [32, 256], strides = [1, 1]} : vector<32x32768xf32> to vector<32x256xf32>
    %dot_general3A_468 = arith.constant dense<0.000000e+00> : vector<256x128xf32>
    %dot_general3A_469 = tpu.matmul %slice3A_467, %convert_element_type3A_20, %dot_general3A_468 {dimension_numbers = #tpu.dot_dimension_numbers<[0], [0], [1], [1], [0, 1, 1, 1], [], []>, transpose_lhs_hint = true} : vector<32x256xf32>, vector<32x128xf32>, vector<256x128xf32> -> vector<256x128xf32>
    %add3A_470 = arith.addf %add3A_462, %dot_general3A_469 : vector<256x128xf32>
    %slice3A_471 = vector.extract_strided_slice %get3A_1 {offsets = [0, 11008], sizes = [32, 256], strides = [1, 1]} : vector<32x32768xf32> to vector<32x256xf32>
    %dot_general3A_472 = arith.constant dense<0.000000e+00> : vector<256x128xf32>
    %dot_general3A_473 = tpu.matmul %slice3A_471, %convert_element_type3A_26, %dot_general3A_472 {dimension_numbers = #tpu.dot_dimension_numbers<[0], [0], [1], [1], [0, 1, 1, 1], [], []>, transpose_lhs_hint = true} : vector<32x256xf32>, vector<32x128xf32>, vector<256x128xf32> -> vector<256x128xf32>
    %add3A_474 = arith.addf %add3A_466, %dot_general3A_473 : vector<256x128xf32>
    %slice3A_475 = vector.extract_strided_slice %get3A_4 {offsets = [0, 11008], sizes = [32, 256], strides = [1, 1]} : vector<32x32768xf32> to vector<32x256xf32>
    %dot_general3A_476 = arith.constant dense<0.000000e+00> : vector<256x128xf32>
    %dot_general3A_477 = tpu.matmul %slice3A_475, %convert_element_type3A_26, %dot_general3A_476 {dimension_numbers = #tpu.dot_dimension_numbers<[0], [0], [1], [1], [0, 1, 1, 1], [], []>, transpose_lhs_hint = true} : vector<32x256xf32>, vector<32x128xf32>, vector<256x128xf32> -> vector<256x128xf32>
    %add3A_478 = arith.addf %add3A_470, %dot_general3A_477 : vector<256x128xf32>
    %swap3A_479 = arith.constant 2560 : index
    %swap3A_480 = arith.constant 0 : index
    %swap3A_481 = vector.load %arg3[%swap3A_479, %swap3A_480] : memref<8192x128xf32, #tpu.memory_space<vmem>>, vector<256x128xf32>
    tpu.vector_store %arg3[%swap3A_479, %swap3A_480], %add3A_474 {strides = array<i32>} : memref<8192x128xf32, #tpu.memory_space<vmem>>, vector<256x128xf32>,
    %swap3A_482 = arith.constant 2560 : index
    %swap3A_483 = arith.constant 0 : index
    %swap3A_484 = vector.load %arg4[%swap3A_482, %swap3A_483] : memref<8192x128xf32, #tpu.memory_space<vmem>>, vector<256x128xf32>
    tpu.vector_store %arg4[%swap3A_482, %swap3A_483], %add3A_478 {strides = array<i32>} : memref<8192x128xf32, #tpu.memory_space<vmem>>, vector<256x128xf32>,
    %broadcast_in_dim3A_485 = arith.constant 0.000000e+00 : f32
    %broadcast_in_dim3A_486 = vector.broadcast %broadcast_in_dim3A_485 : f32 to vector<256x128xf32>
    %broadcast_in_dim3A_487 = arith.constant 0.000000e+00 : f32
    %broadcast_in_dim3A_488 = vector.broadcast %broadcast_in_dim3A_487 : f32 to vector<256x128xf32>
    %slice3A_489 = vector.extract_strided_slice %get3A_1 {offsets = [0, 11264], sizes = [32, 256], strides = [1, 1]} : vector<32x32768xf32> to vector<32x256xf32>
    %dot_general3A_490 = arith.constant dense<0.000000e+00> : vector<256x128xf32>
    %dot_general3A_491 = tpu.matmul %slice3A_489, %convert_element_type3A_8, %dot_general3A_490 {dimension_numbers = #tpu.dot_dimension_numbers<[0], [0], [1], [1], [0, 1, 1, 1], [], []>, transpose_lhs_hint = true} : vector<32x256xf32>, vector<32x128xf32>, vector<256x128xf32> -> vector<256x128xf32>
    %add3A_492 = arith.addf %broadcast_in_dim3A_486, %dot_general3A_491 : vector<256x128xf32>
    %slice3A_493 = vector.extract_strided_slice %get3A_4 {offsets = [0, 11264], sizes = [32, 256], strides = [1, 1]} : vector<32x32768xf32> to vector<32x256xf32>
    %dot_general3A_494 = arith.constant dense<0.000000e+00> : vector<256x128xf32>
    %dot_general3A_495 = tpu.matmul %slice3A_493, %convert_element_type3A_8, %dot_general3A_494 {dimension_numbers = #tpu.dot_dimension_numbers<[0], [0], [1], [1], [0, 1, 1, 1], [], []>, transpose_lhs_hint = true} : vector<32x256xf32>, vector<32x128xf32>, vector<256x128xf32> -> vector<256x128xf32>
    %add3A_496 = arith.addf %broadcast_in_dim3A_488, %dot_general3A_495 : vector<256x128xf32>
    %slice3A_497 = vector.extract_strided_slice %get3A_1 {offsets = [0, 11520], sizes = [32, 256], strides = [1, 1]} : vector<32x32768xf32> to vector<32x256xf32>
    %dot_general3A_498 = arith.constant dense<0.000000e+00> : vector<256x128xf32>
    %dot_general3A_499 = tpu.matmul %slice3A_497, %convert_element_type3A_14, %dot_general3A_498 {dimension_numbers = #tpu.dot_dimension_numbers<[0], [0], [1], [1], [0, 1, 1, 1], [], []>, transpose_lhs_hint = true} : vector<32x256xf32>, vector<32x128xf32>, vector<256x128xf32> -> vector<256x128xf32>
    %add3A_500 = arith.addf %add3A_492, %dot_general3A_499 : vector<256x128xf32>
    %slice3A_501 = vector.extract_strided_slice %get3A_4 {offsets = [0, 11520], sizes = [32, 256], strides = [1, 1]} : vector<32x32768xf32> to vector<32x256xf32>
    %dot_general3A_502 = arith.constant dense<0.000000e+00> : vector<256x128xf32>
    %dot_general3A_503 = tpu.matmul %slice3A_501, %convert_element_type3A_14, %dot_general3A_502 {dimension_numbers = #tpu.dot_dimension_numbers<[0], [0], [1], [1], [0, 1, 1, 1], [], []>, transpose_lhs_hint = true} : vector<32x256xf32>, vector<32x128xf32>, vector<256x128xf32> -> vector<256x128xf32>
    %add3A_504 = arith.addf %add3A_496, %dot_general3A_503 : vector<256x128xf32>
    %slice3A_505 = vector.extract_strided_slice %get3A_1 {offsets = [0, 11776], sizes = [32, 256], strides = [1, 1]} : vector<32x32768xf32> to vector<32x256xf32>
    %dot_general3A_506 = arith.constant dense<0.000000e+00> : vector<256x128xf32>
    %dot_general3A_507 = tpu.matmul %slice3A_505, %convert_element_type3A_20, %dot_general3A_506 {dimension_numbers = #tpu.dot_dimension_numbers<[0], [0], [1], [1], [0, 1, 1, 1], [], []>, transpose_lhs_hint = true} : vector<32x256xf32>, vector<32x128xf32>, vector<256x128xf32> -> vector<256x128xf32>
    %add3A_508 = arith.addf %add3A_500, %dot_general3A_507 : vector<256x128xf32>
    %slice3A_509 = vector.extract_strided_slice %get3A_4 {offsets = [0, 11776], sizes = [32, 256], strides = [1, 1]} : vector<32x32768xf32> to vector<32x256xf32>
    %dot_general3A_510 = arith.constant dense<0.000000e+00> : vector<256x128xf32>
    %dot_general3A_511 = tpu.matmul %slice3A_509, %convert_element_type3A_20, %dot_general3A_510 {dimension_numbers = #tpu.dot_dimension_numbers<[0], [0], [1], [1], [0, 1, 1, 1], [], []>, transpose_lhs_hint = true} : vector<32x256xf32>, vector<32x128xf32>, vector<256x128xf32> -> vector<256x128xf32>
    %add3A_512 = arith.addf %add3A_504, %dot_general3A_511 : vector<256x128xf32>
    %slice3A_513 = vector.extract_strided_slice %get3A_1 {offsets = [0, 12032], sizes = [32, 256], strides = [1, 1]} : vector<32x32768xf32> to vector<32x256xf32>
    %dot_general3A_514 = arith.constant dense<0.000000e+00> : vector<256x128xf32>
    %dot_general3A_515 = tpu.matmul %slice3A_513, %convert_element_type3A_26, %dot_general3A_514 {dimension_numbers = #tpu.dot_dimension_numbers<[0], [0], [1], [1], [0, 1, 1, 1], [], []>, transpose_lhs_hint = true} : vector<32x256xf32>, vector<32x128xf32>, vector<256x128xf32> -> vector<256x128xf32>
    %add3A_516 = arith.addf %add3A_508, %dot_general3A_515 : vector<256x128xf32>
    %slice3A_517 = vector.extract_strided_slice %get3A_4 {offsets = [0, 12032], sizes = [32, 256], strides = [1, 1]} : vector<32x32768xf32> to vector<32x256xf32>
    %dot_general3A_518 = arith.constant dense<0.000000e+00> : vector<256x128xf32>
    %dot_general3A_519 = tpu.matmul %slice3A_517, %convert_element_type3A_26, %dot_general3A_518 {dimension_numbers = #tpu.dot_dimension_numbers<[0], [0], [1], [1], [0, 1, 1, 1], [], []>, transpose_lhs_hint = true} : vector<32x256xf32>, vector<32x128xf32>, vector<256x128xf32> -> vector<256x128xf32>
    %add3A_520 = arith.addf %add3A_512, %dot_general3A_519 : vector<256x128xf32>
    %swap3A_521 = arith.constant 2816 : index
    %swap3A_522 = arith.constant 0 : index
    %swap3A_523 = vector.load %arg3[%swap3A_521, %swap3A_522] : memref<8192x128xf32, #tpu.memory_space<vmem>>, vector<256x128xf32>
    tpu.vector_store %arg3[%swap3A_521, %swap3A_522], %add3A_516 {strides = array<i32>} : memref<8192x128xf32, #tpu.memory_space<vmem>>, vector<256x128xf32>,
    %swap3A_524 = arith.constant 2816 : index
    %swap3A_525 = arith.constant 0 : index
    %swap3A_526 = vector.load %arg4[%swap3A_524, %swap3A_525] : memref<8192x128xf32, #tpu.memory_space<vmem>>, vector<256x128xf32>
    tpu.vector_store %arg4[%swap3A_524, %swap3A_525], %add3A_520 {strides = array<i32>} : memref<8192x128xf32, #tpu.memory_space<vmem>>, vector<256x128xf32>,
    %broadcast_in_dim3A_527 = arith.constant 0.000000e+00 : f32
    %broadcast_in_dim3A_528 = vector.broadcast %broadcast_in_dim3A_527 : f32 to vector<256x128xf32>
    %broadcast_in_dim3A_529 = arith.constant 0.000000e+00 : f32
    %broadcast_in_dim3A_530 = vector.broadcast %broadcast_in_dim3A_529 : f32 to vector<256x128xf32>
    %slice3A_531 = vector.extract_strided_slice %get3A_1 {offsets = [0, 12288], sizes = [32, 256], strides = [1, 1]} : vector<32x32768xf32> to vector<32x256xf32>
    %dot_general3A_532 = arith.constant dense<0.000000e+00> : vector<256x128xf32>
    %dot_general3A_533 = tpu.matmul %slice3A_531, %convert_element_type3A_8, %dot_general3A_532 {dimension_numbers = #tpu.dot_dimension_numbers<[0], [0], [1], [1], [0, 1, 1, 1], [], []>, transpose_lhs_hint = true} : vector<32x256xf32>, vector<32x128xf32>, vector<256x128xf32> -> vector<256x128xf32>
    %add3A_534 = arith.addf %broadcast_in_dim3A_528, %dot_general3A_533 : vector<256x128xf32>
    %slice3A_535 = vector.extract_strided_slice %get3A_4 {offsets = [0, 12288], sizes = [32, 256], strides = [1, 1]} : vector<32x32768xf32> to vector<32x256xf32>
    %dot_general3A_536 = arith.constant dense<0.000000e+00> : vector<256x128xf32>
    %dot_general3A_537 = tpu.matmul %slice3A_535, %convert_element_type3A_8, %dot_general3A_536 {dimension_numbers = #tpu.dot_dimension_numbers<[0], [0], [1], [1], [0, 1, 1, 1], [], []>, transpose_lhs_hint = true} : vector<32x256xf32>, vector<32x128xf32>, vector<256x128xf32> -> vector<256x128xf32>
    %add3A_538 = arith.addf %broadcast_in_dim3A_530, %dot_general3A_537 : vector<256x128xf32>
    %slice3A_539 = vector.extract_strided_slice %get3A_1 {offsets = [0, 12544], sizes = [32, 256], strides = [1, 1]} : vector<32x32768xf32> to vector<32x256xf32>
    %dot_general3A_540 = arith.constant dense<0.000000e+00> : vector<256x128xf32>
    %dot_general3A_541 = tpu.matmul %slice3A_539, %convert_element_type3A_14, %dot_general3A_540 {dimension_numbers = #tpu.dot_dimension_numbers<[0], [0], [1], [1], [0, 1, 1, 1], [], []>, transpose_lhs_hint = true} : vector<32x256xf32>, vector<32x128xf32>, vector<256x128xf32> -> vector<256x128xf32>
    %add3A_542 = arith.addf %add3A_534, %dot_general3A_541 : vector<256x128xf32>
    %slice3A_543 = vector.extract_strided_slice %get3A_4 {offsets = [0, 12544], sizes = [32, 256], strides = [1, 1]} : vector<32x32768xf32> to vector<32x256xf32>
    %dot_general3A_544 = arith.constant dense<0.000000e+00> : vector<256x128xf32>
    %dot_general3A_545 = tpu.matmul %slice3A_543, %convert_element_type3A_14, %dot_general3A_544 {dimension_numbers = #tpu.dot_dimension_numbers<[0], [0], [1], [1], [0, 1, 1, 1], [], []>, transpose_lhs_hint = true} : vector<32x256xf32>, vector<32x128xf32>, vector<256x128xf32> -> vector<256x128xf32>
    %add3A_546 = arith.addf %add3A_538, %dot_general3A_545 : vector<256x128xf32>
    %slice3A_547 = vector.extract_strided_slice %get3A_1 {offsets = [0, 12800], sizes = [32, 256], strides = [1, 1]} : vector<32x32768xf32> to vector<32x256xf32>
    %dot_general3A_548 = arith.constant dense<0.000000e+00> : vector<256x128xf32>
    %dot_general3A_549 = tpu.matmul %slice3A_547, %convert_element_type3A_20, %dot_general3A_548 {dimension_numbers = #tpu.dot_dimension_numbers<[0], [0], [1], [1], [0, 1, 1, 1], [], []>, transpose_lhs_hint = true} : vector<32x256xf32>, vector<32x128xf32>, vector<256x128xf32> -> vector<256x128xf32>
    %add3A_550 = arith.addf %add3A_542, %dot_general3A_549 : vector<256x128xf32>
    %slice3A_551 = vector.extract_strided_slice %get3A_4 {offsets = [0, 12800], sizes = [32, 256], strides = [1, 1]} : vector<32x32768xf32> to vector<32x256xf32>
    %dot_general3A_552 = arith.constant dense<0.000000e+00> : vector<256x128xf32>
    %dot_general3A_553 = tpu.matmul %slice3A_551, %convert_element_type3A_20, %dot_general3A_552 {dimension_numbers = #tpu.dot_dimension_numbers<[0], [0], [1], [1], [0, 1, 1, 1], [], []>, transpose_lhs_hint = true} : vector<32x256xf32>, vector<32x128xf32>, vector<256x128xf32> -> vector<256x128xf32>
    %add3A_554 = arith.addf %add3A_546, %dot_general3A_553 : vector<256x128xf32>
    %slice3A_555 = vector.extract_strided_slice %get3A_1 {offsets = [0, 13056], sizes = [32, 256], strides = [1, 1]} : vector<32x32768xf32> to vector<32x256xf32>
    %dot_general3A_556 = arith.constant dense<0.000000e+00> : vector<256x128xf32>
    %dot_general3A_557 = tpu.matmul %slice3A_555, %convert_element_type3A_26, %dot_general3A_556 {dimension_numbers = #tpu.dot_dimension_numbers<[0], [0], [1], [1], [0, 1, 1, 1], [], []>, transpose_lhs_hint = true} : vector<32x256xf32>, vector<32x128xf32>, vector<256x128xf32> -> vector<256x128xf32>
    %add3A_558 = arith.addf %add3A_550, %dot_general3A_557 : vector<256x128xf32>
    %slice3A_559 = vector.extract_strided_slice %get3A_4 {offsets = [0, 13056], sizes = [32, 256], strides = [1, 1]} : vector<32x32768xf32> to vector<32x256xf32>
    %dot_general3A_560 = arith.constant dense<0.000000e+00> : vector<256x128xf32>
    %dot_general3A_561 = tpu.matmul %slice3A_559, %convert_element_type3A_26, %dot_general3A_560 {dimension_numbers = #tpu.dot_dimension_numbers<[0], [0], [1], [1], [0, 1, 1, 1], [], []>, transpose_lhs_hint = true} : vector<32x256xf32>, vector<32x128xf32>, vector<256x128xf32> -> vector<256x128xf32>
    %add3A_562 = arith.addf %add3A_554, %dot_general3A_561 : vector<256x128xf32>
    %swap3A_563 = arith.constant 3072 : index
    %swap3A_564 = arith.constant 0 : index
    %swap3A_565 = vector.load %arg3[%swap3A_563, %swap3A_564] : memref<8192x128xf32, #tpu.memory_space<vmem>>, vector<256x128xf32>
    tpu.vector_store %arg3[%swap3A_563, %swap3A_564], %add3A_558 {strides = array<i32>} : memref<8192x128xf32, #tpu.memory_space<vmem>>, vector<256x128xf32>,
    %swap3A_566 = arith.constant 3072 : index
    %swap3A_567 = arith.constant 0 : index
    %swap3A_568 = vector.load %arg4[%swap3A_566, %swap3A_567] : memref<8192x128xf32, #tpu.memory_space<vmem>>, vector<256x128xf32>
    tpu.vector_store %arg4[%swap3A_566, %swap3A_567], %add3A_562 {strides = array<i32>} : memref<8192x128xf32, #tpu.memory_space<vmem>>, vector<256x128xf32>,
    %broadcast_in_dim3A_569 = arith.constant 0.000000e+00 : f32
    %broadcast_in_dim3A_570 = vector.broadcast %broadcast_in_dim3A_569 : f32 to vector<256x128xf32>
    %broadcast_in_dim3A_571 = arith.constant 0.000000e+00 : f32
    %broadcast_in_dim3A_572 = vector.broadcast %broadcast_in_dim3A_571 : f32 to vector<256x128xf32>
    %slice3A_573 = vector.extract_strided_slice %get3A_1 {offsets = [0, 13312], sizes = [32, 256], strides = [1, 1]} : vector<32x32768xf32> to vector<32x256xf32>
    %dot_general3A_574 = arith.constant dense<0.000000e+00> : vector<256x128xf32>
    %dot_general3A_575 = tpu.matmul %slice3A_573, %convert_element_type3A_8, %dot_general3A_574 {dimension_numbers = #tpu.dot_dimension_numbers<[0], [0], [1], [1], [0, 1, 1, 1], [], []>, transpose_lhs_hint = true} : vector<32x256xf32>, vector<32x128xf32>, vector<256x128xf32> -> vector<256x128xf32>
    %add3A_576 = arith.addf %broadcast_in_dim3A_570, %dot_general3A_575 : vector<256x128xf32>
    %slice3A_577 = vector.extract_strided_slice %get3A_4 {offsets = [0, 13312], sizes = [32, 256], strides = [1, 1]} : vector<32x32768xf32> to vector<32x256xf32>
    %dot_general3A_578 = arith.constant dense<0.000000e+00> : vector<256x128xf32>
    %dot_general3A_579 = tpu.matmul %slice3A_577, %convert_element_type3A_8, %dot_general3A_578 {dimension_numbers = #tpu.dot_dimension_numbers<[0], [0], [1], [1], [0, 1, 1, 1], [], []>, transpose_lhs_hint = true} : vector<32x256xf32>, vector<32x128xf32>, vector<256x128xf32> -> vector<256x128xf32>
    %add3A_580 = arith.addf %broadcast_in_dim3A_572, %dot_general3A_579 : vector<256x128xf32>
    %slice3A_581 = vector.extract_strided_slice %get3A_1 {offsets = [0, 13568], sizes = [32, 256], strides = [1, 1]} : vector<32x32768xf32> to vector<32x256xf32>
    %dot_general3A_582 = arith.constant dense<0.000000e+00> : vector<256x128xf32>
    %dot_general3A_583 = tpu.matmul %slice3A_581, %convert_element_type3A_14, %dot_general3A_582 {dimension_numbers = #tpu.dot_dimension_numbers<[0], [0], [1], [1], [0, 1, 1, 1], [], []>, transpose_lhs_hint = true} : vector<32x256xf32>, vector<32x128xf32>, vector<256x128xf32> -> vector<256x128xf32>
    %add3A_584 = arith.addf %add3A_576, %dot_general3A_583 : vector<256x128xf32>
    %slice3A_585 = vector.extract_strided_slice %get3A_4 {offsets = [0, 13568], sizes = [32, 256], strides = [1, 1]} : vector<32x32768xf32> to vector<32x256xf32>
    %dot_general3A_586 = arith.constant dense<0.000000e+00> : vector<256x128xf32>
    %dot_general3A_587 = tpu.matmul %slice3A_585, %convert_element_type3A_14, %dot_general3A_586 {dimension_numbers = #tpu.dot_dimension_numbers<[0], [0], [1], [1], [0, 1, 1, 1], [], []>, transpose_lhs_hint = true} : vector<32x256xf32>, vector<32x128xf32>, vector<256x128xf32> -> vector<256x128xf32>
    %add3A_588 = arith.addf %add3A_580, %dot_general3A_587 : vector<256x128xf32>
    %slice3A_589 = vector.extract_strided_slice %get3A_1 {offsets = [0, 13824], sizes = [32, 256], strides = [1, 1]} : vector<32x32768xf32> to vector<32x256xf32>
    %dot_general3A_590 = arith.constant dense<0.000000e+00> : vector<256x128xf32>
    %dot_general3A_591 = tpu.matmul %slice3A_589, %convert_element_type3A_20, %dot_general3A_590 {dimension_numbers = #tpu.dot_dimension_numbers<[0], [0], [1], [1], [0, 1, 1, 1], [], []>, transpose_lhs_hint = true} : vector<32x256xf32>, vector<32x128xf32>, vector<256x128xf32> -> vector<256x128xf32>
    %add3A_592 = arith.addf %add3A_584, %dot_general3A_591 : vector<256x128xf32>
    %slice3A_593 = vector.extract_strided_slice %get3A_4 {offsets = [0, 13824], sizes = [32, 256], strides = [1, 1]} : vector<32x32768xf32> to vector<32x256xf32>
    %dot_general3A_594 = arith.constant dense<0.000000e+00> : vector<256x128xf32>
    %dot_general3A_595 = tpu.matmul %slice3A_593, %convert_element_type3A_20, %dot_general3A_594 {dimension_numbers = #tpu.dot_dimension_numbers<[0], [0], [1], [1], [0, 1, 1, 1], [], []>, transpose_lhs_hint = true} : vector<32x256xf32>, vector<32x128xf32>, vector<256x128xf32> -> vector<256x128xf32>
    %add3A_596 = arith.addf %add3A_588, %dot_general3A_595 : vector<256x128xf32>
    %slice3A_597 = vector.extract_strided_slice %get3A_1 {offsets = [0, 14080], sizes = [32, 256], strides = [1, 1]} : vector<32x32768xf32> to vector<32x256xf32>
    %dot_general3A_598 = arith.constant dense<0.000000e+00> : vector<256x128xf32>
    %dot_general3A_599 = tpu.matmul %slice3A_597, %convert_element_type3A_26, %dot_general3A_598 {dimension_numbers = #tpu.dot_dimension_numbers<[0], [0], [1], [1], [0, 1, 1, 1], [], []>, transpose_lhs_hint = true} : vector<32x256xf32>, vector<32x128xf32>, vector<256x128xf32> -> vector<256x128xf32>
    %add3A_600 = arith.addf %add3A_592, %dot_general3A_599 : vector<256x128xf32>
    %slice3A_601 = vector.extract_strided_slice %get3A_4 {offsets = [0, 14080], sizes = [32, 256], strides = [1, 1]} : vector<32x32768xf32> to vector<32x256xf32>
    %dot_general3A_602 = arith.constant dense<0.000000e+00> : vector<256x128xf32>
    %dot_general3A_603 = tpu.matmul %slice3A_601, %convert_element_type3A_26, %dot_general3A_602 {dimension_numbers = #tpu.dot_dimension_numbers<[0], [0], [1], [1], [0, 1, 1, 1], [], []>, transpose_lhs_hint = true} : vector<32x256xf32>, vector<32x128xf32>, vector<256x128xf32> -> vector<256x128xf32>
    %add3A_604 = arith.addf %add3A_596, %dot_general3A_603 : vector<256x128xf32>
    %swap3A_605 = arith.constant 3328 : index
    %swap3A_606 = arith.constant 0 : index
    %swap3A_607 = vector.load %arg3[%swap3A_605, %swap3A_606] : memref<8192x128xf32, #tpu.memory_space<vmem>>, vector<256x128xf32>
    tpu.vector_store %arg3[%swap3A_605, %swap3A_606], %add3A_600 {strides = array<i32>} : memref<8192x128xf32, #tpu.memory_space<vmem>>, vector<256x128xf32>,
    %swap3A_608 = arith.constant 3328 : index
    %swap3A_609 = arith.constant 0 : index
    %swap3A_610 = vector.load %arg4[%swap3A_608, %swap3A_609] : memref<8192x128xf32, #tpu.memory_space<vmem>>, vector<256x128xf32>
    tpu.vector_store %arg4[%swap3A_608, %swap3A_609], %add3A_604 {strides = array<i32>} : memref<8192x128xf32, #tpu.memory_space<vmem>>, vector<256x128xf32>,
    %broadcast_in_dim3A_611 = arith.constant 0.000000e+00 : f32
    %broadcast_in_dim3A_612 = vector.broadcast %broadcast_in_dim3A_611 : f32 to vector<256x128xf32>
    %broadcast_in_dim3A_613 = arith.constant 0.000000e+00 : f32
    %broadcast_in_dim3A_614 = vector.broadcast %broadcast_in_dim3A_613 : f32 to vector<256x128xf32>
    %slice3A_615 = vector.extract_strided_slice %get3A_1 {offsets = [0, 14336], sizes = [32, 256], strides = [1, 1]} : vector<32x32768xf32> to vector<32x256xf32>
    %dot_general3A_616 = arith.constant dense<0.000000e+00> : vector<256x128xf32>
    %dot_general3A_617 = tpu.matmul %slice3A_615, %convert_element_type3A_8, %dot_general3A_616 {dimension_numbers = #tpu.dot_dimension_numbers<[0], [0], [1], [1], [0, 1, 1, 1], [], []>, transpose_lhs_hint = true} : vector<32x256xf32>, vector<32x128xf32>, vector<256x128xf32> -> vector<256x128xf32>
    %add3A_618 = arith.addf %broadcast_in_dim3A_612, %dot_general3A_617 : vector<256x128xf32>
    %slice3A_619 = vector.extract_strided_slice %get3A_4 {offsets = [0, 14336], sizes = [32, 256], strides = [1, 1]} : vector<32x32768xf32> to vector<32x256xf32>
    %dot_general3A_620 = arith.constant dense<0.000000e+00> : vector<256x128xf32>
    %dot_general3A_621 = tpu.matmul %slice3A_619, %convert_element_type3A_8, %dot_general3A_620 {dimension_numbers = #tpu.dot_dimension_numbers<[0], [0], [1], [1], [0, 1, 1, 1], [], []>, transpose_lhs_hint = true} : vector<32x256xf32>, vector<32x128xf32>, vector<256x128xf32> -> vector<256x128xf32>
    %add3A_622 = arith.addf %broadcast_in_dim3A_614, %dot_general3A_621 : vector<256x128xf32>
    %slice3A_623 = vector.extract_strided_slice %get3A_1 {offsets = [0, 14592], sizes = [32, 256], strides = [1, 1]} : vector<32x32768xf32> to vector<32x256xf32>
    %dot_general3A_624 = arith.constant dense<0.000000e+00> : vector<256x128xf32>
    %dot_general3A_625 = tpu.matmul %slice3A_623, %convert_element_type3A_14, %dot_general3A_624 {dimension_numbers = #tpu.dot_dimension_numbers<[0], [0], [1], [1], [0, 1, 1, 1], [], []>, transpose_lhs_hint = true} : vector<32x256xf32>, vector<32x128xf32>, vector<256x128xf32> -> vector<256x128xf32>
    %add3A_626 = arith.addf %add3A_618, %dot_general3A_625 : vector<256x128xf32>
    %slice3A_627 = vector.extract_strided_slice %get3A_4 {offsets = [0, 14592], sizes = [32, 256], strides = [1, 1]} : vector<32x32768xf32> to vector<32x256xf32>
    %dot_general3A_628 = arith.constant dense<0.000000e+00> : vector<256x128xf32>
    %dot_general3A_629 = tpu.matmul %slice3A_627, %convert_element_type3A_14, %dot_general3A_628 {dimension_numbers = #tpu.dot_dimension_numbers<[0], [0], [1], [1], [0, 1, 1, 1], [], []>, transpose_lhs_hint = true} : vector<32x256xf32>, vector<32x128xf32>, vector<256x128xf32> -> vector<256x128xf32>
    %add3A_630 = arith.addf %add3A_622, %dot_general3A_629 : vector<256x128xf32>
    %slice3A_631 = vector.extract_strided_slice %get3A_1 {offsets = [0, 14848], sizes = [32, 256], strides = [1, 1]} : vector<32x32768xf32> to vector<32x256xf32>
    %dot_general3A_632 = arith.constant dense<0.000000e+00> : vector<256x128xf32>
    %dot_general3A_633 = tpu.matmul %slice3A_631, %convert_element_type3A_20, %dot_general3A_632 {dimension_numbers = #tpu.dot_dimension_numbers<[0], [0], [1], [1], [0, 1, 1, 1], [], []>, transpose_lhs_hint = true} : vector<32x256xf32>, vector<32x128xf32>, vector<256x128xf32> -> vector<256x128xf32>
    %add3A_634 = arith.addf %add3A_626, %dot_general3A_633 : vector<256x128xf32>
    %slice3A_635 = vector.extract_strided_slice %get3A_4 {offsets = [0, 14848], sizes = [32, 256], strides = [1, 1]} : vector<32x32768xf32> to vector<32x256xf32>
    %dot_general3A_636 = arith.constant dense<0.000000e+00> : vector<256x128xf32>
    %dot_general3A_637 = tpu.matmul %slice3A_635, %convert_element_type3A_20, %dot_general3A_636 {dimension_numbers = #tpu.dot_dimension_numbers<[0], [0], [1], [1], [0, 1, 1, 1], [], []>, transpose_lhs_hint = true} : vector<32x256xf32>, vector<32x128xf32>, vector<256x128xf32> -> vector<256x128xf32>
    %add3A_638 = arith.addf %add3A_630, %dot_general3A_637 : vector<256x128xf32>
    %slice3A_639 = vector.extract_strided_slice %get3A_1 {offsets = [0, 15104], sizes = [32, 256], strides = [1, 1]} : vector<32x32768xf32> to vector<32x256xf32>
    %dot_general3A_640 = arith.constant dense<0.000000e+00> : vector<256x128xf32>
    %dot_general3A_641 = tpu.matmul %slice3A_639, %convert_element_type3A_26, %dot_general3A_640 {dimension_numbers = #tpu.dot_dimension_numbers<[0], [0], [1], [1], [0, 1, 1, 1], [], []>, transpose_lhs_hint = true} : vector<32x256xf32>, vector<32x128xf32>, vector<256x128xf32> -> vector<256x128xf32>
    %add3A_642 = arith.addf %add3A_634, %dot_general3A_641 : vector<256x128xf32>
    %slice3A_643 = vector.extract_strided_slice %get3A_4 {offsets = [0, 15104], sizes = [32, 256], strides = [1, 1]} : vector<32x32768xf32> to vector<32x256xf32>
    %dot_general3A_644 = arith.constant dense<0.000000e+00> : vector<256x128xf32>
    %dot_general3A_645 = tpu.matmul %slice3A_643, %convert_element_type3A_26, %dot_general3A_644 {dimension_numbers = #tpu.dot_dimension_numbers<[0], [0], [1], [1], [0, 1, 1, 1], [], []>, transpose_lhs_hint = true} : vector<32x256xf32>, vector<32x128xf32>, vector<256x128xf32> -> vector<256x128xf32>
    %add3A_646 = arith.addf %add3A_638, %dot_general3A_645 : vector<256x128xf32>
    %swap3A_647 = arith.constant 3584 : index
    %swap3A_648 = arith.constant 0 : index
    %swap3A_649 = vector.load %arg3[%swap3A_647, %swap3A_648] : memref<8192x128xf32, #tpu.memory_space<vmem>>, vector<256x128xf32>
    tpu.vector_store %arg3[%swap3A_647, %swap3A_648], %add3A_642 {strides = array<i32>} : memref<8192x128xf32, #tpu.memory_space<vmem>>, vector<256x128xf32>,
    %swap3A_650 = arith.constant 3584 : index
    %swap3A_651 = arith.constant 0 : index
    %swap3A_652 = vector.load %arg4[%swap3A_650, %swap3A_651] : memref<8192x128xf32, #tpu.memory_space<vmem>>, vector<256x128xf32>
    tpu.vector_store %arg4[%swap3A_650, %swap3A_651], %add3A_646 {strides = array<i32>} : memref<8192x128xf32, #tpu.memory_space<vmem>>, vector<256x128xf32>,
    %broadcast_in_dim3A_653 = arith.constant 0.000000e+00 : f32
    %broadcast_in_dim3A_654 = vector.broadcast %broadcast_in_dim3A_653 : f32 to vector<256x128xf32>
    %broadcast_in_dim3A_655 = arith.constant 0.000000e+00 : f32
    %broadcast_in_dim3A_656 = vector.broadcast %broadcast_in_dim3A_655 : f32 to vector<256x128xf32>
    %slice3A_657 = vector.extract_strided_slice %get3A_1 {offsets = [0, 15360], sizes = [32, 256], strides = [1, 1]} : vector<32x32768xf32> to vector<32x256xf32>
    %dot_general3A_658 = arith.constant dense<0.000000e+00> : vector<256x128xf32>
    %dot_general3A_659 = tpu.matmul %slice3A_657, %convert_element_type3A_8, %dot_general3A_658 {dimension_numbers = #tpu.dot_dimension_numbers<[0], [0], [1], [1], [0, 1, 1, 1], [], []>, transpose_lhs_hint = true} : vector<32x256xf32>, vector<32x128xf32>, vector<256x128xf32> -> vector<256x128xf32>
    %add3A_660 = arith.addf %broadcast_in_dim3A_654, %dot_general3A_659 : vector<256x128xf32>
    %slice3A_661 = vector.extract_strided_slice %get3A_4 {offsets = [0, 15360], sizes = [32, 256], strides = [1, 1]} : vector<32x32768xf32> to vector<32x256xf32>
    %dot_general3A_662 = arith.constant dense<0.000000e+00> : vector<256x128xf32>
    %dot_general3A_663 = tpu.matmul %slice3A_661, %convert_element_type3A_8, %dot_general3A_662 {dimension_numbers = #tpu.dot_dimension_numbers<[0], [0], [1], [1], [0, 1, 1, 1], [], []>, transpose_lhs_hint = true} : vector<32x256xf32>, vector<32x128xf32>, vector<256x128xf32> -> vector<256x128xf32>
    %add3A_664 = arith.addf %broadcast_in_dim3A_656, %dot_general3A_663 : vector<256x128xf32>
    %slice3A_665 = vector.extract_strided_slice %get3A_1 {offsets = [0, 15616], sizes = [32, 256], strides = [1, 1]} : vector<32x32768xf32> to vector<32x256xf32>
    %dot_general3A_666 = arith.constant dense<0.000000e+00> : vector<256x128xf32>
    %dot_general3A_667 = tpu.matmul %slice3A_665, %convert_element_type3A_14, %dot_general3A_666 {dimension_numbers = #tpu.dot_dimension_numbers<[0], [0], [1], [1], [0, 1, 1, 1], [], []>, transpose_lhs_hint = true} : vector<32x256xf32>, vector<32x128xf32>, vector<256x128xf32> -> vector<256x128xf32>
    %add3A_668 = arith.addf %add3A_660, %dot_general3A_667 : vector<256x128xf32>
    %slice3A_669 = vector.extract_strided_slice %get3A_4 {offsets = [0, 15616], sizes = [32, 256], strides = [1, 1]} : vector<32x32768xf32> to vector<32x256xf32>
    %dot_general3A_670 = arith.constant dense<0.000000e+00> : vector<256x128xf32>
    %dot_general3A_671 = tpu.matmul %slice3A_669, %convert_element_type3A_14, %dot_general3A_670 {dimension_numbers = #tpu.dot_dimension_numbers<[0], [0], [1], [1], [0, 1, 1, 1], [], []>, transpose_lhs_hint = true} : vector<32x256xf32>, vector<32x128xf32>, vector<256x128xf32> -> vector<256x128xf32>
    %add3A_672 = arith.addf %add3A_664, %dot_general3A_671 : vector<256x128xf32>
    %slice3A_673 = vector.extract_strided_slice %get3A_1 {offsets = [0, 15872], sizes = [32, 256], strides = [1, 1]} : vector<32x32768xf32> to vector<32x256xf32>
    %dot_general3A_674 = arith.constant dense<0.000000e+00> : vector<256x128xf32>
    %dot_general3A_675 = tpu.matmul %slice3A_673, %convert_element_type3A_20, %dot_general3A_674 {dimension_numbers = #tpu.dot_dimension_numbers<[0], [0], [1], [1], [0, 1, 1, 1], [], []>, transpose_lhs_hint = true} : vector<32x256xf32>, vector<32x128xf32>, vector<256x128xf32> -> vector<256x128xf32>
    %add3A_676 = arith.addf %add3A_668, %dot_general3A_675 : vector<256x128xf32>
    %slice3A_677 = vector.extract_strided_slice %get3A_4 {offsets = [0, 15872], sizes = [32, 256], strides = [1, 1]} : vector<32x32768xf32> to vector<32x256xf32>
    %dot_general3A_678 = arith.constant dense<0.000000e+00> : vector<256x128xf32>
    %dot_general3A_679 = tpu.matmul %slice3A_677, %convert_element_type3A_20, %dot_general3A_678 {dimension_numbers = #tpu.dot_dimension_numbers<[0], [0], [1], [1], [0, 1, 1, 1], [], []>, transpose_lhs_hint = true} : vector<32x256xf32>, vector<32x128xf32>, vector<256x128xf32> -> vector<256x128xf32>
    %add3A_680 = arith.addf %add3A_672, %dot_general3A_679 : vector<256x128xf32>
    %slice3A_681 = vector.extract_strided_slice %get3A_1 {offsets = [0, 16128], sizes = [32, 256], strides = [1, 1]} : vector<32x32768xf32> to vector<32x256xf32>
    %dot_general3A_682 = arith.constant dense<0.000000e+00> : vector<256x128xf32>
    %dot_general3A_683 = tpu.matmul %slice3A_681, %convert_element_type3A_26, %dot_general3A_682 {dimension_numbers = #tpu.dot_dimension_numbers<[0], [0], [1], [1], [0, 1, 1, 1], [], []>, transpose_lhs_hint = true} : vector<32x256xf32>, vector<32x128xf32>, vector<256x128xf32> -> vector<256x128xf32>
    %add3A_684 = arith.addf %add3A_676, %dot_general3A_683 : vector<256x128xf32>
    %slice3A_685 = vector.extract_strided_slice %get3A_4 {offsets = [0, 16128], sizes = [32, 256], strides = [1, 1]} : vector<32x32768xf32> to vector<32x256xf32>
    %dot_general3A_686 = arith.constant dense<0.000000e+00> : vector<256x128xf32>
    %dot_general3A_687 = tpu.matmul %slice3A_685, %convert_element_type3A_26, %dot_general3A_686 {dimension_numbers = #tpu.dot_dimension_numbers<[0], [0], [1], [1], [0, 1, 1, 1], [], []>, transpose_lhs_hint = true} : vector<32x256xf32>, vector<32x128xf32>, vector<256x128xf32> -> vector<256x128xf32>
    %add3A_688 = arith.addf %add3A_680, %dot_general3A_687 : vector<256x128xf32>
    %swap3A_689 = arith.constant 3840 : index
    %swap3A_690 = arith.constant 0 : index
    %swap3A_691 = vector.load %arg3[%swap3A_689, %swap3A_690] : memref<8192x128xf32, #tpu.memory_space<vmem>>, vector<256x128xf32>
    tpu.vector_store %arg3[%swap3A_689, %swap3A_690], %add3A_684 {strides = array<i32>} : memref<8192x128xf32, #tpu.memory_space<vmem>>, vector<256x128xf32>,
    %swap3A_692 = arith.constant 3840 : index
    %swap3A_693 = arith.constant 0 : index
    %swap3A_694 = vector.load %arg4[%swap3A_692, %swap3A_693] : memref<8192x128xf32, #tpu.memory_space<vmem>>, vector<256x128xf32>
    tpu.vector_store %arg4[%swap3A_692, %swap3A_693], %add3A_688 {strides = array<i32>} : memref<8192x128xf32, #tpu.memory_space<vmem>>, vector<256x128xf32>,
    %broadcast_in_dim3A_695 = arith.constant 0.000000e+00 : f32
    %broadcast_in_dim3A_696 = vector.broadcast %broadcast_in_dim3A_695 : f32 to vector<256x128xf32>
    %broadcast_in_dim3A_697 = arith.constant 0.000000e+00 : f32
    %broadcast_in_dim3A_698 = vector.broadcast %broadcast_in_dim3A_697 : f32 to vector<256x128xf32>
    %slice3A_699 = vector.extract_strided_slice %get3A_1 {offsets = [0, 16384], sizes = [32, 256], strides = [1, 1]} : vector<32x32768xf32> to vector<32x256xf32>
    %dot_general3A_700 = arith.constant dense<0.000000e+00> : vector<256x128xf32>
    %dot_general3A_701 = tpu.matmul %slice3A_699, %convert_element_type3A_8, %dot_general3A_700 {dimension_numbers = #tpu.dot_dimension_numbers<[0], [0], [1], [1], [0, 1, 1, 1], [], []>, transpose_lhs_hint = true} : vector<32x256xf32>, vector<32x128xf32>, vector<256x128xf32> -> vector<256x128xf32>
    %add3A_702 = arith.addf %broadcast_in_dim3A_696, %dot_general3A_701 : vector<256x128xf32>
    %slice3A_703 = vector.extract_strided_slice %get3A_4 {offsets = [0, 16384], sizes = [32, 256], strides = [1, 1]} : vector<32x32768xf32> to vector<32x256xf32>
    %dot_general3A_704 = arith.constant dense<0.000000e+00> : vector<256x128xf32>
    %dot_general3A_705 = tpu.matmul %slice3A_703, %convert_element_type3A_8, %dot_general3A_704 {dimension_numbers = #tpu.dot_dimension_numbers<[0], [0], [1], [1], [0, 1, 1, 1], [], []>, transpose_lhs_hint = true} : vector<32x256xf32>, vector<32x128xf32>, vector<256x128xf32> -> vector<256x128xf32>
    %add3A_706 = arith.addf %broadcast_in_dim3A_698, %dot_general3A_705 : vector<256x128xf32>
    %slice3A_707 = vector.extract_strided_slice %get3A_1 {offsets = [0, 16640], sizes = [32, 256], strides = [1, 1]} : vector<32x32768xf32> to vector<32x256xf32>
    %dot_general3A_708 = arith.constant dense<0.000000e+00> : vector<256x128xf32>
    %dot_general3A_709 = tpu.matmul %slice3A_707, %convert_element_type3A_14, %dot_general3A_708 {dimension_numbers = #tpu.dot_dimension_numbers<[0], [0], [1], [1], [0, 1, 1, 1], [], []>, transpose_lhs_hint = true} : vector<32x256xf32>, vector<32x128xf32>, vector<256x128xf32> -> vector<256x128xf32>
    %add3A_710 = arith.addf %add3A_702, %dot_general3A_709 : vector<256x128xf32>
    %slice3A_711 = vector.extract_strided_slice %get3A_4 {offsets = [0, 16640], sizes = [32, 256], strides = [1, 1]} : vector<32x32768xf32> to vector<32x256xf32>
    %dot_general3A_712 = arith.constant dense<0.000000e+00> : vector<256x128xf32>
    %dot_general3A_713 = tpu.matmul %slice3A_711, %convert_element_type3A_14, %dot_general3A_712 {dimension_numbers = #tpu.dot_dimension_numbers<[0], [0], [1], [1], [0, 1, 1, 1], [], []>, transpose_lhs_hint = true} : vector<32x256xf32>, vector<32x128xf32>, vector<256x128xf32> -> vector<256x128xf32>
    %add3A_714 = arith.addf %add3A_706, %dot_general3A_713 : vector<256x128xf32>
    %slice3A_715 = vector.extract_strided_slice %get3A_1 {offsets = [0, 16896], sizes = [32, 256], strides = [1, 1]} : vector<32x32768xf32> to vector<32x256xf32>
    %dot_general3A_716 = arith.constant dense<0.000000e+00> : vector<256x128xf32>
    %dot_general3A_717 = tpu.matmul %slice3A_715, %convert_element_type3A_20, %dot_general3A_716 {dimension_numbers = #tpu.dot_dimension_numbers<[0], [0], [1], [1], [0, 1, 1, 1], [], []>, transpose_lhs_hint = true} : vector<32x256xf32>, vector<32x128xf32>, vector<256x128xf32> -> vector<256x128xf32>
    %add3A_718 = arith.addf %add3A_710, %dot_general3A_717 : vector<256x128xf32>
    %slice3A_719 = vector.extract_strided_slice %get3A_4 {offsets = [0, 16896], sizes = [32, 256], strides = [1, 1]} : vector<32x32768xf32> to vector<32x256xf32>
    %dot_general3A_720 = arith.constant dense<0.000000e+00> : vector<256x128xf32>
    %dot_general3A_721 = tpu.matmul %slice3A_719, %convert_element_type3A_20, %dot_general3A_720 {dimension_numbers = #tpu.dot_dimension_numbers<[0], [0], [1], [1], [0, 1, 1, 1], [], []>, transpose_lhs_hint = true} : vector<32x256xf32>, vector<32x128xf32>, vector<256x128xf32> -> vector<256x128xf32>
    %add3A_722 = arith.addf %add3A_714, %dot_general3A_721 : vector<256x128xf32>
    %slice3A_723 = vector.extract_strided_slice %get3A_1 {offsets = [0, 17152], sizes = [32, 256], strides = [1, 1]} : vector<32x32768xf32> to vector<32x256xf32>
    %dot_general3A_724 = arith.constant dense<0.000000e+00> : vector<256x128xf32>
    %dot_general3A_725 = tpu.matmul %slice3A_723, %convert_element_type3A_26, %dot_general3A_724 {dimension_numbers = #tpu.dot_dimension_numbers<[0], [0], [1], [1], [0, 1, 1, 1], [], []>, transpose_lhs_hint = true} : vector<32x256xf32>, vector<32x128xf32>, vector<256x128xf32> -> vector<256x128xf32>
    %add3A_726 = arith.addf %add3A_718, %dot_general3A_725 : vector<256x128xf32>
    %slice3A_727 = vector.extract_strided_slice %get3A_4 {offsets = [0, 17152], sizes = [32, 256], strides = [1, 1]} : vector<32x32768xf32> to vector<32x256xf32>
    %dot_general3A_728 = arith.constant dense<0.000000e+00> : vector<256x128xf32>
    %dot_general3A_729 = tpu.matmul %slice3A_727, %convert_element_type3A_26, %dot_general3A_728 {dimension_numbers = #tpu.dot_dimension_numbers<[0], [0], [1], [1], [0, 1, 1, 1], [], []>, transpose_lhs_hint = true} : vector<32x256xf32>, vector<32x128xf32>, vector<256x128xf32> -> vector<256x128xf32>
    %add3A_730 = arith.addf %add3A_722, %dot_general3A_729 : vector<256x128xf32>
    %swap3A_731 = arith.constant 4096 : index
    %swap3A_732 = arith.constant 0 : index
    %swap3A_733 = vector.load %arg3[%swap3A_731, %swap3A_732] : memref<8192x128xf32, #tpu.memory_space<vmem>>, vector<256x128xf32>
    tpu.vector_store %arg3[%swap3A_731, %swap3A_732], %add3A_726 {strides = array<i32>} : memref<8192x128xf32, #tpu.memory_space<vmem>>, vector<256x128xf32>,
    %swap3A_734 = arith.constant 4096 : index
    %swap3A_735 = arith.constant 0 : index
    %swap3A_736 = vector.load %arg4[%swap3A_734, %swap3A_735] : memref<8192x128xf32, #tpu.memory_space<vmem>>, vector<256x128xf32>
    tpu.vector_store %arg4[%swap3A_734, %swap3A_735], %add3A_730 {strides = array<i32>} : memref<8192x128xf32, #tpu.memory_space<vmem>>, vector<256x128xf32>,
    %broadcast_in_dim3A_737 = arith.constant 0.000000e+00 : f32
    %broadcast_in_dim3A_738 = vector.broadcast %broadcast_in_dim3A_737 : f32 to vector<256x128xf32>
    %broadcast_in_dim3A_739 = arith.constant 0.000000e+00 : f32
    %broadcast_in_dim3A_740 = vector.broadcast %broadcast_in_dim3A_739 : f32 to vector<256x128xf32>
    %slice3A_741 = vector.extract_strided_slice %get3A_1 {offsets = [0, 17408], sizes = [32, 256], strides = [1, 1]} : vector<32x32768xf32> to vector<32x256xf32>
    %dot_general3A_742 = arith.constant dense<0.000000e+00> : vector<256x128xf32>
    %dot_general3A_743 = tpu.matmul %slice3A_741, %convert_element_type3A_8, %dot_general3A_742 {dimension_numbers = #tpu.dot_dimension_numbers<[0], [0], [1], [1], [0, 1, 1, 1], [], []>, transpose_lhs_hint = true} : vector<32x256xf32>, vector<32x128xf32>, vector<256x128xf32> -> vector<256x128xf32>
    %add3A_744 = arith.addf %broadcast_in_dim3A_738, %dot_general3A_743 : vector<256x128xf32>
    %slice3A_745 = vector.extract_strided_slice %get3A_4 {offsets = [0, 17408], sizes = [32, 256], strides = [1, 1]} : vector<32x32768xf32> to vector<32x256xf32>
    %dot_general3A_746 = arith.constant dense<0.000000e+00> : vector<256x128xf32>
    %dot_general3A_747 = tpu.matmul %slice3A_745, %convert_element_type3A_8, %dot_general3A_746 {dimension_numbers = #tpu.dot_dimension_numbers<[0], [0], [1], [1], [0, 1, 1, 1], [], []>, transpose_lhs_hint = true} : vector<32x256xf32>, vector<32x128xf32>, vector<256x128xf32> -> vector<256x128xf32>
    %add3A_748 = arith.addf %broadcast_in_dim3A_740, %dot_general3A_747 : vector<256x128xf32>
    %slice3A_749 = vector.extract_strided_slice %get3A_1 {offsets = [0, 17664], sizes = [32, 256], strides = [1, 1]} : vector<32x32768xf32> to vector<32x256xf32>
    %dot_general3A_750 = arith.constant dense<0.000000e+00> : vector<256x128xf32>
    %dot_general3A_751 = tpu.matmul %slice3A_749, %convert_element_type3A_14, %dot_general3A_750 {dimension_numbers = #tpu.dot_dimension_numbers<[0], [0], [1], [1], [0, 1, 1, 1], [], []>, transpose_lhs_hint = true} : vector<32x256xf32>, vector<32x128xf32>, vector<256x128xf32> -> vector<256x128xf32>
    %add3A_752 = arith.addf %add3A_744, %dot_general3A_751 : vector<256x128xf32>
    %slice3A_753 = vector.extract_strided_slice %get3A_4 {offsets = [0, 17664], sizes = [32, 256], strides = [1, 1]} : vector<32x32768xf32> to vector<32x256xf32>
    %dot_general3A_754 = arith.constant dense<0.000000e+00> : vector<256x128xf32>
    %dot_general3A_755 = tpu.matmul %slice3A_753, %convert_element_type3A_14, %dot_general3A_754 {dimension_numbers = #tpu.dot_dimension_numbers<[0], [0], [1], [1], [0, 1, 1, 1], [], []>, transpose_lhs_hint = true} : vector<32x256xf32>, vector<32x128xf32>, vector<256x128xf32> -> vector<256x128xf32>
    %add3A_756 = arith.addf %add3A_748, %dot_general3A_755 : vector<256x128xf32>
    %slice3A_757 = vector.extract_strided_slice %get3A_1 {offsets = [0, 17920], sizes = [32, 256], strides = [1, 1]} : vector<32x32768xf32> to vector<32x256xf32>
    %dot_general3A_758 = arith.constant dense<0.000000e+00> : vector<256x128xf32>
    %dot_general3A_759 = tpu.matmul %slice3A_757, %convert_element_type3A_20, %dot_general3A_758 {dimension_numbers = #tpu.dot_dimension_numbers<[0], [0], [1], [1], [0, 1, 1, 1], [], []>, transpose_lhs_hint = true} : vector<32x256xf32>, vector<32x128xf32>, vector<256x128xf32> -> vector<256x128xf32>
    %add3A_760 = arith.addf %add3A_752, %dot_general3A_759 : vector<256x128xf32>
    %slice3A_761 = vector.extract_strided_slice %get3A_4 {offsets = [0, 17920], sizes = [32, 256], strides = [1, 1]} : vector<32x32768xf32> to vector<32x256xf32>
    %dot_general3A_762 = arith.constant dense<0.000000e+00> : vector<256x128xf32>
    %dot_general3A_763 = tpu.matmul %slice3A_761, %convert_element_type3A_20, %dot_general3A_762 {dimension_numbers = #tpu.dot_dimension_numbers<[0], [0], [1], [1], [0, 1, 1, 1], [], []>, transpose_lhs_hint = true} : vector<32x256xf32>, vector<32x128xf32>, vector<256x128xf32> -> vector<256x128xf32>
    %add3A_764 = arith.addf %add3A_756, %dot_general3A_763 : vector<256x128xf32>
    %slice3A_765 = vector.extract_strided_slice %get3A_1 {offsets = [0, 18176], sizes = [32, 256], strides = [1, 1]} : vector<32x32768xf32> to vector<32x256xf32>
    %dot_general3A_766 = arith.constant dense<0.000000e+00> : vector<256x128xf32>
    %dot_general3A_767 = tpu.matmul %slice3A_765, %convert_element_type3A_26, %dot_general3A_766 {dimension_numbers = #tpu.dot_dimension_numbers<[0], [0], [1], [1], [0, 1, 1, 1], [], []>, transpose_lhs_hint = true} : vector<32x256xf32>, vector<32x128xf32>, vector<256x128xf32> -> vector<256x128xf32>
    %add3A_768 = arith.addf %add3A_760, %dot_general3A_767 : vector<256x128xf32>
    %slice3A_769 = vector.extract_strided_slice %get3A_4 {offsets = [0, 18176], sizes = [32, 256], strides = [1, 1]} : vector<32x32768xf32> to vector<32x256xf32>
    %dot_general3A_770 = arith.constant dense<0.000000e+00> : vector<256x128xf32>
    %dot_general3A_771 = tpu.matmul %slice3A_769, %convert_element_type3A_26, %dot_general3A_770 {dimension_numbers = #tpu.dot_dimension_numbers<[0], [0], [1], [1], [0, 1, 1, 1], [], []>, transpose_lhs_hint = true} : vector<32x256xf32>, vector<32x128xf32>, vector<256x128xf32> -> vector<256x128xf32>
    %add3A_772 = arith.addf %add3A_764, %dot_general3A_771 : vector<256x128xf32>
    %swap3A_773 = arith.constant 4352 : index
    %swap3A_774 = arith.constant 0 : index
    %swap3A_775 = vector.load %arg3[%swap3A_773, %swap3A_774] : memref<8192x128xf32, #tpu.memory_space<vmem>>, vector<256x128xf32>
    tpu.vector_store %arg3[%swap3A_773, %swap3A_774], %add3A_768 {strides = array<i32>} : memref<8192x128xf32, #tpu.memory_space<vmem>>, vector<256x128xf32>,
    %swap3A_776 = arith.constant 4352 : index
    %swap3A_777 = arith.constant 0 : index
    %swap3A_778 = vector.load %arg4[%swap3A_776, %swap3A_777] : memref<8192x128xf32, #tpu.memory_space<vmem>>, vector<256x128xf32>
    tpu.vector_store %arg4[%swap3A_776, %swap3A_777], %add3A_772 {strides = array<i32>} : memref<8192x128xf32, #tpu.memory_space<vmem>>, vector<256x128xf32>,
    %broadcast_in_dim3A_779 = arith.constant 0.000000e+00 : f32
    %broadcast_in_dim3A_780 = vector.broadcast %broadcast_in_dim3A_779 : f32 to vector<256x128xf32>
    %broadcast_in_dim3A_781 = arith.constant 0.000000e+00 : f32
    %broadcast_in_dim3A_782 = vector.broadcast %broadcast_in_dim3A_781 : f32 to vector<256x128xf32>
    %slice3A_783 = vector.extract_strided_slice %get3A_1 {offsets = [0, 18432], sizes = [32, 256], strides = [1, 1]} : vector<32x32768xf32> to vector<32x256xf32>
    %dot_general3A_784 = arith.constant dense<0.000000e+00> : vector<256x128xf32>
    %dot_general3A_785 = tpu.matmul %slice3A_783, %convert_element_type3A_8, %dot_general3A_784 {dimension_numbers = #tpu.dot_dimension_numbers<[0], [0], [1], [1], [0, 1, 1, 1], [], []>, transpose_lhs_hint = true} : vector<32x256xf32>, vector<32x128xf32>, vector<256x128xf32> -> vector<256x128xf32>
    %add3A_786 = arith.addf %broadcast_in_dim3A_780, %dot_general3A_785 : vector<256x128xf32>
    %slice3A_787 = vector.extract_strided_slice %get3A_4 {offsets = [0, 18432], sizes = [32, 256], strides = [1, 1]} : vector<32x32768xf32> to vector<32x256xf32>
    %dot_general3A_788 = arith.constant dense<0.000000e+00> : vector<256x128xf32>
    %dot_general3A_789 = tpu.matmul %slice3A_787, %convert_element_type3A_8, %dot_general3A_788 {dimension_numbers = #tpu.dot_dimension_numbers<[0], [0], [1], [1], [0, 1, 1, 1], [], []>, transpose_lhs_hint = true} : vector<32x256xf32>, vector<32x128xf32>, vector<256x128xf32> -> vector<256x128xf32>
    %add3A_790 = arith.addf %broadcast_in_dim3A_782, %dot_general3A_789 : vector<256x128xf32>
    %slice3A_791 = vector.extract_strided_slice %get3A_1 {offsets = [0, 18688], sizes = [32, 256], strides = [1, 1]} : vector<32x32768xf32> to vector<32x256xf32>
    %dot_general3A_792 = arith.constant dense<0.000000e+00> : vector<256x128xf32>
    %dot_general3A_793 = tpu.matmul %slice3A_791, %convert_element_type3A_14, %dot_general3A_792 {dimension_numbers = #tpu.dot_dimension_numbers<[0], [0], [1], [1], [0, 1, 1, 1], [], []>, transpose_lhs_hint = true} : vector<32x256xf32>, vector<32x128xf32>, vector<256x128xf32> -> vector<256x128xf32>
    %add3A_794 = arith.addf %add3A_786, %dot_general3A_793 : vector<256x128xf32>
    %slice3A_795 = vector.extract_strided_slice %get3A_4 {offsets = [0, 18688], sizes = [32, 256], strides = [1, 1]} : vector<32x32768xf32> to vector<32x256xf32>
    %dot_general3A_796 = arith.constant dense<0.000000e+00> : vector<256x128xf32>
    %dot_general3A_797 = tpu.matmul %slice3A_795, %convert_element_type3A_14, %dot_general3A_796 {dimension_numbers = #tpu.dot_dimension_numbers<[0], [0], [1], [1], [0, 1, 1, 1], [], []>, transpose_lhs_hint = true} : vector<32x256xf32>, vector<32x128xf32>, vector<256x128xf32> -> vector<256x128xf32>
    %add3A_798 = arith.addf %add3A_790, %dot_general3A_797 : vector<256x128xf32>
    %slice3A_799 = vector.extract_strided_slice %get3A_1 {offsets = [0, 18944], sizes = [32, 256], strides = [1, 1]} : vector<32x32768xf32> to vector<32x256xf32>
    %dot_general3A_800 = arith.constant dense<0.000000e+00> : vector<256x128xf32>
    %dot_general3A_801 = tpu.matmul %slice3A_799, %convert_element_type3A_20, %dot_general3A_800 {dimension_numbers = #tpu.dot_dimension_numbers<[0], [0], [1], [1], [0, 1, 1, 1], [], []>, transpose_lhs_hint = true} : vector<32x256xf32>, vector<32x128xf32>, vector<256x128xf32> -> vector<256x128xf32>
    %add3A_802 = arith.addf %add3A_794, %dot_general3A_801 : vector<256x128xf32>
    %slice3A_803 = vector.extract_strided_slice %get3A_4 {offsets = [0, 18944], sizes = [32, 256], strides = [1, 1]} : vector<32x32768xf32> to vector<32x256xf32>
    %dot_general3A_804 = arith.constant dense<0.000000e+00> : vector<256x128xf32>
    %dot_general3A_805 = tpu.matmul %slice3A_803, %convert_element_type3A_20, %dot_general3A_804 {dimension_numbers = #tpu.dot_dimension_numbers<[0], [0], [1], [1], [0, 1, 1, 1], [], []>, transpose_lhs_hint = true} : vector<32x256xf32>, vector<32x128xf32>, vector<256x128xf32> -> vector<256x128xf32>
    %add3A_806 = arith.addf %add3A_798, %dot_general3A_805 : vector<256x128xf32>
    %slice3A_807 = vector.extract_strided_slice %get3A_1 {offsets = [0, 19200], sizes = [32, 256], strides = [1, 1]} : vector<32x32768xf32> to vector<32x256xf32>
    %dot_general3A_808 = arith.constant dense<0.000000e+00> : vector<256x128xf32>
    %dot_general3A_809 = tpu.matmul %slice3A_807, %convert_element_type3A_26, %dot_general3A_808 {dimension_numbers = #tpu.dot_dimension_numbers<[0], [0], [1], [1], [0, 1, 1, 1], [], []>, transpose_lhs_hint = true} : vector<32x256xf32>, vector<32x128xf32>, vector<256x128xf32> -> vector<256x128xf32>
    %add3A_810 = arith.addf %add3A_802, %dot_general3A_809 : vector<256x128xf32>
    %slice3A_811 = vector.extract_strided_slice %get3A_4 {offsets = [0, 19200], sizes = [32, 256], strides = [1, 1]} : vector<32x32768xf32> to vector<32x256xf32>
    %dot_general3A_812 = arith.constant dense<0.000000e+00> : vector<256x128xf32>
    %dot_general3A_813 = tpu.matmul %slice3A_811, %convert_element_type3A_26, %dot_general3A_812 {dimension_numbers = #tpu.dot_dimension_numbers<[0], [0], [1], [1], [0, 1, 1, 1], [], []>, transpose_lhs_hint = true} : vector<32x256xf32>, vector<32x128xf32>, vector<256x128xf32> -> vector<256x128xf32>
    %add3A_814 = arith.addf %add3A_806, %dot_general3A_813 : vector<256x128xf32>
    %swap3A_815 = arith.constant 4608 : index
    %swap3A_816 = arith.constant 0 : index
    %swap3A_817 = vector.load %arg3[%swap3A_815, %swap3A_816] : memref<8192x128xf32, #tpu.memory_space<vmem>>, vector<256x128xf32>
    tpu.vector_store %arg3[%swap3A_815, %swap3A_816], %add3A_810 {strides = array<i32>} : memref<8192x128xf32, #tpu.memory_space<vmem>>, vector<256x128xf32>,
    %swap3A_818 = arith.constant 4608 : index
    %swap3A_819 = arith.constant 0 : index
    %swap3A_820 = vector.load %arg4[%swap3A_818, %swap3A_819] : memref<8192x128xf32, #tpu.memory_space<vmem>>, vector<256x128xf32>
    tpu.vector_store %arg4[%swap3A_818, %swap3A_819], %add3A_814 {strides = array<i32>} : memref<8192x128xf32, #tpu.memory_space<vmem>>, vector<256x128xf32>,
    %broadcast_in_dim3A_821 = arith.constant 0.000000e+00 : f32
    %broadcast_in_dim3A_822 = vector.broadcast %broadcast_in_dim3A_821 : f32 to vector<256x128xf32>
    %broadcast_in_dim3A_823 = arith.constant 0.000000e+00 : f32
    %broadcast_in_dim3A_824 = vector.broadcast %broadcast_in_dim3A_823 : f32 to vector<256x128xf32>
    %slice3A_825 = vector.extract_strided_slice %get3A_1 {offsets = [0, 19456], sizes = [32, 256], strides = [1, 1]} : vector<32x32768xf32> to vector<32x256xf32>
    %dot_general3A_826 = arith.constant dense<0.000000e+00> : vector<256x128xf32>
    %dot_general3A_827 = tpu.matmul %slice3A_825, %convert_element_type3A_8, %dot_general3A_826 {dimension_numbers = #tpu.dot_dimension_numbers<[0], [0], [1], [1], [0, 1, 1, 1], [], []>, transpose_lhs_hint = true} : vector<32x256xf32>, vector<32x128xf32>, vector<256x128xf32> -> vector<256x128xf32>
    %add3A_828 = arith.addf %broadcast_in_dim3A_822, %dot_general3A_827 : vector<256x128xf32>
    %slice3A_829 = vector.extract_strided_slice %get3A_4 {offsets = [0, 19456], sizes = [32, 256], strides = [1, 1]} : vector<32x32768xf32> to vector<32x256xf32>
    %dot_general3A_830 = arith.constant dense<0.000000e+00> : vector<256x128xf32>
    %dot_general3A_831 = tpu.matmul %slice3A_829, %convert_element_type3A_8, %dot_general3A_830 {dimension_numbers = #tpu.dot_dimension_numbers<[0], [0], [1], [1], [0, 1, 1, 1], [], []>, transpose_lhs_hint = true} : vector<32x256xf32>, vector<32x128xf32>, vector<256x128xf32> -> vector<256x128xf32>
    %add3A_832 = arith.addf %broadcast_in_dim3A_824, %dot_general3A_831 : vector<256x128xf32>
    %slice3A_833 = vector.extract_strided_slice %get3A_1 {offsets = [0, 19712], sizes = [32, 256], strides = [1, 1]} : vector<32x32768xf32> to vector<32x256xf32>
    %dot_general3A_834 = arith.constant dense<0.000000e+00> : vector<256x128xf32>
    %dot_general3A_835 = tpu.matmul %slice3A_833, %convert_element_type3A_14, %dot_general3A_834 {dimension_numbers = #tpu.dot_dimension_numbers<[0], [0], [1], [1], [0, 1, 1, 1], [], []>, transpose_lhs_hint = true} : vector<32x256xf32>, vector<32x128xf32>, vector<256x128xf32> -> vector<256x128xf32>
    %add3A_836 = arith.addf %add3A_828, %dot_general3A_835 : vector<256x128xf32>
    %slice3A_837 = vector.extract_strided_slice %get3A_4 {offsets = [0, 19712], sizes = [32, 256], strides = [1, 1]} : vector<32x32768xf32> to vector<32x256xf32>
    %dot_general3A_838 = arith.constant dense<0.000000e+00> : vector<256x128xf32>
    %dot_general3A_839 = tpu.matmul %slice3A_837, %convert_element_type3A_14, %dot_general3A_838 {dimension_numbers = #tpu.dot_dimension_numbers<[0], [0], [1], [1], [0, 1, 1, 1], [], []>, transpose_lhs_hint = true} : vector<32x256xf32>, vector<32x128xf32>, vector<256x128xf32> -> vector<256x128xf32>
    %add3A_840 = arith.addf %add3A_832, %dot_general3A_839 : vector<256x128xf32>
    %slice3A_841 = vector.extract_strided_slice %get3A_1 {offsets = [0, 19968], sizes = [32, 256], strides = [1, 1]} : vector<32x32768xf32> to vector<32x256xf32>
    %dot_general3A_842 = arith.constant dense<0.000000e+00> : vector<256x128xf32>
    %dot_general3A_843 = tpu.matmul %slice3A_841, %convert_element_type3A_20, %dot_general3A_842 {dimension_numbers = #tpu.dot_dimension_numbers<[0], [0], [1], [1], [0, 1, 1, 1], [], []>, transpose_lhs_hint = true} : vector<32x256xf32>, vector<32x128xf32>, vector<256x128xf32> -> vector<256x128xf32>
    %add3A_844 = arith.addf %add3A_836, %dot_general3A_843 : vector<256x128xf32>
    %slice3A_845 = vector.extract_strided_slice %get3A_4 {offsets = [0, 19968], sizes = [32, 256], strides = [1, 1]} : vector<32x32768xf32> to vector<32x256xf32>
    %dot_general3A_846 = arith.constant dense<0.000000e+00> : vector<256x128xf32>
    %dot_general3A_847 = tpu.matmul %slice3A_845, %convert_element_type3A_20, %dot_general3A_846 {dimension_numbers = #tpu.dot_dimension_numbers<[0], [0], [1], [1], [0, 1, 1, 1], [], []>, transpose_lhs_hint = true} : vector<32x256xf32>, vector<32x128xf32>, vector<256x128xf32> -> vector<256x128xf32>
    %add3A_848 = arith.addf %add3A_840, %dot_general3A_847 : vector<256x128xf32>
    %slice3A_849 = vector.extract_strided_slice %get3A_1 {offsets = [0, 20224], sizes = [32, 256], strides = [1, 1]} : vector<32x32768xf32> to vector<32x256xf32>
    %dot_general3A_850 = arith.constant dense<0.000000e+00> : vector<256x128xf32>
    %dot_general3A_851 = tpu.matmul %slice3A_849, %convert_element_type3A_26, %dot_general3A_850 {dimension_numbers = #tpu.dot_dimension_numbers<[0], [0], [1], [1], [0, 1, 1, 1], [], []>, transpose_lhs_hint = true} : vector<32x256xf32>, vector<32x128xf32>, vector<256x128xf32> -> vector<256x128xf32>
    %add3A_852 = arith.addf %add3A_844, %dot_general3A_851 : vector<256x128xf32>
    %slice3A_853 = vector.extract_strided_slice %get3A_4 {offsets = [0, 20224], sizes = [32, 256], strides = [1, 1]} : vector<32x32768xf32> to vector<32x256xf32>
    %dot_general3A_854 = arith.constant dense<0.000000e+00> : vector<256x128xf32>
    %dot_general3A_855 = tpu.matmul %slice3A_853, %convert_element_type3A_26, %dot_general3A_854 {dimension_numbers = #tpu.dot_dimension_numbers<[0], [0], [1], [1], [0, 1, 1, 1], [], []>, transpose_lhs_hint = true} : vector<32x256xf32>, vector<32x128xf32>, vector<256x128xf32> -> vector<256x128xf32>
    %add3A_856 = arith.addf %add3A_848, %dot_general3A_855 : vector<256x128xf32>
    %swap3A_857 = arith.constant 4864 : index
    %swap3A_858 = arith.constant 0 : index
    %swap3A_859 = vector.load %arg3[%swap3A_857, %swap3A_858] : memref<8192x128xf32, #tpu.memory_space<vmem>>, vector<256x128xf32>
    tpu.vector_store %arg3[%swap3A_857, %swap3A_858], %add3A_852 {strides = array<i32>} : memref<8192x128xf32, #tpu.memory_space<vmem>>, vector<256x128xf32>,
    %swap3A_860 = arith.constant 4864 : index
    %swap3A_861 = arith.constant 0 : index
    %swap3A_862 = vector.load %arg4[%swap3A_860, %swap3A_861] : memref<8192x128xf32, #tpu.memory_space<vmem>>, vector<256x128xf32>
    tpu.vector_store %arg4[%swap3A_860, %swap3A_861], %add3A_856 {strides = array<i32>} : memref<8192x128xf32, #tpu.memory_space<vmem>>, vector<256x128xf32>,
    %broadcast_in_dim3A_863 = arith.constant 0.000000e+00 : f32
    %broadcast_in_dim3A_864 = vector.broadcast %broadcast_in_dim3A_863 : f32 to vector<256x128xf32>
    %broadcast_in_dim3A_865 = arith.constant 0.000000e+00 : f32
    %broadcast_in_dim3A_866 = vector.broadcast %broadcast_in_dim3A_865 : f32 to vector<256x128xf32>
    %slice3A_867 = vector.extract_strided_slice %get3A_1 {offsets = [0, 20480], sizes = [32, 256], strides = [1, 1]} : vector<32x32768xf32> to vector<32x256xf32>
    %dot_general3A_868 = arith.constant dense<0.000000e+00> : vector<256x128xf32>
    %dot_general3A_869 = tpu.matmul %slice3A_867, %convert_element_type3A_8, %dot_general3A_868 {dimension_numbers = #tpu.dot_dimension_numbers<[0], [0], [1], [1], [0, 1, 1, 1], [], []>, transpose_lhs_hint = true} : vector<32x256xf32>, vector<32x128xf32>, vector<256x128xf32> -> vector<256x128xf32>
    %add3A_870 = arith.addf %broadcast_in_dim3A_864, %dot_general3A_869 : vector<256x128xf32>
    %slice3A_871 = vector.extract_strided_slice %get3A_4 {offsets = [0, 20480], sizes = [32, 256], strides = [1, 1]} : vector<32x32768xf32> to vector<32x256xf32>
    %dot_general3A_872 = arith.constant dense<0.000000e+00> : vector<256x128xf32>
    %dot_general3A_873 = tpu.matmul %slice3A_871, %convert_element_type3A_8, %dot_general3A_872 {dimension_numbers = #tpu.dot_dimension_numbers<[0], [0], [1], [1], [0, 1, 1, 1], [], []>, transpose_lhs_hint = true} : vector<32x256xf32>, vector<32x128xf32>, vector<256x128xf32> -> vector<256x128xf32>
    %add3A_874 = arith.addf %broadcast_in_dim3A_866, %dot_general3A_873 : vector<256x128xf32>
    %slice3A_875 = vector.extract_strided_slice %get3A_1 {offsets = [0, 20736], sizes = [32, 256], strides = [1, 1]} : vector<32x32768xf32> to vector<32x256xf32>
    %dot_general3A_876 = arith.constant dense<0.000000e+00> : vector<256x128xf32>
    %dot_general3A_877 = tpu.matmul %slice3A_875, %convert_element_type3A_14, %dot_general3A_876 {dimension_numbers = #tpu.dot_dimension_numbers<[0], [0], [1], [1], [0, 1, 1, 1], [], []>, transpose_lhs_hint = true} : vector<32x256xf32>, vector<32x128xf32>, vector<256x128xf32> -> vector<256x128xf32>
    %add3A_878 = arith.addf %add3A_870, %dot_general3A_877 : vector<256x128xf32>
    %slice3A_879 = vector.extract_strided_slice %get3A_4 {offsets = [0, 20736], sizes = [32, 256], strides = [1, 1]} : vector<32x32768xf32> to vector<32x256xf32>
    %dot_general3A_880 = arith.constant dense<0.000000e+00> : vector<256x128xf32>
    %dot_general3A_881 = tpu.matmul %slice3A_879, %convert_element_type3A_14, %dot_general3A_880 {dimension_numbers = #tpu.dot_dimension_numbers<[0], [0], [1], [1], [0, 1, 1, 1], [], []>, transpose_lhs_hint = true} : vector<32x256xf32>, vector<32x128xf32>, vector<256x128xf32> -> vector<256x128xf32>
    %add3A_882 = arith.addf %add3A_874, %dot_general3A_881 : vector<256x128xf32>
    %slice3A_883 = vector.extract_strided_slice %get3A_1 {offsets = [0, 20992], sizes = [32, 256], strides = [1, 1]} : vector<32x32768xf32> to vector<32x256xf32>
    %dot_general3A_884 = arith.constant dense<0.000000e+00> : vector<256x128xf32>
    %dot_general3A_885 = tpu.matmul %slice3A_883, %convert_element_type3A_20, %dot_general3A_884 {dimension_numbers = #tpu.dot_dimension_numbers<[0], [0], [1], [1], [0, 1, 1, 1], [], []>, transpose_lhs_hint = true} : vector<32x256xf32>, vector<32x128xf32>, vector<256x128xf32> -> vector<256x128xf32>
    %add3A_886 = arith.addf %add3A_878, %dot_general3A_885 : vector<256x128xf32>
    %slice3A_887 = vector.extract_strided_slice %get3A_4 {offsets = [0, 20992], sizes = [32, 256], strides = [1, 1]} : vector<32x32768xf32> to vector<32x256xf32>
    %dot_general3A_888 = arith.constant dense<0.000000e+00> : vector<256x128xf32>
    %dot_general3A_889 = tpu.matmul %slice3A_887, %convert_element_type3A_20, %dot_general3A_888 {dimension_numbers = #tpu.dot_dimension_numbers<[0], [0], [1], [1], [0, 1, 1, 1], [], []>, transpose_lhs_hint = true} : vector<32x256xf32>, vector<32x128xf32>, vector<256x128xf32> -> vector<256x128xf32>
    %add3A_890 = arith.addf %add3A_882, %dot_general3A_889 : vector<256x128xf32>
    %slice3A_891 = vector.extract_strided_slice %get3A_1 {offsets = [0, 21248], sizes = [32, 256], strides = [1, 1]} : vector<32x32768xf32> to vector<32x256xf32>
    %dot_general3A_892 = arith.constant dense<0.000000e+00> : vector<256x128xf32>
    %dot_general3A_893 = tpu.matmul %slice3A_891, %convert_element_type3A_26, %dot_general3A_892 {dimension_numbers = #tpu.dot_dimension_numbers<[0], [0], [1], [1], [0, 1, 1, 1], [], []>, transpose_lhs_hint = true} : vector<32x256xf32>, vector<32x128xf32>, vector<256x128xf32> -> vector<256x128xf32>
    %add3A_894 = arith.addf %add3A_886, %dot_general3A_893 : vector<256x128xf32>
    %slice3A_895 = vector.extract_strided_slice %get3A_4 {offsets = [0, 21248], sizes = [32, 256], strides = [1, 1]} : vector<32x32768xf32> to vector<32x256xf32>
    %dot_general3A_896 = arith.constant dense<0.000000e+00> : vector<256x128xf32>
    %dot_general3A_897 = tpu.matmul %slice3A_895, %convert_element_type3A_26, %dot_general3A_896 {dimension_numbers = #tpu.dot_dimension_numbers<[0], [0], [1], [1], [0, 1, 1, 1], [], []>, transpose_lhs_hint = true} : vector<32x256xf32>, vector<32x128xf32>, vector<256x128xf32> -> vector<256x128xf32>
    %add3A_898 = arith.addf %add3A_890, %dot_general3A_897 : vector<256x128xf32>
    %swap3A_899 = arith.constant 5120 : index
    %swap3A_900 = arith.constant 0 : index
    %swap3A_901 = vector.load %arg3[%swap3A_899, %swap3A_900] : memref<8192x128xf32, #tpu.memory_space<vmem>>, vector<256x128xf32>
    tpu.vector_store %arg3[%swap3A_899, %swap3A_900], %add3A_894 {strides = array<i32>} : memref<8192x128xf32, #tpu.memory_space<vmem>>, vector<256x128xf32>,
    %swap3A_902 = arith.constant 5120 : index
    %swap3A_903 = arith.constant 0 : index
    %swap3A_904 = vector.load %arg4[%swap3A_902, %swap3A_903] : memref<8192x128xf32, #tpu.memory_space<vmem>>, vector<256x128xf32>
    tpu.vector_store %arg4[%swap3A_902, %swap3A_903], %add3A_898 {strides = array<i32>} : memref<8192x128xf32, #tpu.memory_space<vmem>>, vector<256x128xf32>,
    %broadcast_in_dim3A_905 = arith.constant 0.000000e+00 : f32
    %broadcast_in_dim3A_906 = vector.broadcast %broadcast_in_dim3A_905 : f32 to vector<256x128xf32>
    %broadcast_in_dim3A_907 = arith.constant 0.000000e+00 : f32
    %broadcast_in_dim3A_908 = vector.broadcast %broadcast_in_dim3A_907 : f32 to vector<256x128xf32>
    %slice3A_909 = vector.extract_strided_slice %get3A_1 {offsets = [0, 21504], sizes = [32, 256], strides = [1, 1]} : vector<32x32768xf32> to vector<32x256xf32>
    %dot_general3A_910 = arith.constant dense<0.000000e+00> : vector<256x128xf32>
    %dot_general3A_911 = tpu.matmul %slice3A_909, %convert_element_type3A_8, %dot_general3A_910 {dimension_numbers = #tpu.dot_dimension_numbers<[0], [0], [1], [1], [0, 1, 1, 1], [], []>, transpose_lhs_hint = true} : vector<32x256xf32>, vector<32x128xf32>, vector<256x128xf32> -> vector<256x128xf32>
    %add3A_912 = arith.addf %broadcast_in_dim3A_906, %dot_general3A_911 : vector<256x128xf32>
    %slice3A_913 = vector.extract_strided_slice %get3A_4 {offsets = [0, 21504], sizes = [32, 256], strides = [1, 1]} : vector<32x32768xf32> to vector<32x256xf32>
    %dot_general3A_914 = arith.constant dense<0.000000e+00> : vector<256x128xf32>
    %dot_general3A_915 = tpu.matmul %slice3A_913, %convert_element_type3A_8, %dot_general3A_914 {dimension_numbers = #tpu.dot_dimension_numbers<[0], [0], [1], [1], [0, 1, 1, 1], [], []>, transpose_lhs_hint = true} : vector<32x256xf32>, vector<32x128xf32>, vector<256x128xf32> -> vector<256x128xf32>
    %add3A_916 = arith.addf %broadcast_in_dim3A_908, %dot_general3A_915 : vector<256x128xf32>
    %slice3A_917 = vector.extract_strided_slice %get3A_1 {offsets = [0, 21760], sizes = [32, 256], strides = [1, 1]} : vector<32x32768xf32> to vector<32x256xf32>
    %dot_general3A_918 = arith.constant dense<0.000000e+00> : vector<256x128xf32>
    %dot_general3A_919 = tpu.matmul %slice3A_917, %convert_element_type3A_14, %dot_general3A_918 {dimension_numbers = #tpu.dot_dimension_numbers<[0], [0], [1], [1], [0, 1, 1, 1], [], []>, transpose_lhs_hint = true} : vector<32x256xf32>, vector<32x128xf32>, vector<256x128xf32> -> vector<256x128xf32>
    %add3A_920 = arith.addf %add3A_912, %dot_general3A_919 : vector<256x128xf32>
    %slice3A_921 = vector.extract_strided_slice %get3A_4 {offsets = [0, 21760], sizes = [32, 256], strides = [1, 1]} : vector<32x32768xf32> to vector<32x256xf32>
    %dot_general3A_922 = arith.constant dense<0.000000e+00> : vector<256x128xf32>
    %dot_general3A_923 = tpu.matmul %slice3A_921, %convert_element_type3A_14, %dot_general3A_922 {dimension_numbers = #tpu.dot_dimension_numbers<[0], [0], [1], [1], [0, 1, 1, 1], [], []>, transpose_lhs_hint = true} : vector<32x256xf32>, vector<32x128xf32>, vector<256x128xf32> -> vector<256x128xf32>
    %add3A_924 = arith.addf %add3A_916, %dot_general3A_923 : vector<256x128xf32>
    %slice3A_925 = vector.extract_strided_slice %get3A_1 {offsets = [0, 22016], sizes = [32, 256], strides = [1, 1]} : vector<32x32768xf32> to vector<32x256xf32>
    %dot_general3A_926 = arith.constant dense<0.000000e+00> : vector<256x128xf32>
    %dot_general3A_927 = tpu.matmul %slice3A_925, %convert_element_type3A_20, %dot_general3A_926 {dimension_numbers = #tpu.dot_dimension_numbers<[0], [0], [1], [1], [0, 1, 1, 1], [], []>, transpose_lhs_hint = true} : vector<32x256xf32>, vector<32x128xf32>, vector<256x128xf32> -> vector<256x128xf32>
    %add3A_928 = arith.addf %add3A_920, %dot_general3A_927 : vector<256x128xf32>
    %slice3A_929 = vector.extract_strided_slice %get3A_4 {offsets = [0, 22016], sizes = [32, 256], strides = [1, 1]} : vector<32x32768xf32> to vector<32x256xf32>
    %dot_general3A_930 = arith.constant dense<0.000000e+00> : vector<256x128xf32>
    %dot_general3A_931 = tpu.matmul %slice3A_929, %convert_element_type3A_20, %dot_general3A_930 {dimension_numbers = #tpu.dot_dimension_numbers<[0], [0], [1], [1], [0, 1, 1, 1], [], []>, transpose_lhs_hint = true} : vector<32x256xf32>, vector<32x128xf32>, vector<256x128xf32> -> vector<256x128xf32>
    %add3A_932 = arith.addf %add3A_924, %dot_general3A_931 : vector<256x128xf32>
    %slice3A_933 = vector.extract_strided_slice %get3A_1 {offsets = [0, 22272], sizes = [32, 256], strides = [1, 1]} : vector<32x32768xf32> to vector<32x256xf32>
    %dot_general3A_934 = arith.constant dense<0.000000e+00> : vector<256x128xf32>
    %dot_general3A_935 = tpu.matmul %slice3A_933, %convert_element_type3A_26, %dot_general3A_934 {dimension_numbers = #tpu.dot_dimension_numbers<[0], [0], [1], [1], [0, 1, 1, 1], [], []>, transpose_lhs_hint = true} : vector<32x256xf32>, vector<32x128xf32>, vector<256x128xf32> -> vector<256x128xf32>
    %add3A_936 = arith.addf %add3A_928, %dot_general3A_935 : vector<256x128xf32>
    %slice3A_937 = vector.extract_strided_slice %get3A_4 {offsets = [0, 22272], sizes = [32, 256], strides = [1, 1]} : vector<32x32768xf32> to vector<32x256xf32>
    %dot_general3A_938 = arith.constant dense<0.000000e+00> : vector<256x128xf32>
    %dot_general3A_939 = tpu.matmul %slice3A_937, %convert_element_type3A_26, %dot_general3A_938 {dimension_numbers = #tpu.dot_dimension_numbers<[0], [0], [1], [1], [0, 1, 1, 1], [], []>, transpose_lhs_hint = true} : vector<32x256xf32>, vector<32x128xf32>, vector<256x128xf32> -> vector<256x128xf32>
    %add3A_940 = arith.addf %add3A_932, %dot_general3A_939 : vector<256x128xf32>
    %swap3A_941 = arith.constant 5376 : index
    %swap3A_942 = arith.constant 0 : index
    %swap3A_943 = vector.load %arg3[%swap3A_941, %swap3A_942] : memref<8192x128xf32, #tpu.memory_space<vmem>>, vector<256x128xf32>
    tpu.vector_store %arg3[%swap3A_941, %swap3A_942], %add3A_936 {strides = array<i32>} : memref<8192x128xf32, #tpu.memory_space<vmem>>, vector<256x128xf32>,
    %swap3A_944 = arith.constant 5376 : index
    %swap3A_945 = arith.constant 0 : index
    %swap3A_946 = vector.load %arg4[%swap3A_944, %swap3A_945] : memref<8192x128xf32, #tpu.memory_space<vmem>>, vector<256x128xf32>
    tpu.vector_store %arg4[%swap3A_944, %swap3A_945], %add3A_940 {strides = array<i32>} : memref<8192x128xf32, #tpu.memory_space<vmem>>, vector<256x128xf32>,
    %broadcast_in_dim3A_947 = arith.constant 0.000000e+00 : f32
    %broadcast_in_dim3A_948 = vector.broadcast %broadcast_in_dim3A_947 : f32 to vector<256x128xf32>
    %broadcast_in_dim3A_949 = arith.constant 0.000000e+00 : f32
    %broadcast_in_dim3A_950 = vector.broadcast %broadcast_in_dim3A_949 : f32 to vector<256x128xf32>
    %slice3A_951 = vector.extract_strided_slice %get3A_1 {offsets = [0, 22528], sizes = [32, 256], strides = [1, 1]} : vector<32x32768xf32> to vector<32x256xf32>
    %dot_general3A_952 = arith.constant dense<0.000000e+00> : vector<256x128xf32>
    %dot_general3A_953 = tpu.matmul %slice3A_951, %convert_element_type3A_8, %dot_general3A_952 {dimension_numbers = #tpu.dot_dimension_numbers<[0], [0], [1], [1], [0, 1, 1, 1], [], []>, transpose_lhs_hint = true} : vector<32x256xf32>, vector<32x128xf32>, vector<256x128xf32> -> vector<256x128xf32>
    %add3A_954 = arith.addf %broadcast_in_dim3A_948, %dot_general3A_953 : vector<256x128xf32>
    %slice3A_955 = vector.extract_strided_slice %get3A_4 {offsets = [0, 22528], sizes = [32, 256], strides = [1, 1]} : vector<32x32768xf32> to vector<32x256xf32>
    %dot_general3A_956 = arith.constant dense<0.000000e+00> : vector<256x128xf32>
    %dot_general3A_957 = tpu.matmul %slice3A_955, %convert_element_type3A_8, %dot_general3A_956 {dimension_numbers = #tpu.dot_dimension_numbers<[0], [0], [1], [1], [0, 1, 1, 1], [], []>, transpose_lhs_hint = true} : vector<32x256xf32>, vector<32x128xf32>, vector<256x128xf32> -> vector<256x128xf32>
    %add3A_958 = arith.addf %broadcast_in_dim3A_950, %dot_general3A_957 : vector<256x128xf32>
    %slice3A_959 = vector.extract_strided_slice %get3A_1 {offsets = [0, 22784], sizes = [32, 256], strides = [1, 1]} : vector<32x32768xf32> to vector<32x256xf32>
    %dot_general3A_960 = arith.constant dense<0.000000e+00> : vector<256x128xf32>
    %dot_general3A_961 = tpu.matmul %slice3A_959, %convert_element_type3A_14, %dot_general3A_960 {dimension_numbers = #tpu.dot_dimension_numbers<[0], [0], [1], [1], [0, 1, 1, 1], [], []>, transpose_lhs_hint = true} : vector<32x256xf32>, vector<32x128xf32>, vector<256x128xf32> -> vector<256x128xf32>
    %add3A_962 = arith.addf %add3A_954, %dot_general3A_961 : vector<256x128xf32>
    %slice3A_963 = vector.extract_strided_slice %get3A_4 {offsets = [0, 22784], sizes = [32, 256], strides = [1, 1]} : vector<32x32768xf32> to vector<32x256xf32>
    %dot_general3A_964 = arith.constant dense<0.000000e+00> : vector<256x128xf32>
    %dot_general3A_965 = tpu.matmul %slice3A_963, %convert_element_type3A_14, %dot_general3A_964 {dimension_numbers = #tpu.dot_dimension_numbers<[0], [0], [1], [1], [0, 1, 1, 1], [], []>, transpose_lhs_hint = true} : vector<32x256xf32>, vector<32x128xf32>, vector<256x128xf32> -> vector<256x128xf32>
    %add3A_966 = arith.addf %add3A_958, %dot_general3A_965 : vector<256x128xf32>
    %slice3A_967 = vector.extract_strided_slice %get3A_1 {offsets = [0, 23040], sizes = [32, 256], strides = [1, 1]} : vector<32x32768xf32> to vector<32x256xf32>
    %dot_general3A_968 = arith.constant dense<0.000000e+00> : vector<256x128xf32>
    %dot_general3A_969 = tpu.matmul %slice3A_967, %convert_element_type3A_20, %dot_general3A_968 {dimension_numbers = #tpu.dot_dimension_numbers<[0], [0], [1], [1], [0, 1, 1, 1], [], []>, transpose_lhs_hint = true} : vector<32x256xf32>, vector<32x128xf32>, vector<256x128xf32> -> vector<256x128xf32>
    %add3A_970 = arith.addf %add3A_962, %dot_general3A_969 : vector<256x128xf32>
    %slice3A_971 = vector.extract_strided_slice %get3A_4 {offsets = [0, 23040], sizes = [32, 256], strides = [1, 1]} : vector<32x32768xf32> to vector<32x256xf32>
    %dot_general3A_972 = arith.constant dense<0.000000e+00> : vector<256x128xf32>
    %dot_general3A_973 = tpu.matmul %slice3A_971, %convert_element_type3A_20, %dot_general3A_972 {dimension_numbers = #tpu.dot_dimension_numbers<[0], [0], [1], [1], [0, 1, 1, 1], [], []>, transpose_lhs_hint = true} : vector<32x256xf32>, vector<32x128xf32>, vector<256x128xf32> -> vector<256x128xf32>
    %add3A_974 = arith.addf %add3A_966, %dot_general3A_973 : vector<256x128xf32>
    %slice3A_975 = vector.extract_strided_slice %get3A_1 {offsets = [0, 23296], sizes = [32, 256], strides = [1, 1]} : vector<32x32768xf32> to vector<32x256xf32>
    %dot_general3A_976 = arith.constant dense<0.000000e+00> : vector<256x128xf32>
    %dot_general3A_977 = tpu.matmul %slice3A_975, %convert_element_type3A_26, %dot_general3A_976 {dimension_numbers = #tpu.dot_dimension_numbers<[0], [0], [1], [1], [0, 1, 1, 1], [], []>, transpose_lhs_hint = true} : vector<32x256xf32>, vector<32x128xf32>, vector<256x128xf32> -> vector<256x128xf32>
    %add3A_978 = arith.addf %add3A_970, %dot_general3A_977 : vector<256x128xf32>
    %slice3A_979 = vector.extract_strided_slice %get3A_4 {offsets = [0, 23296], sizes = [32, 256], strides = [1, 1]} : vector<32x32768xf32> to vector<32x256xf32>
    %dot_general3A_980 = arith.constant dense<0.000000e+00> : vector<256x128xf32>
    %dot_general3A_981 = tpu.matmul %slice3A_979, %convert_element_type3A_26, %dot_general3A_980 {dimension_numbers = #tpu.dot_dimension_numbers<[0], [0], [1], [1], [0, 1, 1, 1], [], []>, transpose_lhs_hint = true} : vector<32x256xf32>, vector<32x128xf32>, vector<256x128xf32> -> vector<256x128xf32>
    %add3A_982 = arith.addf %add3A_974, %dot_general3A_981 : vector<256x128xf32>
    %swap3A_983 = arith.constant 5632 : index
    %swap3A_984 = arith.constant 0 : index
    %swap3A_985 = vector.load %arg3[%swap3A_983, %swap3A_984] : memref<8192x128xf32, #tpu.memory_space<vmem>>, vector<256x128xf32>
    tpu.vector_store %arg3[%swap3A_983, %swap3A_984], %add3A_978 {strides = array<i32>} : memref<8192x128xf32, #tpu.memory_space<vmem>>, vector<256x128xf32>,
    %swap3A_986 = arith.constant 5632 : index
    %swap3A_987 = arith.constant 0 : index
    %swap3A_988 = vector.load %arg4[%swap3A_986, %swap3A_987] : memref<8192x128xf32, #tpu.memory_space<vmem>>, vector<256x128xf32>
    tpu.vector_store %arg4[%swap3A_986, %swap3A_987], %add3A_982 {strides = array<i32>} : memref<8192x128xf32, #tpu.memory_space<vmem>>, vector<256x128xf32>,
    %broadcast_in_dim3A_989 = arith.constant 0.000000e+00 : f32
    %broadcast_in_dim3A_990 = vector.broadcast %broadcast_in_dim3A_989 : f32 to vector<256x128xf32>
    %broadcast_in_dim3A_991 = arith.constant 0.000000e+00 : f32
    %broadcast_in_dim3A_992 = vector.broadcast %broadcast_in_dim3A_991 : f32 to vector<256x128xf32>
    %slice3A_993 = vector.extract_strided_slice %get3A_1 {offsets = [0, 23552], sizes = [32, 256], strides = [1, 1]} : vector<32x32768xf32> to vector<32x256xf32>
    %dot_general3A_994 = arith.constant dense<0.000000e+00> : vector<256x128xf32>
    %dot_general3A_995 = tpu.matmul %slice3A_993, %convert_element_type3A_8, %dot_general3A_994 {dimension_numbers = #tpu.dot_dimension_numbers<[0], [0], [1], [1], [0, 1, 1, 1], [], []>, transpose_lhs_hint = true} : vector<32x256xf32>, vector<32x128xf32>, vector<256x128xf32> -> vector<256x128xf32>
    %add3A_996 = arith.addf %broadcast_in_dim3A_990, %dot_general3A_995 : vector<256x128xf32>
    %slice3A_997 = vector.extract_strided_slice %get3A_4 {offsets = [0, 23552], sizes = [32, 256], strides = [1, 1]} : vector<32x32768xf32> to vector<32x256xf32>
    %dot_general3A_998 = arith.constant dense<0.000000e+00> : vector<256x128xf32>
    %dot_general3A_999 = tpu.matmul %slice3A_997, %convert_element_type3A_8, %dot_general3A_998 {dimension_numbers = #tpu.dot_dimension_numbers<[0], [0], [1], [1], [0, 1, 1, 1], [], []>, transpose_lhs_hint = true} : vector<32x256xf32>, vector<32x128xf32>, vector<256x128xf32> -> vector<256x128xf32>
    %add3A_1000 = arith.addf %broadcast_in_dim3A_992, %dot_general3A_999 : vector<256x128xf32>
    %slice3A_1001 = vector.extract_strided_slice %get3A_1 {offsets = [0, 23808], sizes = [32, 256], strides = [1, 1]} : vector<32x32768xf32> to vector<32x256xf32>
    %dot_general3A_1002 = arith.constant dense<0.000000e+00> : vector<256x128xf32>
    %dot_general3A_1003 = tpu.matmul %slice3A_1001, %convert_element_type3A_14, %dot_general3A_1002 {dimension_numbers = #tpu.dot_dimension_numbers<[0], [0], [1], [1], [0, 1, 1, 1], [], []>, transpose_lhs_hint = true} : vector<32x256xf32>, vector<32x128xf32>, vector<256x128xf32> -> vector<256x128xf32>
    %add3A_1004 = arith.addf %add3A_996, %dot_general3A_1003 : vector<256x128xf32>
    %slice3A_1005 = vector.extract_strided_slice %get3A_4 {offsets = [0, 23808], sizes = [32, 256], strides = [1, 1]} : vector<32x32768xf32> to vector<32x256xf32>
    %dot_general3A_1006 = arith.constant dense<0.000000e+00> : vector<256x128xf32>
    %dot_general3A_1007 = tpu.matmul %slice3A_1005, %convert_element_type3A_14, %dot_general3A_1006 {dimension_numbers = #tpu.dot_dimension_numbers<[0], [0], [1], [1], [0, 1, 1, 1], [], []>, transpose_lhs_hint = true} : vector<32x256xf32>, vector<32x128xf32>, vector<256x128xf32> -> vector<256x128xf32>
    %add3A_1008 = arith.addf %add3A_1000, %dot_general3A_1007 : vector<256x128xf32>
    %slice3A_1009 = vector.extract_strided_slice %get3A_1 {offsets = [0, 24064], sizes = [32, 256], strides = [1, 1]} : vector<32x32768xf32> to vector<32x256xf32>
    %dot_general3A_1010 = arith.constant dense<0.000000e+00> : vector<256x128xf32>
    %dot_general3A_1011 = tpu.matmul %slice3A_1009, %convert_element_type3A_20, %dot_general3A_1010 {dimension_numbers = #tpu.dot_dimension_numbers<[0], [0], [1], [1], [0, 1, 1, 1], [], []>, transpose_lhs_hint = true} : vector<32x256xf32>, vector<32x128xf32>, vector<256x128xf32> -> vector<256x128xf32>
    %add3A_1012 = arith.addf %add3A_1004, %dot_general3A_1011 : vector<256x128xf32>
    %slice3A_1013 = vector.extract_strided_slice %get3A_4 {offsets = [0, 24064], sizes = [32, 256], strides = [1, 1]} : vector<32x32768xf32> to vector<32x256xf32>
    %dot_general3A_1014 = arith.constant dense<0.000000e+00> : vector<256x128xf32>
    %dot_general3A_1015 = tpu.matmul %slice3A_1013, %convert_element_type3A_20, %dot_general3A_1014 {dimension_numbers = #tpu.dot_dimension_numbers<[0], [0], [1], [1], [0, 1, 1, 1], [], []>, transpose_lhs_hint = true} : vector<32x256xf32>, vector<32x128xf32>, vector<256x128xf32> -> vector<256x128xf32>
    %add3A_1016 = arith.addf %add3A_1008, %dot_general3A_1015 : vector<256x128xf32>
    %slice3A_1017 = vector.extract_strided_slice %get3A_1 {offsets = [0, 24320], sizes = [32, 256], strides = [1, 1]} : vector<32x32768xf32> to vector<32x256xf32>
    %dot_general3A_1018 = arith.constant dense<0.000000e+00> : vector<256x128xf32>
    %dot_general3A_1019 = tpu.matmul %slice3A_1017, %convert_element_type3A_26, %dot_general3A_1018 {dimension_numbers = #tpu.dot_dimension_numbers<[0], [0], [1], [1], [0, 1, 1, 1], [], []>, transpose_lhs_hint = true} : vector<32x256xf32>, vector<32x128xf32>, vector<256x128xf32> -> vector<256x128xf32>
    %add3A_1020 = arith.addf %add3A_1012, %dot_general3A_1019 : vector<256x128xf32>
    %slice3A_1021 = vector.extract_strided_slice %get3A_4 {offsets = [0, 24320], sizes = [32, 256], strides = [1, 1]} : vector<32x32768xf32> to vector<32x256xf32>
    %dot_general3A_1022 = arith.constant dense<0.000000e+00> : vector<256x128xf32>
    %dot_general3A_1023 = tpu.matmul %slice3A_1021, %convert_element_type3A_26, %dot_general3A_1022 {dimension_numbers = #tpu.dot_dimension_numbers<[0], [0], [1], [1], [0, 1, 1, 1], [], []>, transpose_lhs_hint = true} : vector<32x256xf32>, vector<32x128xf32>, vector<256x128xf32> -> vector<256x128xf32>
    %add3A_1024 = arith.addf %add3A_1016, %dot_general3A_1023 : vector<256x128xf32>
    %swap3A_1025 = arith.constant 5888 : index
    %swap3A_1026 = arith.constant 0 : index
    %swap3A_1027 = vector.load %arg3[%swap3A_1025, %swap3A_1026] : memref<8192x128xf32, #tpu.memory_space<vmem>>, vector<256x128xf32>
    tpu.vector_store %arg3[%swap3A_1025, %swap3A_1026], %add3A_1020 {strides = array<i32>} : memref<8192x128xf32, #tpu.memory_space<vmem>>, vector<256x128xf32>,
    %swap3A_1028 = arith.constant 5888 : index
    %swap3A_1029 = arith.constant 0 : index
    %swap3A_1030 = vector.load %arg4[%swap3A_1028, %swap3A_1029] : memref<8192x128xf32, #tpu.memory_space<vmem>>, vector<256x128xf32>
    tpu.vector_store %arg4[%swap3A_1028, %swap3A_1029], %add3A_1024 {strides = array<i32>} : memref<8192x128xf32, #tpu.memory_space<vmem>>, vector<256x128xf32>,
    %broadcast_in_dim3A_1031 = arith.constant 0.000000e+00 : f32
    %broadcast_in_dim3A_1032 = vector.broadcast %broadcast_in_dim3A_1031 : f32 to vector<256x128xf32>
    %broadcast_in_dim3A_1033 = arith.constant 0.000000e+00 : f32
    %broadcast_in_dim3A_1034 = vector.broadcast %broadcast_in_dim3A_1033 : f32 to vector<256x128xf32>
    %slice3A_1035 = vector.extract_strided_slice %get3A_1 {offsets = [0, 24576], sizes = [32, 256], strides = [1, 1]} : vector<32x32768xf32> to vector<32x256xf32>
    %dot_general3A_1036 = arith.constant dense<0.000000e+00> : vector<256x128xf32>
    %dot_general3A_1037 = tpu.matmul %slice3A_1035, %convert_element_type3A_8, %dot_general3A_1036 {dimension_numbers = #tpu.dot_dimension_numbers<[0], [0], [1], [1], [0, 1, 1, 1], [], []>, transpose_lhs_hint = true} : vector<32x256xf32>, vector<32x128xf32>, vector<256x128xf32> -> vector<256x128xf32>
    %add3A_1038 = arith.addf %broadcast_in_dim3A_1032, %dot_general3A_1037 : vector<256x128xf32>
    %slice3A_1039 = vector.extract_strided_slice %get3A_4 {offsets = [0, 24576], sizes = [32, 256], strides = [1, 1]} : vector<32x32768xf32> to vector<32x256xf32>
    %dot_general3A_1040 = arith.constant dense<0.000000e+00> : vector<256x128xf32>
    %dot_general3A_1041 = tpu.matmul %slice3A_1039, %convert_element_type3A_8, %dot_general3A_1040 {dimension_numbers = #tpu.dot_dimension_numbers<[0], [0], [1], [1], [0, 1, 1, 1], [], []>, transpose_lhs_hint = true} : vector<32x256xf32>, vector<32x128xf32>, vector<256x128xf32> -> vector<256x128xf32>
    %add3A_1042 = arith.addf %broadcast_in_dim3A_1034, %dot_general3A_1041 : vector<256x128xf32>
    %slice3A_1043 = vector.extract_strided_slice %get3A_1 {offsets = [0, 24832], sizes = [32, 256], strides = [1, 1]} : vector<32x32768xf32> to vector<32x256xf32>
    %dot_general3A_1044 = arith.constant dense<0.000000e+00> : vector<256x128xf32>
    %dot_general3A_1045 = tpu.matmul %slice3A_1043, %convert_element_type3A_14, %dot_general3A_1044 {dimension_numbers = #tpu.dot_dimension_numbers<[0], [0], [1], [1], [0, 1, 1, 1], [], []>, transpose_lhs_hint = true} : vector<32x256xf32>, vector<32x128xf32>, vector<256x128xf32> -> vector<256x128xf32>
    %add3A_1046 = arith.addf %add3A_1038, %dot_general3A_1045 : vector<256x128xf32>
    %slice3A_1047 = vector.extract_strided_slice %get3A_4 {offsets = [0, 24832], sizes = [32, 256], strides = [1, 1]} : vector<32x32768xf32> to vector<32x256xf32>
    %dot_general3A_1048 = arith.constant dense<0.000000e+00> : vector<256x128xf32>
    %dot_general3A_1049 = tpu.matmul %slice3A_1047, %convert_element_type3A_14, %dot_general3A_1048 {dimension_numbers = #tpu.dot_dimension_numbers<[0], [0], [1], [1], [0, 1, 1, 1], [], []>, transpose_lhs_hint = true} : vector<32x256xf32>, vector<32x128xf32>, vector<256x128xf32> -> vector<256x128xf32>
    %add3A_1050 = arith.addf %add3A_1042, %dot_general3A_1049 : vector<256x128xf32>
    %slice3A_1051 = vector.extract_strided_slice %get3A_1 {offsets = [0, 25088], sizes = [32, 256], strides = [1, 1]} : vector<32x32768xf32> to vector<32x256xf32>
    %dot_general3A_1052 = arith.constant dense<0.000000e+00> : vector<256x128xf32>
    %dot_general3A_1053 = tpu.matmul %slice3A_1051, %convert_element_type3A_20, %dot_general3A_1052 {dimension_numbers = #tpu.dot_dimension_numbers<[0], [0], [1], [1], [0, 1, 1, 1], [], []>, transpose_lhs_hint = true} : vector<32x256xf32>, vector<32x128xf32>, vector<256x128xf32> -> vector<256x128xf32>
    %add3A_1054 = arith.addf %add3A_1046, %dot_general3A_1053 : vector<256x128xf32>
    %slice3A_1055 = vector.extract_strided_slice %get3A_4 {offsets = [0, 25088], sizes = [32, 256], strides = [1, 1]} : vector<32x32768xf32> to vector<32x256xf32>
    %dot_general3A_1056 = arith.constant dense<0.000000e+00> : vector<256x128xf32>
    %dot_general3A_1057 = tpu.matmul %slice3A_1055, %convert_element_type3A_20, %dot_general3A_1056 {dimension_numbers = #tpu.dot_dimension_numbers<[0], [0], [1], [1], [0, 1, 1, 1], [], []>, transpose_lhs_hint = true} : vector<32x256xf32>, vector<32x128xf32>, vector<256x128xf32> -> vector<256x128xf32>
    %add3A_1058 = arith.addf %add3A_1050, %dot_general3A_1057 : vector<256x128xf32>
    %slice3A_1059 = vector.extract_strided_slice %get3A_1 {offsets = [0, 25344], sizes = [32, 256], strides = [1, 1]} : vector<32x32768xf32> to vector<32x256xf32>
    %dot_general3A_1060 = arith.constant dense<0.000000e+00> : vector<256x128xf32>
    %dot_general3A_1061 = tpu.matmul %slice3A_1059, %convert_element_type3A_26, %dot_general3A_1060 {dimension_numbers = #tpu.dot_dimension_numbers<[0], [0], [1], [1], [0, 1, 1, 1], [], []>, transpose_lhs_hint = true} : vector<32x256xf32>, vector<32x128xf32>, vector<256x128xf32> -> vector<256x128xf32>
    %add3A_1062 = arith.addf %add3A_1054, %dot_general3A_1061 : vector<256x128xf32>
    %slice3A_1063 = vector.extract_strided_slice %get3A_4 {offsets = [0, 25344], sizes = [32, 256], strides = [1, 1]} : vector<32x32768xf32> to vector<32x256xf32>
    %dot_general3A_1064 = arith.constant dense<0.000000e+00> : vector<256x128xf32>
    %dot_general3A_1065 = tpu.matmul %slice3A_1063, %convert_element_type3A_26, %dot_general3A_1064 {dimension_numbers = #tpu.dot_dimension_numbers<[0], [0], [1], [1], [0, 1, 1, 1], [], []>, transpose_lhs_hint = true} : vector<32x256xf32>, vector<32x128xf32>, vector<256x128xf32> -> vector<256x128xf32>
    %add3A_1066 = arith.addf %add3A_1058, %dot_general3A_1065 : vector<256x128xf32>
    %swap3A_1067 = arith.constant 6144 : index
    %swap3A_1068 = arith.constant 0 : index
    %swap3A_1069 = vector.load %arg3[%swap3A_1067, %swap3A_1068] : memref<8192x128xf32, #tpu.memory_space<vmem>>, vector<256x128xf32>
    tpu.vector_store %arg3[%swap3A_1067, %swap3A_1068], %add3A_1062 {strides = array<i32>} : memref<8192x128xf32, #tpu.memory_space<vmem>>, vector<256x128xf32>,
    %swap3A_1070 = arith.constant 6144 : index
    %swap3A_1071 = arith.constant 0 : index
    %swap3A_1072 = vector.load %arg4[%swap3A_1070, %swap3A_1071] : memref<8192x128xf32, #tpu.memory_space<vmem>>, vector<256x128xf32>
    tpu.vector_store %arg4[%swap3A_1070, %swap3A_1071], %add3A_1066 {strides = array<i32>} : memref<8192x128xf32, #tpu.memory_space<vmem>>, vector<256x128xf32>,
    %broadcast_in_dim3A_1073 = arith.constant 0.000000e+00 : f32
    %broadcast_in_dim3A_1074 = vector.broadcast %broadcast_in_dim3A_1073 : f32 to vector<256x128xf32>
    %broadcast_in_dim3A_1075 = arith.constant 0.000000e+00 : f32
    %broadcast_in_dim3A_1076 = vector.broadcast %broadcast_in_dim3A_1075 : f32 to vector<256x128xf32>
    %slice3A_1077 = vector.extract_strided_slice %get3A_1 {offsets = [0, 25600], sizes = [32, 256], strides = [1, 1]} : vector<32x32768xf32> to vector<32x256xf32>
    %dot_general3A_1078 = arith.constant dense<0.000000e+00> : vector<256x128xf32>
    %dot_general3A_1079 = tpu.matmul %slice3A_1077, %convert_element_type3A_8, %dot_general3A_1078 {dimension_numbers = #tpu.dot_dimension_numbers<[0], [0], [1], [1], [0, 1, 1, 1], [], []>, transpose_lhs_hint = true} : vector<32x256xf32>, vector<32x128xf32>, vector<256x128xf32> -> vector<256x128xf32>
    %add3A_1080 = arith.addf %broadcast_in_dim3A_1074, %dot_general3A_1079 : vector<256x128xf32>
    %slice3A_1081 = vector.extract_strided_slice %get3A_4 {offsets = [0, 25600], sizes = [32, 256], strides = [1, 1]} : vector<32x32768xf32> to vector<32x256xf32>
    %dot_general3A_1082 = arith.constant dense<0.000000e+00> : vector<256x128xf32>
    %dot_general3A_1083 = tpu.matmul %slice3A_1081, %convert_element_type3A_8, %dot_general3A_1082 {dimension_numbers = #tpu.dot_dimension_numbers<[0], [0], [1], [1], [0, 1, 1, 1], [], []>, transpose_lhs_hint = true} : vector<32x256xf32>, vector<32x128xf32>, vector<256x128xf32> -> vector<256x128xf32>
    %add3A_1084 = arith.addf %broadcast_in_dim3A_1076, %dot_general3A_1083 : vector<256x128xf32>
    %slice3A_1085 = vector.extract_strided_slice %get3A_1 {offsets = [0, 25856], sizes = [32, 256], strides = [1, 1]} : vector<32x32768xf32> to vector<32x256xf32>
    %dot_general3A_1086 = arith.constant dense<0.000000e+00> : vector<256x128xf32>
    %dot_general3A_1087 = tpu.matmul %slice3A_1085, %convert_element_type3A_14, %dot_general3A_1086 {dimension_numbers = #tpu.dot_dimension_numbers<[0], [0], [1], [1], [0, 1, 1, 1], [], []>, transpose_lhs_hint = true} : vector<32x256xf32>, vector<32x128xf32>, vector<256x128xf32> -> vector<256x128xf32>
    %add3A_1088 = arith.addf %add3A_1080, %dot_general3A_1087 : vector<256x128xf32>
    %slice3A_1089 = vector.extract_strided_slice %get3A_4 {offsets = [0, 25856], sizes = [32, 256], strides = [1, 1]} : vector<32x32768xf32> to vector<32x256xf32>
    %dot_general3A_1090 = arith.constant dense<0.000000e+00> : vector<256x128xf32>
    %dot_general3A_1091 = tpu.matmul %slice3A_1089, %convert_element_type3A_14, %dot_general3A_1090 {dimension_numbers = #tpu.dot_dimension_numbers<[0], [0], [1], [1], [0, 1, 1, 1], [], []>, transpose_lhs_hint = true} : vector<32x256xf32>, vector<32x128xf32>, vector<256x128xf32> -> vector<256x128xf32>
    %add3A_1092 = arith.addf %add3A_1084, %dot_general3A_1091 : vector<256x128xf32>
    %slice3A_1093 = vector.extract_strided_slice %get3A_1 {offsets = [0, 26112], sizes = [32, 256], strides = [1, 1]} : vector<32x32768xf32> to vector<32x256xf32>
    %dot_general3A_1094 = arith.constant dense<0.000000e+00> : vector<256x128xf32>
    %dot_general3A_1095 = tpu.matmul %slice3A_1093, %convert_element_type3A_20, %dot_general3A_1094 {dimension_numbers = #tpu.dot_dimension_numbers<[0], [0], [1], [1], [0, 1, 1, 1], [], []>, transpose_lhs_hint = true} : vector<32x256xf32>, vector<32x128xf32>, vector<256x128xf32> -> vector<256x128xf32>
    %add3A_1096 = arith.addf %add3A_1088, %dot_general3A_1095 : vector<256x128xf32>
    %slice3A_1097 = vector.extract_strided_slice %get3A_4 {offsets = [0, 26112], sizes = [32, 256], strides = [1, 1]} : vector<32x32768xf32> to vector<32x256xf32>
    %dot_general3A_1098 = arith.constant dense<0.000000e+00> : vector<256x128xf32>
    %dot_general3A_1099 = tpu.matmul %slice3A_1097, %convert_element_type3A_20, %dot_general3A_1098 {dimension_numbers = #tpu.dot_dimension_numbers<[0], [0], [1], [1], [0, 1, 1, 1], [], []>, transpose_lhs_hint = true} : vector<32x256xf32>, vector<32x128xf32>, vector<256x128xf32> -> vector<256x128xf32>
    %add3A_1100 = arith.addf %add3A_1092, %dot_general3A_1099 : vector<256x128xf32>
    %slice3A_1101 = vector.extract_strided_slice %get3A_1 {offsets = [0, 26368], sizes = [32, 256], strides = [1, 1]} : vector<32x32768xf32> to vector<32x256xf32>
    %dot_general3A_1102 = arith.constant dense<0.000000e+00> : vector<256x128xf32>
    %dot_general3A_1103 = tpu.matmul %slice3A_1101, %convert_element_type3A_26, %dot_general3A_1102 {dimension_numbers = #tpu.dot_dimension_numbers<[0], [0], [1], [1], [0, 1, 1, 1], [], []>, transpose_lhs_hint = true} : vector<32x256xf32>, vector<32x128xf32>, vector<256x128xf32> -> vector<256x128xf32>
    %add3A_1104 = arith.addf %add3A_1096, %dot_general3A_1103 : vector<256x128xf32>
    %slice3A_1105 = vector.extract_strided_slice %get3A_4 {offsets = [0, 26368], sizes = [32, 256], strides = [1, 1]} : vector<32x32768xf32> to vector<32x256xf32>
    %dot_general3A_1106 = arith.constant dense<0.000000e+00> : vector<256x128xf32>
    %dot_general3A_1107 = tpu.matmul %slice3A_1105, %convert_element_type3A_26, %dot_general3A_1106 {dimension_numbers = #tpu.dot_dimension_numbers<[0], [0], [1], [1], [0, 1, 1, 1], [], []>, transpose_lhs_hint = true} : vector<32x256xf32>, vector<32x128xf32>, vector<256x128xf32> -> vector<256x128xf32>
    %add3A_1108 = arith.addf %add3A_1100, %dot_general3A_1107 : vector<256x128xf32>
    %swap3A_1109 = arith.constant 6400 : index
    %swap3A_1110 = arith.constant 0 : index
    %swap3A_1111 = vector.load %arg3[%swap3A_1109, %swap3A_1110] : memref<8192x128xf32, #tpu.memory_space<vmem>>, vector<256x128xf32>
    tpu.vector_store %arg3[%swap3A_1109, %swap3A_1110], %add3A_1104 {strides = array<i32>} : memref<8192x128xf32, #tpu.memory_space<vmem>>, vector<256x128xf32>,
    %swap3A_1112 = arith.constant 6400 : index
    %swap3A_1113 = arith.constant 0 : index
    %swap3A_1114 = vector.load %arg4[%swap3A_1112, %swap3A_1113] : memref<8192x128xf32, #tpu.memory_space<vmem>>, vector<256x128xf32>
    tpu.vector_store %arg4[%swap3A_1112, %swap3A_1113], %add3A_1108 {strides = array<i32>} : memref<8192x128xf32, #tpu.memory_space<vmem>>, vector<256x128xf32>,
    %broadcast_in_dim3A_1115 = arith.constant 0.000000e+00 : f32
    %broadcast_in_dim3A_1116 = vector.broadcast %broadcast_in_dim3A_1115 : f32 to vector<256x128xf32>
    %broadcast_in_dim3A_1117 = arith.constant 0.000000e+00 : f32
    %broadcast_in_dim3A_1118 = vector.broadcast %broadcast_in_dim3A_1117 : f32 to vector<256x128xf32>
    %slice3A_1119 = vector.extract_strided_slice %get3A_1 {offsets = [0, 26624], sizes = [32, 256], strides = [1, 1]} : vector<32x32768xf32> to vector<32x256xf32>
    %dot_general3A_1120 = arith.constant dense<0.000000e+00> : vector<256x128xf32>
    %dot_general3A_1121 = tpu.matmul %slice3A_1119, %convert_element_type3A_8, %dot_general3A_1120 {dimension_numbers = #tpu.dot_dimension_numbers<[0], [0], [1], [1], [0, 1, 1, 1], [], []>, transpose_lhs_hint = true} : vector<32x256xf32>, vector<32x128xf32>, vector<256x128xf32> -> vector<256x128xf32>
    %add3A_1122 = arith.addf %broadcast_in_dim3A_1116, %dot_general3A_1121 : vector<256x128xf32>
    %slice3A_1123 = vector.extract_strided_slice %get3A_4 {offsets = [0, 26624], sizes = [32, 256], strides = [1, 1]} : vector<32x32768xf32> to vector<32x256xf32>
    %dot_general3A_1124 = arith.constant dense<0.000000e+00> : vector<256x128xf32>
    %dot_general3A_1125 = tpu.matmul %slice3A_1123, %convert_element_type3A_8, %dot_general3A_1124 {dimension_numbers = #tpu.dot_dimension_numbers<[0], [0], [1], [1], [0, 1, 1, 1], [], []>, transpose_lhs_hint = true} : vector<32x256xf32>, vector<32x128xf32>, vector<256x128xf32> -> vector<256x128xf32>
    %add3A_1126 = arith.addf %broadcast_in_dim3A_1118, %dot_general3A_1125 : vector<256x128xf32>
    %slice3A_1127 = vector.extract_strided_slice %get3A_1 {offsets = [0, 26880], sizes = [32, 256], strides = [1, 1]} : vector<32x32768xf32> to vector<32x256xf32>
    %dot_general3A_1128 = arith.constant dense<0.000000e+00> : vector<256x128xf32>
    %dot_general3A_1129 = tpu.matmul %slice3A_1127, %convert_element_type3A_14, %dot_general3A_1128 {dimension_numbers = #tpu.dot_dimension_numbers<[0], [0], [1], [1], [0, 1, 1, 1], [], []>, transpose_lhs_hint = true} : vector<32x256xf32>, vector<32x128xf32>, vector<256x128xf32> -> vector<256x128xf32>
    %add3A_1130 = arith.addf %add3A_1122, %dot_general3A_1129 : vector<256x128xf32>
    %slice3A_1131 = vector.extract_strided_slice %get3A_4 {offsets = [0, 26880], sizes = [32, 256], strides = [1, 1]} : vector<32x32768xf32> to vector<32x256xf32>
    %dot_general3A_1132 = arith.constant dense<0.000000e+00> : vector<256x128xf32>
    %dot_general3A_1133 = tpu.matmul %slice3A_1131, %convert_element_type3A_14, %dot_general3A_1132 {dimension_numbers = #tpu.dot_dimension_numbers<[0], [0], [1], [1], [0, 1, 1, 1], [], []>, transpose_lhs_hint = true} : vector<32x256xf32>, vector<32x128xf32>, vector<256x128xf32> -> vector<256x128xf32>
    %add3A_1134 = arith.addf %add3A_1126, %dot_general3A_1133 : vector<256x128xf32>
    %slice3A_1135 = vector.extract_strided_slice %get3A_1 {offsets = [0, 27136], sizes = [32, 256], strides = [1, 1]} : vector<32x32768xf32> to vector<32x256xf32>
    %dot_general3A_1136 = arith.constant dense<0.000000e+00> : vector<256x128xf32>
    %dot_general3A_1137 = tpu.matmul %slice3A_1135, %convert_element_type3A_20, %dot_general3A_1136 {dimension_numbers = #tpu.dot_dimension_numbers<[0], [0], [1], [1], [0, 1, 1, 1], [], []>, transpose_lhs_hint = true} : vector<32x256xf32>, vector<32x128xf32>, vector<256x128xf32> -> vector<256x128xf32>
    %add3A_1138 = arith.addf %add3A_1130, %dot_general3A_1137 : vector<256x128xf32>
    %slice3A_1139 = vector.extract_strided_slice %get3A_4 {offsets = [0, 27136], sizes = [32, 256], strides = [1, 1]} : vector<32x32768xf32> to vector<32x256xf32>
    %dot_general3A_1140 = arith.constant dense<0.000000e+00> : vector<256x128xf32>
    %dot_general3A_1141 = tpu.matmul %slice3A_1139, %convert_element_type3A_20, %dot_general3A_1140 {dimension_numbers = #tpu.dot_dimension_numbers<[0], [0], [1], [1], [0, 1, 1, 1], [], []>, transpose_lhs_hint = true} : vector<32x256xf32>, vector<32x128xf32>, vector<256x128xf32> -> vector<256x128xf32>
    %add3A_1142 = arith.addf %add3A_1134, %dot_general3A_1141 : vector<256x128xf32>
    %slice3A_1143 = vector.extract_strided_slice %get3A_1 {offsets = [0, 27392], sizes = [32, 256], strides = [1, 1]} : vector<32x32768xf32> to vector<32x256xf32>
    %dot_general3A_1144 = arith.constant dense<0.000000e+00> : vector<256x128xf32>
    %dot_general3A_1145 = tpu.matmul %slice3A_1143, %convert_element_type3A_26, %dot_general3A_1144 {dimension_numbers = #tpu.dot_dimension_numbers<[0], [0], [1], [1], [0, 1, 1, 1], [], []>, transpose_lhs_hint = true} : vector<32x256xf32>, vector<32x128xf32>, vector<256x128xf32> -> vector<256x128xf32>
    %add3A_1146 = arith.addf %add3A_1138, %dot_general3A_1145 : vector<256x128xf32>
    %slice3A_1147 = vector.extract_strided_slice %get3A_4 {offsets = [0, 27392], sizes = [32, 256], strides = [1, 1]} : vector<32x32768xf32> to vector<32x256xf32>
    %dot_general3A_1148 = arith.constant dense<0.000000e+00> : vector<256x128xf32>
    %dot_general3A_1149 = tpu.matmul %slice3A_1147, %convert_element_type3A_26, %dot_general3A_1148 {dimension_numbers = #tpu.dot_dimension_numbers<[0], [0], [1], [1], [0, 1, 1, 1], [], []>, transpose_lhs_hint = true} : vector<32x256xf32>, vector<32x128xf32>, vector<256x128xf32> -> vector<256x128xf32>
    %add3A_1150 = arith.addf %add3A_1142, %dot_general3A_1149 : vector<256x128xf32>
    %swap3A_1151 = arith.constant 6656 : index
    %swap3A_1152 = arith.constant 0 : index
    %swap3A_1153 = vector.load %arg3[%swap3A_1151, %swap3A_1152] : memref<8192x128xf32, #tpu.memory_space<vmem>>, vector<256x128xf32>
    tpu.vector_store %arg3[%swap3A_1151, %swap3A_1152], %add3A_1146 {strides = array<i32>} : memref<8192x128xf32, #tpu.memory_space<vmem>>, vector<256x128xf32>,
    %swap3A_1154 = arith.constant 6656 : index
    %swap3A_1155 = arith.constant 0 : index
    %swap3A_1156 = vector.load %arg4[%swap3A_1154, %swap3A_1155] : memref<8192x128xf32, #tpu.memory_space<vmem>>, vector<256x128xf32>
    tpu.vector_store %arg4[%swap3A_1154, %swap3A_1155], %add3A_1150 {strides = array<i32>} : memref<8192x128xf32, #tpu.memory_space<vmem>>, vector<256x128xf32>,
    %broadcast_in_dim3A_1157 = arith.constant 0.000000e+00 : f32
    %broadcast_in_dim3A_1158 = vector.broadcast %broadcast_in_dim3A_1157 : f32 to vector<256x128xf32>
    %broadcast_in_dim3A_1159 = arith.constant 0.000000e+00 : f32
    %broadcast_in_dim3A_1160 = vector.broadcast %broadcast_in_dim3A_1159 : f32 to vector<256x128xf32>
    %slice3A_1161 = vector.extract_strided_slice %get3A_1 {offsets = [0, 27648], sizes = [32, 256], strides = [1, 1]} : vector<32x32768xf32> to vector<32x256xf32>
    %dot_general3A_1162 = arith.constant dense<0.000000e+00> : vector<256x128xf32>
    %dot_general3A_1163 = tpu.matmul %slice3A_1161, %convert_element_type3A_8, %dot_general3A_1162 {dimension_numbers = #tpu.dot_dimension_numbers<[0], [0], [1], [1], [0, 1, 1, 1], [], []>, transpose_lhs_hint = true} : vector<32x256xf32>, vector<32x128xf32>, vector<256x128xf32> -> vector<256x128xf32>
    %add3A_1164 = arith.addf %broadcast_in_dim3A_1158, %dot_general3A_1163 : vector<256x128xf32>
    %slice3A_1165 = vector.extract_strided_slice %get3A_4 {offsets = [0, 27648], sizes = [32, 256], strides = [1, 1]} : vector<32x32768xf32> to vector<32x256xf32>
    %dot_general3A_1166 = arith.constant dense<0.000000e+00> : vector<256x128xf32>
    %dot_general3A_1167 = tpu.matmul %slice3A_1165, %convert_element_type3A_8, %dot_general3A_1166 {dimension_numbers = #tpu.dot_dimension_numbers<[0], [0], [1], [1], [0, 1, 1, 1], [], []>, transpose_lhs_hint = true} : vector<32x256xf32>, vector<32x128xf32>, vector<256x128xf32> -> vector<256x128xf32>
    %add3A_1168 = arith.addf %broadcast_in_dim3A_1160, %dot_general3A_1167 : vector<256x128xf32>
    %slice3A_1169 = vector.extract_strided_slice %get3A_1 {offsets = [0, 27904], sizes = [32, 256], strides = [1, 1]} : vector<32x32768xf32> to vector<32x256xf32>
    %dot_general3A_1170 = arith.constant dense<0.000000e+00> : vector<256x128xf32>
    %dot_general3A_1171 = tpu.matmul %slice3A_1169, %convert_element_type3A_14, %dot_general3A_1170 {dimension_numbers = #tpu.dot_dimension_numbers<[0], [0], [1], [1], [0, 1, 1, 1], [], []>, transpose_lhs_hint = true} : vector<32x256xf32>, vector<32x128xf32>, vector<256x128xf32> -> vector<256x128xf32>
    %add3A_1172 = arith.addf %add3A_1164, %dot_general3A_1171 : vector<256x128xf32>
    %slice3A_1173 = vector.extract_strided_slice %get3A_4 {offsets = [0, 27904], sizes = [32, 256], strides = [1, 1]} : vector<32x32768xf32> to vector<32x256xf32>
    %dot_general3A_1174 = arith.constant dense<0.000000e+00> : vector<256x128xf32>
    %dot_general3A_1175 = tpu.matmul %slice3A_1173, %convert_element_type3A_14, %dot_general3A_1174 {dimension_numbers = #tpu.dot_dimension_numbers<[0], [0], [1], [1], [0, 1, 1, 1], [], []>, transpose_lhs_hint = true} : vector<32x256xf32>, vector<32x128xf32>, vector<256x128xf32> -> vector<256x128xf32>
    %add3A_1176 = arith.addf %add3A_1168, %dot_general3A_1175 : vector<256x128xf32>
    %slice3A_1177 = vector.extract_strided_slice %get3A_1 {offsets = [0, 28160], sizes = [32, 256], strides = [1, 1]} : vector<32x32768xf32> to vector<32x256xf32>
    %dot_general3A_1178 = arith.constant dense<0.000000e+00> : vector<256x128xf32>
    %dot_general3A_1179 = tpu.matmul %slice3A_1177, %convert_element_type3A_20, %dot_general3A_1178 {dimension_numbers = #tpu.dot_dimension_numbers<[0], [0], [1], [1], [0, 1, 1, 1], [], []>, transpose_lhs_hint = true} : vector<32x256xf32>, vector<32x128xf32>, vector<256x128xf32> -> vector<256x128xf32>
    %add3A_1180 = arith.addf %add3A_1172, %dot_general3A_1179 : vector<256x128xf32>
    %slice3A_1181 = vector.extract_strided_slice %get3A_4 {offsets = [0, 28160], sizes = [32, 256], strides = [1, 1]} : vector<32x32768xf32> to vector<32x256xf32>
    %dot_general3A_1182 = arith.constant dense<0.000000e+00> : vector<256x128xf32>
    %dot_general3A_1183 = tpu.matmul %slice3A_1181, %convert_element_type3A_20, %dot_general3A_1182 {dimension_numbers = #tpu.dot_dimension_numbers<[0], [0], [1], [1], [0, 1, 1, 1], [], []>, transpose_lhs_hint = true} : vector<32x256xf32>, vector<32x128xf32>, vector<256x128xf32> -> vector<256x128xf32>
    %add3A_1184 = arith.addf %add3A_1176, %dot_general3A_1183 : vector<256x128xf32>
    %slice3A_1185 = vector.extract_strided_slice %get3A_1 {offsets = [0, 28416], sizes = [32, 256], strides = [1, 1]} : vector<32x32768xf32> to vector<32x256xf32>
    %dot_general3A_1186 = arith.constant dense<0.000000e+00> : vector<256x128xf32>
    %dot_general3A_1187 = tpu.matmul %slice3A_1185, %convert_element_type3A_26, %dot_general3A_1186 {dimension_numbers = #tpu.dot_dimension_numbers<[0], [0], [1], [1], [0, 1, 1, 1], [], []>, transpose_lhs_hint = true} : vector<32x256xf32>, vector<32x128xf32>, vector<256x128xf32> -> vector<256x128xf32>
    %add3A_1188 = arith.addf %add3A_1180, %dot_general3A_1187 : vector<256x128xf32>
    %slice3A_1189 = vector.extract_strided_slice %get3A_4 {offsets = [0, 28416], sizes = [32, 256], strides = [1, 1]} : vector<32x32768xf32> to vector<32x256xf32>
    %dot_general3A_1190 = arith.constant dense<0.000000e+00> : vector<256x128xf32>
    %dot_general3A_1191 = tpu.matmul %slice3A_1189, %convert_element_type3A_26, %dot_general3A_1190 {dimension_numbers = #tpu.dot_dimension_numbers<[0], [0], [1], [1], [0, 1, 1, 1], [], []>, transpose_lhs_hint = true} : vector<32x256xf32>, vector<32x128xf32>, vector<256x128xf32> -> vector<256x128xf32>
    %add3A_1192 = arith.addf %add3A_1184, %dot_general3A_1191 : vector<256x128xf32>
    %swap3A_1193 = arith.constant 6912 : index
    %swap3A_1194 = arith.constant 0 : index
    %swap3A_1195 = vector.load %arg3[%swap3A_1193, %swap3A_1194] : memref<8192x128xf32, #tpu.memory_space<vmem>>, vector<256x128xf32>
    tpu.vector_store %arg3[%swap3A_1193, %swap3A_1194], %add3A_1188 {strides = array<i32>} : memref<8192x128xf32, #tpu.memory_space<vmem>>, vector<256x128xf32>,
    %swap3A_1196 = arith.constant 6912 : index
    %swap3A_1197 = arith.constant 0 : index
    %swap3A_1198 = vector.load %arg4[%swap3A_1196, %swap3A_1197] : memref<8192x128xf32, #tpu.memory_space<vmem>>, vector<256x128xf32>
    tpu.vector_store %arg4[%swap3A_1196, %swap3A_1197], %add3A_1192 {strides = array<i32>} : memref<8192x128xf32, #tpu.memory_space<vmem>>, vector<256x128xf32>,
    %broadcast_in_dim3A_1199 = arith.constant 0.000000e+00 : f32
    %broadcast_in_dim3A_1200 = vector.broadcast %broadcast_in_dim3A_1199 : f32 to vector<256x128xf32>
    %broadcast_in_dim3A_1201 = arith.constant 0.000000e+00 : f32
    %broadcast_in_dim3A_1202 = vector.broadcast %broadcast_in_dim3A_1201 : f32 to vector<256x128xf32>
    %slice3A_1203 = vector.extract_strided_slice %get3A_1 {offsets = [0, 28672], sizes = [32, 256], strides = [1, 1]} : vector<32x32768xf32> to vector<32x256xf32>
    %dot_general3A_1204 = arith.constant dense<0.000000e+00> : vector<256x128xf32>
    %dot_general3A_1205 = tpu.matmul %slice3A_1203, %convert_element_type3A_8, %dot_general3A_1204 {dimension_numbers = #tpu.dot_dimension_numbers<[0], [0], [1], [1], [0, 1, 1, 1], [], []>, transpose_lhs_hint = true} : vector<32x256xf32>, vector<32x128xf32>, vector<256x128xf32> -> vector<256x128xf32>
    %add3A_1206 = arith.addf %broadcast_in_dim3A_1200, %dot_general3A_1205 : vector<256x128xf32>
    %slice3A_1207 = vector.extract_strided_slice %get3A_4 {offsets = [0, 28672], sizes = [32, 256], strides = [1, 1]} : vector<32x32768xf32> to vector<32x256xf32>
    %dot_general3A_1208 = arith.constant dense<0.000000e+00> : vector<256x128xf32>
    %dot_general3A_1209 = tpu.matmul %slice3A_1207, %convert_element_type3A_8, %dot_general3A_1208 {dimension_numbers = #tpu.dot_dimension_numbers<[0], [0], [1], [1], [0, 1, 1, 1], [], []>, transpose_lhs_hint = true} : vector<32x256xf32>, vector<32x128xf32>, vector<256x128xf32> -> vector<256x128xf32>
    %add3A_1210 = arith.addf %broadcast_in_dim3A_1202, %dot_general3A_1209 : vector<256x128xf32>
    %slice3A_1211 = vector.extract_strided_slice %get3A_1 {offsets = [0, 28928], sizes = [32, 256], strides = [1, 1]} : vector<32x32768xf32> to vector<32x256xf32>
    %dot_general3A_1212 = arith.constant dense<0.000000e+00> : vector<256x128xf32>
    %dot_general3A_1213 = tpu.matmul %slice3A_1211, %convert_element_type3A_14, %dot_general3A_1212 {dimension_numbers = #tpu.dot_dimension_numbers<[0], [0], [1], [1], [0, 1, 1, 1], [], []>, transpose_lhs_hint = true} : vector<32x256xf32>, vector<32x128xf32>, vector<256x128xf32> -> vector<256x128xf32>
    %add3A_1214 = arith.addf %add3A_1206, %dot_general3A_1213 : vector<256x128xf32>
    %slice3A_1215 = vector.extract_strided_slice %get3A_4 {offsets = [0, 28928], sizes = [32, 256], strides = [1, 1]} : vector<32x32768xf32> to vector<32x256xf32>
    %dot_general3A_1216 = arith.constant dense<0.000000e+00> : vector<256x128xf32>
    %dot_general3A_1217 = tpu.matmul %slice3A_1215, %convert_element_type3A_14, %dot_general3A_1216 {dimension_numbers = #tpu.dot_dimension_numbers<[0], [0], [1], [1], [0, 1, 1, 1], [], []>, transpose_lhs_hint = true} : vector<32x256xf32>, vector<32x128xf32>, vector<256x128xf32> -> vector<256x128xf32>
    %add3A_1218 = arith.addf %add3A_1210, %dot_general3A_1217 : vector<256x128xf32>
    %slice3A_1219 = vector.extract_strided_slice %get3A_1 {offsets = [0, 29184], sizes = [32, 256], strides = [1, 1]} : vector<32x32768xf32> to vector<32x256xf32>
    %dot_general3A_1220 = arith.constant dense<0.000000e+00> : vector<256x128xf32>
    %dot_general3A_1221 = tpu.matmul %slice3A_1219, %convert_element_type3A_20, %dot_general3A_1220 {dimension_numbers = #tpu.dot_dimension_numbers<[0], [0], [1], [1], [0, 1, 1, 1], [], []>, transpose_lhs_hint = true} : vector<32x256xf32>, vector<32x128xf32>, vector<256x128xf32> -> vector<256x128xf32>
    %add3A_1222 = arith.addf %add3A_1214, %dot_general3A_1221 : vector<256x128xf32>
    %slice3A_1223 = vector.extract_strided_slice %get3A_4 {offsets = [0, 29184], sizes = [32, 256], strides = [1, 1]} : vector<32x32768xf32> to vector<32x256xf32>
    %dot_general3A_1224 = arith.constant dense<0.000000e+00> : vector<256x128xf32>
    %dot_general3A_1225 = tpu.matmul %slice3A_1223, %convert_element_type3A_20, %dot_general3A_1224 {dimension_numbers = #tpu.dot_dimension_numbers<[0], [0], [1], [1], [0, 1, 1, 1], [], []>, transpose_lhs_hint = true} : vector<32x256xf32>, vector<32x128xf32>, vector<256x128xf32> -> vector<256x128xf32>
    %add3A_1226 = arith.addf %add3A_1218, %dot_general3A_1225 : vector<256x128xf32>
    %slice3A_1227 = vector.extract_strided_slice %get3A_1 {offsets = [0, 29440], sizes = [32, 256], strides = [1, 1]} : vector<32x32768xf32> to vector<32x256xf32>
    %dot_general3A_1228 = arith.constant dense<0.000000e+00> : vector<256x128xf32>
    %dot_general3A_1229 = tpu.matmul %slice3A_1227, %convert_element_type3A_26, %dot_general3A_1228 {dimension_numbers = #tpu.dot_dimension_numbers<[0], [0], [1], [1], [0, 1, 1, 1], [], []>, transpose_lhs_hint = true} : vector<32x256xf32>, vector<32x128xf32>, vector<256x128xf32> -> vector<256x128xf32>
    %add3A_1230 = arith.addf %add3A_1222, %dot_general3A_1229 : vector<256x128xf32>
    %slice3A_1231 = vector.extract_strided_slice %get3A_4 {offsets = [0, 29440], sizes = [32, 256], strides = [1, 1]} : vector<32x32768xf32> to vector<32x256xf32>
    %dot_general3A_1232 = arith.constant dense<0.000000e+00> : vector<256x128xf32>
    %dot_general3A_1233 = tpu.matmul %slice3A_1231, %convert_element_type3A_26, %dot_general3A_1232 {dimension_numbers = #tpu.dot_dimension_numbers<[0], [0], [1], [1], [0, 1, 1, 1], [], []>, transpose_lhs_hint = true} : vector<32x256xf32>, vector<32x128xf32>, vector<256x128xf32> -> vector<256x128xf32>
    %add3A_1234 = arith.addf %add3A_1226, %dot_general3A_1233 : vector<256x128xf32>
    %swap3A_1235 = arith.constant 7168 : index
    %swap3A_1236 = arith.constant 0 : index
    %swap3A_1237 = vector.load %arg3[%swap3A_1235, %swap3A_1236] : memref<8192x128xf32, #tpu.memory_space<vmem>>, vector<256x128xf32>
    tpu.vector_store %arg3[%swap3A_1235, %swap3A_1236], %add3A_1230 {strides = array<i32>} : memref<8192x128xf32, #tpu.memory_space<vmem>>, vector<256x128xf32>,
    %swap3A_1238 = arith.constant 7168 : index
    %swap3A_1239 = arith.constant 0 : index
    %swap3A_1240 = vector.load %arg4[%swap3A_1238, %swap3A_1239] : memref<8192x128xf32, #tpu.memory_space<vmem>>, vector<256x128xf32>
    tpu.vector_store %arg4[%swap3A_1238, %swap3A_1239], %add3A_1234 {strides = array<i32>} : memref<8192x128xf32, #tpu.memory_space<vmem>>, vector<256x128xf32>,
    %broadcast_in_dim3A_1241 = arith.constant 0.000000e+00 : f32
    %broadcast_in_dim3A_1242 = vector.broadcast %broadcast_in_dim3A_1241 : f32 to vector<256x128xf32>
    %broadcast_in_dim3A_1243 = arith.constant 0.000000e+00 : f32
    %broadcast_in_dim3A_1244 = vector.broadcast %broadcast_in_dim3A_1243 : f32 to vector<256x128xf32>
    %slice3A_1245 = vector.extract_strided_slice %get3A_1 {offsets = [0, 29696], sizes = [32, 256], strides = [1, 1]} : vector<32x32768xf32> to vector<32x256xf32>
    %dot_general3A_1246 = arith.constant dense<0.000000e+00> : vector<256x128xf32>
    %dot_general3A_1247 = tpu.matmul %slice3A_1245, %convert_element_type3A_8, %dot_general3A_1246 {dimension_numbers = #tpu.dot_dimension_numbers<[0], [0], [1], [1], [0, 1, 1, 1], [], []>, transpose_lhs_hint = true} : vector<32x256xf32>, vector<32x128xf32>, vector<256x128xf32> -> vector<256x128xf32>
    %add3A_1248 = arith.addf %broadcast_in_dim3A_1242, %dot_general3A_1247 : vector<256x128xf32>
    %slice3A_1249 = vector.extract_strided_slice %get3A_4 {offsets = [0, 29696], sizes = [32, 256], strides = [1, 1]} : vector<32x32768xf32> to vector<32x256xf32>
    %dot_general3A_1250 = arith.constant dense<0.000000e+00> : vector<256x128xf32>
    %dot_general3A_1251 = tpu.matmul %slice3A_1249, %convert_element_type3A_8, %dot_general3A_1250 {dimension_numbers = #tpu.dot_dimension_numbers<[0], [0], [1], [1], [0, 1, 1, 1], [], []>, transpose_lhs_hint = true} : vector<32x256xf32>, vector<32x128xf32>, vector<256x128xf32> -> vector<256x128xf32>
    %add3A_1252 = arith.addf %broadcast_in_dim3A_1244, %dot_general3A_1251 : vector<256x128xf32>
    %slice3A_1253 = vector.extract_strided_slice %get3A_1 {offsets = [0, 29952], sizes = [32, 256], strides = [1, 1]} : vector<32x32768xf32> to vector<32x256xf32>
    %dot_general3A_1254 = arith.constant dense<0.000000e+00> : vector<256x128xf32>
    %dot_general3A_1255 = tpu.matmul %slice3A_1253, %convert_element_type3A_14, %dot_general3A_1254 {dimension_numbers = #tpu.dot_dimension_numbers<[0], [0], [1], [1], [0, 1, 1, 1], [], []>, transpose_lhs_hint = true} : vector<32x256xf32>, vector<32x128xf32>, vector<256x128xf32> -> vector<256x128xf32>
    %add3A_1256 = arith.addf %add3A_1248, %dot_general3A_1255 : vector<256x128xf32>
    %slice3A_1257 = vector.extract_strided_slice %get3A_4 {offsets = [0, 29952], sizes = [32, 256], strides = [1, 1]} : vector<32x32768xf32> to vector<32x256xf32>
    %dot_general3A_1258 = arith.constant dense<0.000000e+00> : vector<256x128xf32>
    %dot_general3A_1259 = tpu.matmul %slice3A_1257, %convert_element_type3A_14, %dot_general3A_1258 {dimension_numbers = #tpu.dot_dimension_numbers<[0], [0], [1], [1], [0, 1, 1, 1], [], []>, transpose_lhs_hint = true} : vector<32x256xf32>, vector<32x128xf32>, vector<256x128xf32> -> vector<256x128xf32>
    %add3A_1260 = arith.addf %add3A_1252, %dot_general3A_1259 : vector<256x128xf32>
    %slice3A_1261 = vector.extract_strided_slice %get3A_1 {offsets = [0, 30208], sizes = [32, 256], strides = [1, 1]} : vector<32x32768xf32> to vector<32x256xf32>
    %dot_general3A_1262 = arith.constant dense<0.000000e+00> : vector<256x128xf32>
    %dot_general3A_1263 = tpu.matmul %slice3A_1261, %convert_element_type3A_20, %dot_general3A_1262 {dimension_numbers = #tpu.dot_dimension_numbers<[0], [0], [1], [1], [0, 1, 1, 1], [], []>, transpose_lhs_hint = true} : vector<32x256xf32>, vector<32x128xf32>, vector<256x128xf32> -> vector<256x128xf32>
    %add3A_1264 = arith.addf %add3A_1256, %dot_general3A_1263 : vector<256x128xf32>
    %slice3A_1265 = vector.extract_strided_slice %get3A_4 {offsets = [0, 30208], sizes = [32, 256], strides = [1, 1]} : vector<32x32768xf32> to vector<32x256xf32>
    %dot_general3A_1266 = arith.constant dense<0.000000e+00> : vector<256x128xf32>
    %dot_general3A_1267 = tpu.matmul %slice3A_1265, %convert_element_type3A_20, %dot_general3A_1266 {dimension_numbers = #tpu.dot_dimension_numbers<[0], [0], [1], [1], [0, 1, 1, 1], [], []>, transpose_lhs_hint = true} : vector<32x256xf32>, vector<32x128xf32>, vector<256x128xf32> -> vector<256x128xf32>
    %add3A_1268 = arith.addf %add3A_1260, %dot_general3A_1267 : vector<256x128xf32>
    %slice3A_1269 = vector.extract_strided_slice %get3A_1 {offsets = [0, 30464], sizes = [32, 256], strides = [1, 1]} : vector<32x32768xf32> to vector<32x256xf32>
    %dot_general3A_1270 = arith.constant dense<0.000000e+00> : vector<256x128xf32>
    %dot_general3A_1271 = tpu.matmul %slice3A_1269, %convert_element_type3A_26, %dot_general3A_1270 {dimension_numbers = #tpu.dot_dimension_numbers<[0], [0], [1], [1], [0, 1, 1, 1], [], []>, transpose_lhs_hint = true} : vector<32x256xf32>, vector<32x128xf32>, vector<256x128xf32> -> vector<256x128xf32>
    %add3A_1272 = arith.addf %add3A_1264, %dot_general3A_1271 : vector<256x128xf32>
    %slice3A_1273 = vector.extract_strided_slice %get3A_4 {offsets = [0, 30464], sizes = [32, 256], strides = [1, 1]} : vector<32x32768xf32> to vector<32x256xf32>
    %dot_general3A_1274 = arith.constant dense<0.000000e+00> : vector<256x128xf32>
    %dot_general3A_1275 = tpu.matmul %slice3A_1273, %convert_element_type3A_26, %dot_general3A_1274 {dimension_numbers = #tpu.dot_dimension_numbers<[0], [0], [1], [1], [0, 1, 1, 1], [], []>, transpose_lhs_hint = true} : vector<32x256xf32>, vector<32x128xf32>, vector<256x128xf32> -> vector<256x128xf32>
    %add3A_1276 = arith.addf %add3A_1268, %dot_general3A_1275 : vector<256x128xf32>
    %swap3A_1277 = arith.constant 7424 : index
    %swap3A_1278 = arith.constant 0 : index
    %swap3A_1279 = vector.load %arg3[%swap3A_1277, %swap3A_1278] : memref<8192x128xf32, #tpu.memory_space<vmem>>, vector<256x128xf32>
    tpu.vector_store %arg3[%swap3A_1277, %swap3A_1278], %add3A_1272 {strides = array<i32>} : memref<8192x128xf32, #tpu.memory_space<vmem>>, vector<256x128xf32>,
    %swap3A_1280 = arith.constant 7424 : index
    %swap3A_1281 = arith.constant 0 : index
    %swap3A_1282 = vector.load %arg4[%swap3A_1280, %swap3A_1281] : memref<8192x128xf32, #tpu.memory_space<vmem>>, vector<256x128xf32>
    tpu.vector_store %arg4[%swap3A_1280, %swap3A_1281], %add3A_1276 {strides = array<i32>} : memref<8192x128xf32, #tpu.memory_space<vmem>>, vector<256x128xf32>,
    %broadcast_in_dim3A_1283 = arith.constant 0.000000e+00 : f32
    %broadcast_in_dim3A_1284 = vector.broadcast %broadcast_in_dim3A_1283 : f32 to vector<256x128xf32>
    %broadcast_in_dim3A_1285 = arith.constant 0.000000e+00 : f32
    %broadcast_in_dim3A_1286 = vector.broadcast %broadcast_in_dim3A_1285 : f32 to vector<256x128xf32>
    %slice3A_1287 = vector.extract_strided_slice %get3A_1 {offsets = [0, 30720], sizes = [32, 256], strides = [1, 1]} : vector<32x32768xf32> to vector<32x256xf32>
    %dot_general3A_1288 = arith.constant dense<0.000000e+00> : vector<256x128xf32>
    %dot_general3A_1289 = tpu.matmul %slice3A_1287, %convert_element_type3A_8, %dot_general3A_1288 {dimension_numbers = #tpu.dot_dimension_numbers<[0], [0], [1], [1], [0, 1, 1, 1], [], []>, transpose_lhs_hint = true} : vector<32x256xf32>, vector<32x128xf32>, vector<256x128xf32> -> vector<256x128xf32>
    %add3A_1290 = arith.addf %broadcast_in_dim3A_1284, %dot_general3A_1289 : vector<256x128xf32>
    %slice3A_1291 = vector.extract_strided_slice %get3A_4 {offsets = [0, 30720], sizes = [32, 256], strides = [1, 1]} : vector<32x32768xf32> to vector<32x256xf32>
    %dot_general3A_1292 = arith.constant dense<0.000000e+00> : vector<256x128xf32>
    %dot_general3A_1293 = tpu.matmul %slice3A_1291, %convert_element_type3A_8, %dot_general3A_1292 {dimension_numbers = #tpu.dot_dimension_numbers<[0], [0], [1], [1], [0, 1, 1, 1], [], []>, transpose_lhs_hint = true} : vector<32x256xf32>, vector<32x128xf32>, vector<256x128xf32> -> vector<256x128xf32>
    %add3A_1294 = arith.addf %broadcast_in_dim3A_1286, %dot_general3A_1293 : vector<256x128xf32>
    %slice3A_1295 = vector.extract_strided_slice %get3A_1 {offsets = [0, 30976], sizes = [32, 256], strides = [1, 1]} : vector<32x32768xf32> to vector<32x256xf32>
    %dot_general3A_1296 = arith.constant dense<0.000000e+00> : vector<256x128xf32>
    %dot_general3A_1297 = tpu.matmul %slice3A_1295, %convert_element_type3A_14, %dot_general3A_1296 {dimension_numbers = #tpu.dot_dimension_numbers<[0], [0], [1], [1], [0, 1, 1, 1], [], []>, transpose_lhs_hint = true} : vector<32x256xf32>, vector<32x128xf32>, vector<256x128xf32> -> vector<256x128xf32>
    %add3A_1298 = arith.addf %add3A_1290, %dot_general3A_1297 : vector<256x128xf32>
    %slice3A_1299 = vector.extract_strided_slice %get3A_4 {offsets = [0, 30976], sizes = [32, 256], strides = [1, 1]} : vector<32x32768xf32> to vector<32x256xf32>
    %dot_general3A_1300 = arith.constant dense<0.000000e+00> : vector<256x128xf32>
    %dot_general3A_1301 = tpu.matmul %slice3A_1299, %convert_element_type3A_14, %dot_general3A_1300 {dimension_numbers = #tpu.dot_dimension_numbers<[0], [0], [1], [1], [0, 1, 1, 1], [], []>, transpose_lhs_hint = true} : vector<32x256xf32>, vector<32x128xf32>, vector<256x128xf32> -> vector<256x128xf32>
    %add3A_1302 = arith.addf %add3A_1294, %dot_general3A_1301 : vector<256x128xf32>
    %slice3A_1303 = vector.extract_strided_slice %get3A_1 {offsets = [0, 31232], sizes = [32, 256], strides = [1, 1]} : vector<32x32768xf32> to vector<32x256xf32>
    %dot_general3A_1304 = arith.constant dense<0.000000e+00> : vector<256x128xf32>
    %dot_general3A_1305 = tpu.matmul %slice3A_1303, %convert_element_type3A_20, %dot_general3A_1304 {dimension_numbers = #tpu.dot_dimension_numbers<[0], [0], [1], [1], [0, 1, 1, 1], [], []>, transpose_lhs_hint = true} : vector<32x256xf32>, vector<32x128xf32>, vector<256x128xf32> -> vector<256x128xf32>
    %add3A_1306 = arith.addf %add3A_1298, %dot_general3A_1305 : vector<256x128xf32>
    %slice3A_1307 = vector.extract_strided_slice %get3A_4 {offsets = [0, 31232], sizes = [32, 256], strides = [1, 1]} : vector<32x32768xf32> to vector<32x256xf32>
    %dot_general3A_1308 = arith.constant dense<0.000000e+00> : vector<256x128xf32>
    %dot_general3A_1309 = tpu.matmul %slice3A_1307, %convert_element_type3A_20, %dot_general3A_1308 {dimension_numbers = #tpu.dot_dimension_numbers<[0], [0], [1], [1], [0, 1, 1, 1], [], []>, transpose_lhs_hint = true} : vector<32x256xf32>, vector<32x128xf32>, vector<256x128xf32> -> vector<256x128xf32>
    %add3A_1310 = arith.addf %add3A_1302, %dot_general3A_1309 : vector<256x128xf32>
    %slice3A_1311 = vector.extract_strided_slice %get3A_1 {offsets = [0, 31488], sizes = [32, 256], strides = [1, 1]} : vector<32x32768xf32> to vector<32x256xf32>
    %dot_general3A_1312 = arith.constant dense<0.000000e+00> : vector<256x128xf32>
    %dot_general3A_1313 = tpu.matmul %slice3A_1311, %convert_element_type3A_26, %dot_general3A_1312 {dimension_numbers = #tpu.dot_dimension_numbers<[0], [0], [1], [1], [0, 1, 1, 1], [], []>, transpose_lhs_hint = true} : vector<32x256xf32>, vector<32x128xf32>, vector<256x128xf32> -> vector<256x128xf32>
    %add3A_1314 = arith.addf %add3A_1306, %dot_general3A_1313 : vector<256x128xf32>
    %slice3A_1315 = vector.extract_strided_slice %get3A_4 {offsets = [0, 31488], sizes = [32, 256], strides = [1, 1]} : vector<32x32768xf32> to vector<32x256xf32>
    %dot_general3A_1316 = arith.constant dense<0.000000e+00> : vector<256x128xf32>
    %dot_general3A_1317 = tpu.matmul %slice3A_1315, %convert_element_type3A_26, %dot_general3A_1316 {dimension_numbers = #tpu.dot_dimension_numbers<[0], [0], [1], [1], [0, 1, 1, 1], [], []>, transpose_lhs_hint = true} : vector<32x256xf32>, vector<32x128xf32>, vector<256x128xf32> -> vector<256x128xf32>
    %add3A_1318 = arith.addf %add3A_1310, %dot_general3A_1317 : vector<256x128xf32>
    %swap3A_1319 = arith.constant 7680 : index
    %swap3A_1320 = arith.constant 0 : index
    %swap3A_1321 = vector.load %arg3[%swap3A_1319, %swap3A_1320] : memref<8192x128xf32, #tpu.memory_space<vmem>>, vector<256x128xf32>
    tpu.vector_store %arg3[%swap3A_1319, %swap3A_1320], %add3A_1314 {strides = array<i32>} : memref<8192x128xf32, #tpu.memory_space<vmem>>, vector<256x128xf32>,
    %swap3A_1322 = arith.constant 7680 : index
    %swap3A_1323 = arith.constant 0 : index
    %swap3A_1324 = vector.load %arg4[%swap3A_1322, %swap3A_1323] : memref<8192x128xf32, #tpu.memory_space<vmem>>, vector<256x128xf32>
    tpu.vector_store %arg4[%swap3A_1322, %swap3A_1323], %add3A_1318 {strides = array<i32>} : memref<8192x128xf32, #tpu.memory_space<vmem>>, vector<256x128xf32>,
    %broadcast_in_dim3A_1325 = arith.constant 0.000000e+00 : f32
    %broadcast_in_dim3A_1326 = vector.broadcast %broadcast_in_dim3A_1325 : f32 to vector<256x128xf32>
    %broadcast_in_dim3A_1327 = arith.constant 0.000000e+00 : f32
    %broadcast_in_dim3A_1328 = vector.broadcast %broadcast_in_dim3A_1327 : f32 to vector<256x128xf32>
    %slice3A_1329 = vector.extract_strided_slice %get3A_1 {offsets = [0, 31744], sizes = [32, 256], strides = [1, 1]} : vector<32x32768xf32> to vector<32x256xf32>
    %dot_general3A_1330 = arith.constant dense<0.000000e+00> : vector<256x128xf32>
    %dot_general3A_1331 = tpu.matmul %slice3A_1329, %convert_element_type3A_8, %dot_general3A_1330 {dimension_numbers = #tpu.dot_dimension_numbers<[0], [0], [1], [1], [0, 1, 1, 1], [], []>, transpose_lhs_hint = true} : vector<32x256xf32>, vector<32x128xf32>, vector<256x128xf32> -> vector<256x128xf32>
    %add3A_1332 = arith.addf %broadcast_in_dim3A_1326, %dot_general3A_1331 : vector<256x128xf32>
    %slice3A_1333 = vector.extract_strided_slice %get3A_4 {offsets = [0, 31744], sizes = [32, 256], strides = [1, 1]} : vector<32x32768xf32> to vector<32x256xf32>
    %dot_general3A_1334 = arith.constant dense<0.000000e+00> : vector<256x128xf32>
    %dot_general3A_1335 = tpu.matmul %slice3A_1333, %convert_element_type3A_8, %dot_general3A_1334 {dimension_numbers = #tpu.dot_dimension_numbers<[0], [0], [1], [1], [0, 1, 1, 1], [], []>, transpose_lhs_hint = true} : vector<32x256xf32>, vector<32x128xf32>, vector<256x128xf32> -> vector<256x128xf32>
    %add3A_1336 = arith.addf %broadcast_in_dim3A_1328, %dot_general3A_1335 : vector<256x128xf32>
    %slice3A_1337 = vector.extract_strided_slice %get3A_1 {offsets = [0, 32000], sizes = [32, 256], strides = [1, 1]} : vector<32x32768xf32> to vector<32x256xf32>
    %dot_general3A_1338 = arith.constant dense<0.000000e+00> : vector<256x128xf32>
    %dot_general3A_1339 = tpu.matmul %slice3A_1337, %convert_element_type3A_14, %dot_general3A_1338 {dimension_numbers = #tpu.dot_dimension_numbers<[0], [0], [1], [1], [0, 1, 1, 1], [], []>, transpose_lhs_hint = true} : vector<32x256xf32>, vector<32x128xf32>, vector<256x128xf32> -> vector<256x128xf32>
    %add3A_1340 = arith.addf %add3A_1332, %dot_general3A_1339 : vector<256x128xf32>
    %slice3A_1341 = vector.extract_strided_slice %get3A_4 {offsets = [0, 32000], sizes = [32, 256], strides = [1, 1]} : vector<32x32768xf32> to vector<32x256xf32>
    %dot_general3A_1342 = arith.constant dense<0.000000e+00> : vector<256x128xf32>
    %dot_general3A_1343 = tpu.matmul %slice3A_1341, %convert_element_type3A_14, %dot_general3A_1342 {dimension_numbers = #tpu.dot_dimension_numbers<[0], [0], [1], [1], [0, 1, 1, 1], [], []>, transpose_lhs_hint = true} : vector<32x256xf32>, vector<32x128xf32>, vector<256x128xf32> -> vector<256x128xf32>
    %add3A_1344 = arith.addf %add3A_1336, %dot_general3A_1343 : vector<256x128xf32>
    %slice3A_1345 = vector.extract_strided_slice %get3A_1 {offsets = [0, 32256], sizes = [32, 256], strides = [1, 1]} : vector<32x32768xf32> to vector<32x256xf32>
    %dot_general3A_1346 = arith.constant dense<0.000000e+00> : vector<256x128xf32>
    %dot_general3A_1347 = tpu.matmul %slice3A_1345, %convert_element_type3A_20, %dot_general3A_1346 {dimension_numbers = #tpu.dot_dimension_numbers<[0], [0], [1], [1], [0, 1, 1, 1], [], []>, transpose_lhs_hint = true} : vector<32x256xf32>, vector<32x128xf32>, vector<256x128xf32> -> vector<256x128xf32>
    %add3A_1348 = arith.addf %add3A_1340, %dot_general3A_1347 : vector<256x128xf32>
    %slice3A_1349 = vector.extract_strided_slice %get3A_4 {offsets = [0, 32256], sizes = [32, 256], strides = [1, 1]} : vector<32x32768xf32> to vector<32x256xf32>
    %dot_general3A_1350 = arith.constant dense<0.000000e+00> : vector<256x128xf32>
    %dot_general3A_1351 = tpu.matmul %slice3A_1349, %convert_element_type3A_20, %dot_general3A_1350 {dimension_numbers = #tpu.dot_dimension_numbers<[0], [0], [1], [1], [0, 1, 1, 1], [], []>, transpose_lhs_hint = true} : vector<32x256xf32>, vector<32x128xf32>, vector<256x128xf32> -> vector<256x128xf32>
    %add3A_1352 = arith.addf %add3A_1344, %dot_general3A_1351 : vector<256x128xf32>
    %slice3A_1353 = vector.extract_strided_slice %get3A_1 {offsets = [0, 32512], sizes = [32, 256], strides = [1, 1]} : vector<32x32768xf32> to vector<32x256xf32>
    %dot_general3A_1354 = arith.constant dense<0.000000e+00> : vector<256x128xf32>
    %dot_general3A_1355 = tpu.matmul %slice3A_1353, %convert_element_type3A_26, %dot_general3A_1354 {dimension_numbers = #tpu.dot_dimension_numbers<[0], [0], [1], [1], [0, 1, 1, 1], [], []>, transpose_lhs_hint = true} : vector<32x256xf32>, vector<32x128xf32>, vector<256x128xf32> -> vector<256x128xf32>
    %add3A_1356 = arith.addf %add3A_1348, %dot_general3A_1355 : vector<256x128xf32>
    %slice3A_1357 = vector.extract_strided_slice %get3A_4 {offsets = [0, 32512], sizes = [32, 256], strides = [1, 1]} : vector<32x32768xf32> to vector<32x256xf32>
    %dot_general3A_1358 = arith.constant dense<0.000000e+00> : vector<256x128xf32>
    %dot_general3A_1359 = tpu.matmul %slice3A_1357, %convert_element_type3A_26, %dot_general3A_1358 {dimension_numbers = #tpu.dot_dimension_numbers<[0], [0], [1], [1], [0, 1, 1, 1], [], []>, transpose_lhs_hint = true} : vector<32x256xf32>, vector<32x128xf32>, vector<256x128xf32> -> vector<256x128xf32>
    %add3A_1360 = arith.addf %add3A_1352, %dot_general3A_1359 : vector<256x128xf32>
    %swap3A_1361 = arith.constant 7936 : index
    %swap3A_1362 = arith.constant 0 : index
    %swap3A_1363 = vector.load %arg3[%swap3A_1361, %swap3A_1362] : memref<8192x128xf32, #tpu.memory_space<vmem>>, vector<256x128xf32>
    tpu.vector_store %arg3[%swap3A_1361, %swap3A_1362], %add3A_1356 {strides = array<i32>} : memref<8192x128xf32, #tpu.memory_space<vmem>>, vector<256x128xf32>,
    %swap3A_1364 = arith.constant 7936 : index
    %swap3A_1365 = arith.constant 0 : index
    %swap3A_1366 = vector.load %arg4[%swap3A_1364, %swap3A_1365] : memref<8192x128xf32, #tpu.memory_space<vmem>>, vector<256x128xf32>
    tpu.vector_store %arg4[%swap3A_1364, %swap3A_1365], %add3A_1360 {strides = array<i32>} : memref<8192x128xf32, #tpu.memory_space<vmem>>, vector<256x128xf32>,
    return
  }
  func.func @transform_0(%arg0: i32) -> (i32, i32) {
    %c0_i32 = arith.constant 0 : i32
    %c0_i32_0 = arith.constant 0 : i32
    return %c0_i32, %arg0 : i32, i32
  }
  func.func @transform_1(%arg0: i32) -> (i32, i32) {
    %c0_i32 = arith.constant 0 : i32
    %c0_i32_0 = arith.constant 0 : i32
    return %c0_i32, %arg0 : i32, i32
  }
  func.func @transform_2(%arg0: i32) -> (i32, i32) {
    %c0_i32 = arith.constant 0 : i32
    %c0_i32_0 = arith.constant 0 : i32
    return %arg0, %c0_i32 : i32, i32
  }
  func.func @transform_3(%arg0: i32) -> (i32, i32) {
    %c0_i32 = arith.constant 0 : i32
    %c0_i32_0 = arith.constant 0 : i32
    return %arg0, %c0_i32 : i32, i32
  }
}

module attributes {stable_mosaic.version = 14 : i64} {
  func.func @_mlp_body(%arg0: i32, %arg1: memref<2048x128xf32, #tpu.memory_space<vmem>>, %arg2: memref<2048x128xf32, #tpu.memory_space<vmem>>, %arg3: memref<2048x1xf32, #tpu.memory_space<vmem>>, %arg4: memref<2048x1xf32, #tpu.memory_space<vmem>>, %arg5: memref<1x128xf32, #tpu.memory_space<vmem>>, %arg6: memref<128x64xf32, #tpu.memory_space<vmem>>, %arg7: memref<128x64xf32, #tpu.memory_space<vmem>>, %arg8: memref<1x64xf32, #tpu.memory_space<vmem>>, %arg9: memref<64x1xf32, #tpu.memory_space<vmem>>, %arg10: memref<1x1xf32, #tpu.memory_space<vmem>>, %arg11: memref<2048x1xf32, #tpu.memory_space<vmem>>) attributes {dimension_semantics = [#tpu.dimension_semantics<arbitrary>], iteration_bounds = array<i64: 8>, scalar_prefetch = 0 : i64, scratch_operands = 0 : i64, tpu.core_type = #tpu.core_type<tc>, window_params = [{transform_indices = @transform_0, window_bounds = array<i64: 2048, 128>}, {transform_indices = @transform_1, window_bounds = array<i64: 2048, 128>}, {transform_indices = @transform_2, window_bounds = array<i64: 2048, 1>}, {transform_indices = @transform_3, window_bounds = array<i64: 2048, 1>}, {pipeline_mode = #tpu.pipeline_mode<synchronous>, transform_indices = @transform_4, window_bounds = array<i64: 1, 128>}, {pipeline_mode = #tpu.pipeline_mode<synchronous>, transform_indices = @transform_5, window_bounds = array<i64: 128, 64>}, {pipeline_mode = #tpu.pipeline_mode<synchronous>, transform_indices = @transform_6, window_bounds = array<i64: 128, 64>}, {pipeline_mode = #tpu.pipeline_mode<synchronous>, transform_indices = @transform_7, window_bounds = array<i64: 1, 64>}, {pipeline_mode = #tpu.pipeline_mode<synchronous>, transform_indices = @transform_8, window_bounds = array<i64: 64, 1>}, {pipeline_mode = #tpu.pipeline_mode<synchronous>, transform_indices = @transform_9, window_bounds = array<i64: 1, 1>}, {transform_indices = @transform_10, window_bounds = array<i64: 2048, 1>}]} {
    %get3A = arith.constant 0 : index
    %get3A_0 = arith.constant 0 : index
    %get3A_1 = vector.load %arg5[%get3A, %get3A_0] : memref<1x128xf32, #tpu.memory_space<vmem>>, vector<1x128xf32>
    %get3A_2 = arith.constant 0 : index
    %get3A_3 = arith.constant 0 : index
    %get3A_4 = vector.load %arg3[%get3A_2, %get3A_3] : memref<2048x1xf32, #tpu.memory_space<vmem>>, vector<2048x1xf32>
    %eq3A = vector.broadcast %get3A_1 : vector<1x128xf32> to vector<2048x128xf32>
    %eq3A_5 = vector.broadcast %get3A_4 : vector<2048x1xf32> to vector<2048x128xf32>
    %eq3A_6 = arith.cmpf oeq, %eq3A, %eq3A_5 : vector<2048x128xf32>
    %get3A_7 = arith.constant 0 : index
    %get3A_8 = arith.constant 0 : index
    %get3A_9 = vector.load %arg1[%get3A_7, %get3A_8] : memref<2048x128xf32, #tpu.memory_space<vmem>>, vector<2048x128xf32>
    %jit3A = arith.constant 0.000000e+00 : f32
    %broadcast_in_dim3A = vector.broadcast %jit3A : f32 to vector<2048x128xf32>
    %select_n3A = arith.select %eq3A_6, %get3A_9, %broadcast_in_dim3A : vector<2048x128xi1>, vector<2048x128xf32>
    %get3A_10 = arith.constant 0 : index
    %get3A_11 = arith.constant 0 : index
    %get3A_12 = vector.load %arg4[%get3A_10, %get3A_11] : memref<2048x1xf32, #tpu.memory_space<vmem>>, vector<2048x1xf32>
    %eq3A_13 = vector.broadcast %get3A_1 : vector<1x128xf32> to vector<2048x128xf32>
    %eq3A_14 = vector.broadcast %get3A_12 : vector<2048x1xf32> to vector<2048x128xf32>
    %eq3A_15 = arith.cmpf oeq, %eq3A_13, %eq3A_14 : vector<2048x128xf32>
    %get3A_16 = arith.constant 0 : index
    %get3A_17 = arith.constant 0 : index
    %get3A_18 = vector.load %arg2[%get3A_16, %get3A_17] : memref<2048x128xf32, #tpu.memory_space<vmem>>, vector<2048x128xf32>
    %jit3A_19 = arith.constant 0.000000e+00 : f32
    %broadcast_in_dim3A_20 = vector.broadcast %jit3A_19 : f32 to vector<2048x128xf32>
    %select_n3A_21 = arith.select %eq3A_15, %get3A_18, %broadcast_in_dim3A_20 : vector<2048x128xi1>, vector<2048x128xf32>
    %get3A_22 = arith.constant 0 : index
    %get3A_23 = arith.constant 0 : index
    %get3A_24 = vector.load %arg6[%get3A_22, %get3A_23] : memref<128x64xf32, #tpu.memory_space<vmem>>, vector<128x64xf32>
    %dot_general3A = arith.constant dense<0.000000e+00> : vector<2048x64xf32>
    %dot_general3A_25 = tpu.matmul %select_n3A, %get3A_24, %dot_general3A {dimension_numbers = #tpu.dot_dimension_numbers<[1], [0], [0], [1], [0, 0, 1, 1], [], []>, transpose_lhs_hint = false} : vector<2048x128xf32>, vector<128x64xf32>, vector<2048x64xf32> -> vector<2048x64xf32>
    %get3A_26 = arith.constant 0 : index
    %get3A_27 = arith.constant 0 : index
    %get3A_28 = vector.load %arg7[%get3A_26, %get3A_27] : memref<128x64xf32, #tpu.memory_space<vmem>>, vector<128x64xf32>
    %dot_general3A_29 = arith.constant dense<0.000000e+00> : vector<2048x64xf32>
    %dot_general3A_30 = tpu.matmul %select_n3A_21, %get3A_28, %dot_general3A_29 {dimension_numbers = #tpu.dot_dimension_numbers<[1], [0], [0], [1], [0, 0, 1, 1], [], []>, transpose_lhs_hint = false} : vector<2048x128xf32>, vector<128x64xf32>, vector<2048x64xf32> -> vector<2048x64xf32>
    %add3A = arith.addf %dot_general3A_25, %dot_general3A_30 : vector<2048x64xf32>
    %get3A_31 = arith.constant 0 : index
    %get3A_32 = arith.constant 0 : index
    %get3A_33 = vector.load %arg8[%get3A_31, %get3A_32] : memref<1x64xf32, #tpu.memory_space<vmem>>, vector<1x64xf32>
    %add3A_34 = vector.broadcast %get3A_33 : vector<1x64xf32> to vector<2048x64xf32>
    %add3A_35 = arith.addf %add3A, %add3A_34 : vector<2048x64xf32>
    %max3A = arith.constant 0.000000e+00 : f32
    %max3A_36 = vector.broadcast %max3A : f32 to vector<2048x64xf32>
    %max3A_37 = arith.maximumf %add3A_35, %max3A_36 : vector<2048x64xf32>
    %get3A_38 = arith.constant 0 : index
    %get3A_39 = arith.constant 0 : index
    %get3A_40 = vector.load %arg9[%get3A_38, %get3A_39] : memref<64x1xf32, #tpu.memory_space<vmem>>, vector<64x1xf32>
    %dot_general3A_41 = arith.constant dense<0.000000e+00> : vector<2048x1xf32>
    %dot_general3A_42 = tpu.matmul %max3A_37, %get3A_40, %dot_general3A_41 {dimension_numbers = #tpu.dot_dimension_numbers<[1], [0], [0], [1], [0, 0, 1, 1], [], []>, transpose_lhs_hint = false} : vector<2048x64xf32>, vector<64x1xf32>, vector<2048x1xf32> -> vector<2048x1xf32>
    %get3A_43 = arith.constant 0 : index
    %get3A_44 = arith.constant 0 : index
    %get3A_45 = vector.load %arg10[%get3A_43, %get3A_44] : memref<1x1xf32, #tpu.memory_space<vmem>>, vector<1x1xf32>
    %add3A_46 = vector.broadcast %get3A_45 : vector<1x1xf32> to vector<2048x1xf32>
    %add3A_47 = arith.addf %dot_general3A_42, %add3A_46 : vector<2048x1xf32>
    %swap3A = arith.constant 0 : index
    %swap3A_48 = arith.constant 0 : index
    %swap3A_49 = vector.load %arg11[%swap3A, %swap3A_48] : memref<2048x1xf32, #tpu.memory_space<vmem>>, vector<2048x1xf32>
    tpu.vector_store %arg11[%swap3A, %swap3A_48], %add3A_47 {strides = array<i32>} : memref<2048x1xf32, #tpu.memory_space<vmem>>, vector<2048x1xf32>,
    return
  }
  func.func @transform_0(%arg0: i32) -> (i32, i32) {
    %c0_i32 = arith.constant 0 : i32
    %c0_i32_0 = arith.constant 0 : i32
    return %arg0, %c0_i32 : i32, i32
  }
  func.func @transform_1(%arg0: i32) -> (i32, i32) {
    %c0_i32 = arith.constant 0 : i32
    %c0_i32_0 = arith.constant 0 : i32
    return %arg0, %c0_i32 : i32, i32
  }
  func.func @transform_2(%arg0: i32) -> (i32, i32) {
    %c0_i32 = arith.constant 0 : i32
    %c0_i32_0 = arith.constant 0 : i32
    return %arg0, %c0_i32 : i32, i32
  }
  func.func @transform_3(%arg0: i32) -> (i32, i32) {
    %c0_i32 = arith.constant 0 : i32
    %c0_i32_0 = arith.constant 0 : i32
    return %arg0, %c0_i32 : i32, i32
  }
  func.func @transform_4(%arg0: i32) -> (i32, i32) {
    %c0_i32 = arith.constant 0 : i32
    %c0_i32_0 = arith.constant 0 : i32
    %c0_i32_1 = arith.constant 0 : i32
    return %c0_i32, %c0_i32_0 : i32, i32
  }
  func.func @transform_5(%arg0: i32) -> (i32, i32) {
    %c0_i32 = arith.constant 0 : i32
    %c0_i32_0 = arith.constant 0 : i32
    %c0_i32_1 = arith.constant 0 : i32
    return %c0_i32, %c0_i32_0 : i32, i32
  }
  func.func @transform_6(%arg0: i32) -> (i32, i32) {
    %c0_i32 = arith.constant 0 : i32
    %c0_i32_0 = arith.constant 0 : i32
    %c0_i32_1 = arith.constant 0 : i32
    return %c0_i32, %c0_i32_0 : i32, i32
  }
  func.func @transform_7(%arg0: i32) -> (i32, i32) {
    %c0_i32 = arith.constant 0 : i32
    %c0_i32_0 = arith.constant 0 : i32
    %c0_i32_1 = arith.constant 0 : i32
    return %c0_i32, %c0_i32_0 : i32, i32
  }
  func.func @transform_8(%arg0: i32) -> (i32, i32) {
    %c0_i32 = arith.constant 0 : i32
    %c0_i32_0 = arith.constant 0 : i32
    %c0_i32_1 = arith.constant 0 : i32
    return %c0_i32, %c0_i32_0 : i32, i32
  }
  func.func @transform_9(%arg0: i32) -> (i32, i32) {
    %c0_i32 = arith.constant 0 : i32
    %c0_i32_0 = arith.constant 0 : i32
    %c0_i32_1 = arith.constant 0 : i32
    return %c0_i32, %c0_i32_0 : i32, i32
  }
  func.func @transform_10(%arg0: i32) -> (i32, i32) {
    %c0_i32 = arith.constant 0 : i32
    %c0_i32_0 = arith.constant 0 : i32
    return %arg0, %c0_i32 : i32, i32
  }
}

</mosaic_0001>

<sc_bundles>
// kernel: kernel.5.cloned.1.call-start
scs
__scs_entry_jumppad:
0x0: {  	(pc) =	sbr.rel $0x88, $3  }
0x1: {  	(tag) =	ssettag $0x0;
	lr =	simm.s32 $0x1  }
0x2: {  	[smem:$0x3F99] =	sst lr;
	_ =	strace $0xD0000000  }
0x3: {  	_ = 	snop  }
0x4: {  	_ = 	snop  }
0x5: {  	_ = 	snop  }
0x6: {  	_ = 	snop  }
0x7: {  	_ = 	snop  }
__scs_overlays_trampoline_lowered:
0x8: {  	[smem:$0x3FA8] =	sst s0  }
0x9: {  	[smem:$0x3FA9] =	sst s1  }
0xa: {  	[smem:$0x3FAA] =	sst s2  }
0xb: {  	[smem:$0x3FAB] =	sst s3  }
0xc: {  	[smem:$0x3FAC] =	sst s4  }
0xd: {  	[smem:$0x3FAD] =	sst s5  }
0xe: {  	[smem:$0x3FAE] =	sst s6  }
0xf: {  	[smem:$0x3FAF] =	sst s7  }
0x10: {  	[smem:$0x3FB0] =	sst s8  }
0x11: {  	[smem:$0x3FB1] =	sst s9;
	s0 =	simm.s32 @!p0 $0x0  }
0x12: {  	s1 =	sld [smem:$0x3F97];
	s0 =	simm.s32 @p0 $0x1  }
0x13: {  	[smem:$0x3FB2] =	sst s0;
	s0 =	simm.s32 @!p1 $0x0  }
0x14: {  	s2 =	sld [smem:$0x3F96];
	s0 =	simm.s32 @p1 $0x1  }
0x15: {  	[smem:$0x3FB3] =	sst s0;
	s0 =	simm.s32 @!p2 $0x0  }
0x16: {  	s3 =	sld [smem:$0x3FDB];
	s0 =	simm.s32 @p2 $0x1  }
0x17: {  	s4 =	simm.s32 $0x1BF5;
	[smem:$0x3FB5] =	sst s0  }
0x18: {  	s0 =	sld [smem:$0x3F98];
	_ =	swait.ge [sflag:s4], $0x0  }
0x19: {  	s7 =	sld [smem:$0x3F99]  }
0x1a: {  	s8 =	sadd.s32 $0xFFFFE003, lr  }
0x1b: {  	s9 =	sadd.s32 $0xFFFFFEF7, lr;
	s5 =	simm.s32 $0xFFFFFFFF;
	p2 =	slt.u32 s8, $0xFFFFF086  }
0x1c: {  	p1 =	slt.u32 s9, $0xF7A;
	s5 =	simm.s32 @!p2 $0x0  }
0x1d: {  	s5 =	simm.s32 @p1 $0x1;
	p0 =	seq.s32 s7, s2  }
0x1e: {  	s7 =	smul.u32 @!p0 $0xF7A, s2;
	p2 =	seq.s32 @!p0 s5, $0x0  }
0x1f: {  	s9 =	smul.u32 $0xF7A, s1;
	s8 =	simm.s32 @!p0 $0x1BF5;
	p2 =	por !p2, p0  }
0x20: {  	[sflag:s8] =	ssyncset.s32 @!p0 $0xFFFFF086;
	s6 =	sadd.s32 @!p0 s3, s7;
	s7 =	simm.s32 @!p0 $0x108  }
0x21: {  	s3 =	sadd.s32 s3, s9;
	s6 =	sadd.s32 @!p0 $0x88, s6;
	s7 =	simm.s32 @p2 $0x1082  }
0x22: {  	[simem:s7], [sflag:s8] =	dma.local @!p0 [hbm:s6], $0xF7A  }
0x23: {  	s9 =	sor.u32 $0xD0000000, s2;
	s6 =	simm.s32 $0x108;
	_ =	swait.ge @!p0 [sflag:s8], $0x0  }
0x24: {  	s3 =	sadd.s32 $0x88, s3;
	s6 =	simm.s32 @!p1 $0x1082;
	[sflag:s4] =	ssyncset.s32 $0xFFFFF086  }
0x25: {  	[simem:s6], [sflag:s4] =	dma.local [hbm:s3], $0xF7A  }
0x26: {  	[smem:$0x3F99] =	sst s1;
	(tag) =	ssettag s2;
	_ =	strace s9  }
0x27: {  	s1 =	sld [smem:$0x3FA9]  }
0x28: {  	s2 =	sld [smem:$0x3FAA]  }
0x29: {  	s4 =	sld [smem:$0x3FAC]  }
0x2a: {  	p0 =	seq.s32 s5, $0x0;
	s5 =	sld [smem:$0x3FAD]  }
0x2b: {  	s6 =	sld [smem:$0x3FAE]  }
0x2c: {  	s7 =	sld [smem:$0x3FAF]  }
0x2d: {  	s3 =	simm.s32 $0x108;
	s8 =	sld [smem:$0x3FB0]  }
0x2e: {  	s3 =	simm.s32 @!p0 $0x1082;
	s9 =	sld [smem:$0x3FB1]  }
0x2f: {  	lr =	sadd.s32 s0, s3;
	s0 =	sld [smem:$0x3FA8]  }
0x30: {  	s3 =	sld [smem:$0x3FAB]  }
0x31: {  	[smem:$0x3FB4] =	sst s10  }
0x32: {  	s10 =	sld [smem:$0x3FB2];
	_ =	sdelay $0x3  }
0x33: {  	p0 =	seq.s32 s10, $0x1;
	s10 =	sld [smem:$0x3FB4];
	_ =	sdelay $0x3  }
0x34: {  	[smem:$0x3FB4] =	sst s10  }
0x35: {  	s10 =	sld [smem:$0x3FB3];
	_ =	sdelay $0x3  }
0x36: {  	p1 =	seq.s32 s10, $0x1;
	s10 =	sld [smem:$0x3FB4];
	_ =	sdelay $0x3  }
0x37: {  	[smem:$0x3FB4] =	sst s10  }
0x38: {  	s10 =	sld [smem:$0x3FB5]  }
0x39: {  	_ = 	snop;
	(pc) =	sbr.ind lr, $3  }
0x3a: {  	_ = 	snop  }
0x3b: {  	_ = 	snop  }
0x3c: {  	p2 =	seq.s32 s10, $0x1;
	s10 =	sld [smem:$0x3FB4]  }
0x3d: {  	_ =	shalt  }
0x3e: {  	_ =	shalt  }
0x3f: {  	_ =	shalt  }
0x40: {  	_ =	shalt  }
0x41: {  	_ =	shalt  }
0x42: {  	_ =	shalt  }
0x43: {  	_ =	shalt  }
0x44: {  	_ =	shalt  }
0x45: {  	_ =	shalt  }
0x46: {  	_ =	shalt  }
0x47: {  	_ =	shalt  }
0x48: {  	_ =	shalt  }
0x49: {  	_ =	shalt  }
0x4a: {  	_ =	shalt  }
0x4b: {  	_ =	shalt  }
0x4c: {  	_ =	shalt  }
0x4d: {  	_ =	shalt  }
0x4e: {  	_ =	shalt  }
0x4f: {  	_ =	shalt  }
0x50: {  	_ =	shalt  }
0x51: {  	_ =	shalt  }
0x52: {  	_ =	shalt  }
0x53: {  	_ =	shalt  }
0x54: {  	_ =	shalt  }
0x55: {  	_ =	shalt  }
0x56: {  	_ =	shalt  }
0x57: {  	_ =	shalt  }
0x58: {  	_ =	shalt  }
0x59: {  	_ =	shalt  }
0x5a: {  	_ =	shalt  }
0x5b: {  	_ =	shalt  }
0x5c: {  	_ =	shalt  }
0x5d: {  	_ =	shalt  }
0x5e: {  	_ =	shalt  }
0x5f: {  	_ =	shalt  }
0x60: {  	_ =	shalt  }
0x61: {  	_ =	shalt  }
0x62: {  	_ =	shalt  }
0x63: {  	_ =	shalt  }
0x64: {  	_ =	shalt  }
0x65: {  	_ =	shalt  }
0x66: {  	_ =	shalt  }
0x67: {  	_ =	shalt  }
0x68: {  	_ =	shalt  }
0x69: {  	_ =	shalt  }
0x6a: {  	_ =	shalt  }
0x6b: {  	_ =	shalt  }
0x6c: {  	_ =	shalt  }
0x6d: {  	_ =	shalt  }
0x6e: {  	_ =	shalt  }
0x6f: {  	_ =	shalt  }
0x70: {  	_ =	shalt  }
0x71: {  	_ =	shalt  }
0x72: {  	_ =	shalt  }
0x73: {  	_ =	shalt  }
0x74: {  	_ =	shalt  }
0x75: {  	_ =	shalt  }
0x76: {  	_ =	shalt  }
0x77: {  	_ =	shalt  }
0x78: {  	_ =	shalt  }
0x79: {  	_ =	shalt  }
0x7a: {  	_ =	shalt  }
0x7b: {  	_ =	shalt  }
0x7c: {  	_ =	shalt  }
0x7d: {  	_ =	shalt  }
0x7e: {  	_ =	shalt  }
0x7f: {  	_ =	shalt  }
0x80: {  	_ =	shalt  }
0x81: {  	_ =	shalt  }
0x82: {  	_ =	shalt  }
0x83: {  	_ =	shalt  }
0x84: {  	_ =	shalt  }
0x85: {  	_ =	shalt  }
0x86: {  	_ =	shalt  }
0x87: {  	_ =	shalt  }
.Lfunc_end0:
.L_simem_size_0:
called_computation_lowered:
.L_overlay_start_0:
0x88: {  	s2 =	sld [smem:$0x3FD9]  }
0x89: {  	s3 =	sld [smem:$0x3FFE];
	_ =	sdelay $0x1  }
0x8a: {  	s1 =	srdreg.scid  }
0x8b: {  	s0 =	sand.u32 $0x1, s1  }
0x8c: {  	s16 =	sshll.u32 s0, $0xA;
	s2 =	sadd.s32 s3, s2  }
0x8d: {  	s2 =	sadd.s32 s2, s16  }
0x8e: {  	[smem:$0x3FC0] =	sst s2  }
0x8f: {  	_ = 	snop  }
0x90: {  	(tm) =	ssettm $0x1  }
0x91: {  	s17 =	sld [smem:$0x3FFB];
	_ =	sdelay $0x3  }
0x92: {  	_ =	strace s17  }
0x93: {  	s2 =	sld [smem:$0x3FFC];
	_ =	sdelay $0x3  }
0x94: {  	_ =	strace s2  }
0x95: {  	s2 =	sld [smem:$0x3FFD];
	_ =	sdelay $0x3  }
0x96: {  	_ =	strace s2  }
0x97: {  	_ =	strace $0x8FFFFFFF  }
0x98: {  	s18 =	sld [smem:$0x3FDB];
	_ =	sdelay $0x1  }
0x99: {  	s19 =	simm.s32 $_scs_section_size  }
0x9a: {  	s4 =	simm.s32 $_size__tile_overlayer_lowered;
	s5 =	simm.s32 $_tile_overlayer_lowered  }
0x9b: {  	s22 =	simm.s32 $0x1BFF;
	s21 =	sshll.u32 s5, $0x1;
	s2 =	sadd.s32 s19, s18  }
0x9c: {  	s6 =	simm.s32 $0x0;
	s20 =	sshll.u32 s4, $0x1;
	s4 =	sadd.s32 s21, s2  }
0x9d: {  	[timem:s6], [sflag:s22] =	dma.local [hbm:s4], s20  }
0x9e: {  	_ =	swait.ge [sflag:s22], s20  }
0x9f: {  	s3 =	ssub.s32 $0x0, s20;
	[sflag:s22] =	ssyncset.done $0x0  }
0xa0: {  	[sflag:s22] =	ssyncadd.s32 s3;
	_ =	sdelay $0x1  }
0xa1: {  	s23 =	simm.s32 $0x1B8B  }
0xa2: {  	_ =	swait.ge [sflag:s23], $0x1  }
0xa3: {  	[sflag:s23] =	ssyncset.done $0x0  }
0xa4: {  	s25 =	simm.s32 $0x1B8E;
	s24 =	sld [smem:$0x3FFE];
	[sflag:s23] =	ssyncadd.s32 $0xFFFFFFFF  }
0xa5: {  	s26 =	simm.s32 $execute0_lowered;
	[smem:$0x3FD2] =	sst s25  }
0xa6: {  	s4 =	sshll.u32 s26, $0x1;
	_ =	strace $0x80000046;
	[dreg:$0x1] =	wrdreg $0xFFFFFFFF  }
0xa7: {  	s28 =	simm.s32 $_size_execute0_lowered;
	s2 =	sadd.s32 s2, s4;
	[dreg:$0x0] =	wrdreg $0x0  }
0xa8: {  	s4 =	sshll.u32 s28, $0x1;
	[dreg:$0x2] =	wrdreg s2  }
0xa9: {  	[dreg:$0x3] =	wrdreg s4  }
0xaa: {  	[dreg:$0x4] =	wrdreg $0xC0  }
0xab: {  	_ =	task [dreg:s6], $0x5FFFF  }
0xac: {  	[dreg:$0x1] =	wrdreg $0xFFFFFFFF  }
0xad: {  	[dreg:$0x0] =	wrdreg $0x60  }
0xae: {  	[dreg:$0x2] =	wrdreg s24  }
0xaf: {  	[dreg:$0x3] =	wrdreg $0x9  }
0xb0: {  	_ =	task.clear_ibuf [dreg:s6], $0x4FFFF;
	_ =	strace $0x90000046  }
0xb1: {  	s29 =	simm.s32 $0x9;
	_ =	strace $0x80000048  }
0xb2: {  	_ =	swait.ge [sflag:s29], $0x1  }
0xb3: {  	[sflag:s29] =	ssyncadd.s32 $0xFFFFFFFF  }
0xb4: {  	_ =	strace $0x90000048  }
0xb5: {  	_ =	sfence  }
0xb6: {  	s30 =	sld [smem:$0x0];
	_ =	sdelay $0x2  }
0xb7: {  	s31 =	sshll.u32 s1, $0xD;
	s1 =	sshrl.u32 s1, $0x2  }
0xb8: {  	s3 =	sand.u32 $0x4000, s31;
	s1 =	sadd.s32 s1, s30  }
0xb9: {  	s0 =	sor.u32 s3, s0;
	s1 =	sshll.u32 s1, $0x11  }
0xba: {  	s0 =	sor.u32 s1, s0  }
0xbb: {  	s0 =	sadd.s32 $0x8F2B, s0  }
0xbc: {  	[sflag:s0] =	ssyncadd.remote.s32 $0x1  }
0xbd: {  	_ =	sfence.sel $0xFFFF  }
0xbe: {  	[dreg:$0x0] =	wrdreg $0xFFFFFFFF;
	(pc) =	sbr.abs _section_cstart, $3  }
0xbf: {  	[dreg:$0x1] =	wrdreg $0xFFFFFFFF  }
0xc0: {  	_ =	task.clear_ibuf [dreg:s6], $0x2FFFF;
	_ =	strace $0x9FFFFFFF  }
0xc1: {  	(tm) =	ssettm $0x7FFFFFFF  }
tec
execute0_lowered:
.L_overlay_start_1:
0x0: {  	(tag) =	ssettag $0x1  }
0x1: {  	s1 =	srdreg.scid  }
0x2: {  	s0 =	stileid.u32;
	s23 =	sand.u32 $0x1, s1  }
0x3: {  	s18 =	rddreg [dreg:$0x0];
	s3 =	sshll.u32 s0, $0x7;
	s4 =	sshll.u32 s23, $0x6  }
0x4: {  	s2 =	simm.s32 $0x0;
	s1 =	rddreg [dreg:$0x1];
	s3 =	sor.u32 s4, s3  }
0x5: {  	[smem:$0x7FF] =	sst s2;
	s5 =	sadd.s32 s3, s18  }
0x6: {  	_ =	strace $0x80000047;
	s3 =	simm.s32 $0x3;
	s4 =	sadd.s32 $0x1E00, s5  }
0x7: {  	[tilespmem:s2], [sflag:$0x3] =	stream.linear.gather [hbm4b:s4+s2], $0x200, $0x38;
	[tilespmem:$0x10400] =	vst v63  }
0x8: {  	_ =	swait.ge [sflag:s3], $0x200  }
0x9: {  	[sflag:s3] =	ssyncset.done $0x0  }
0xa: {  	s6 =	simm.s32 $0x200;
	s5 =	sadd.s32 $0x2600, s5;
	[sflag:s3] =	ssyncadd.s32 $0xFFFFFE00  }
0xb: {  	[tilespmem:s6], [sflag:$0x3] =	stream.linear.gather [hbm4b:s5+s2], $0x200, $0x38;
	[tilespmem:$0x10400] =	vst v63  }
0xc: {  	_ =	swait.ge [sflag:s3], $0x200  }
0xd: {  	s8 =	simm.s32 $0x80;
	[sflag:s3] =	ssyncset.done $0x0  }
0xe: {  	s9 =	simm.s32 $0x400;
	s7 =	sadd.s32 $0x2E00, s18;
	[sflag:s3] =	ssyncadd.s32 $0xFFFFFE00  }
0xf: {  	[tilespmem:s9], [sflag:$0x1] =	stream.indirect.gather [hbm4b:s7+s8], $0x80, s2, s8, $0xb8;
	[tilespmem:$0x10400] =	vst v63  }
0x10: {  	s11 =	simm.s32 $0x8400;
	s10 =	sadd.s32 $0x3E2E00, s18  }
0x11: {  	[tilespmem:s11], [sflag:$0x2] =	stream.indirect.gather [hbm4b:s10+s8], $0x80, s6, s8, $0xb8;
	[tilespmem:$0x10400] =	vst v63  }
0x12: {  	s12 =	simm.s32 $0x4400  }
0x13: {  	[tilespmem:s12], [sflag:$0x1] =	stream.indirect.gather [hbm4b:s7+s8], $0x80, s8, s8, $0xb8;
	[tilespmem:$0x10400] =	vst v63  }
0x14: {  	s13 =	simm.s32 $0x280;
	s14 =	simm.s32 $0xC400;
	s15 =	simm.s32 $0x1  }
0x15: {  	[tilespmem:s14], [sflag:$0x2] =	stream.indirect.gather [hbm4b:s10+s8], $0x80, s13, s8, $0xb8;
	[tilespmem:$0x10400] =	vst v63  }
0x16: {  	_ =	swait.ge [sflag:s15], $0x4000  }
0x17: {  	[sflag:s15] =	ssyncset.done $0x0  }
0x18: {  	s16 =	simm.s32 $0x2;
	[sflag:s15] =	ssyncadd.s32 $0xFFFFC000  }
0x19: {  	_ =	swait.ge [sflag:s16], $0x4000  }
0x1a: {  	[sflag:s16] =	ssyncset.done $0x0  }
0x1b: {  	[sflag:s16] =	ssyncadd.s32 $0xFFFFC000  }
0x1c: {  	_ =	swait.ge [sflag:s15], $0x4000  }
0x1d: {  	[sflag:s15] =	ssyncset.done $0x0  }
0x1e: {  	[sflag:s15] =	ssyncadd.s32 $0xFFFFC000  }
0x1f: {  	s17 =	sshll.u32 s0, $0xE;
	s19 =	sshll.u32 s23, $0xD;
	_ =	swait.ge [sflag:s16], $0x4000  }
0x20: {  	s24 =	sadd.s32 $0x7C2E00, s18;
	s25 =	sor.u32 s19, s17;
	[sflag:s16] =	ssyncset.done $0x0  }
0x21: {  	s17 =	sadd.s32 s24, s25;
	[sflag:s16] =	ssyncadd.s32 $0xFFFFC000  }
0x22: {  	[hbm4b:s17+s2] =	stream.linear.scatter [tilespmem:s9], [sflag:$0x3], $0x8000, $0x38;
	[tilespmem:$0x10400] =	vst v63  }
0x23: {  	_ =	swait.ge [sflag:s3], $0x8000  }
0x24: {  	s26 =	sadd.s32 $0x802E00, s18;
	[sflag:s3] =	ssyncset.done $0x0  }
0x25: {  	s18 =	sadd.s32 s26, s25;
	[sflag:s3] =	ssyncadd.s32 $0xFFFF8000  }
0x26: {  	[hbm4b:s18+s2] =	stream.linear.scatter [tilespmem:s11], [sflag:$0x3], $0x8000, $0x38;
	[tilespmem:$0x10400] =	vst v63  }
0x27: {  	_ =	swait.ge [sflag:s3], $0x8000  }
0x28: {  	[sflag:s3] =	ssyncset.done $0x0  }
0x29: {  	s19 =	simm.s32 $0x100;
	[sflag:s3] =	ssyncadd.s32 $0xFFFF8000  }
0x2a: {  	[tilespmem:s9], [sflag:$0x1] =	stream.indirect.gather [hbm4b:s7+s8], $0x80, s19, s8, $0xb8;
	[tilespmem:$0x10400] =	vst v63  }
0x2b: {  	s20 =	simm.s32 $0x300  }
0x2c: {  	[tilespmem:s11], [sflag:$0x2] =	stream.indirect.gather [hbm4b:s10+s8], $0x80, s20, s8, $0xb8;
	[tilespmem:$0x10400] =	vst v63  }
0x2d: {  	s21 =	simm.s32 $0x180  }
0x2e: {  	[tilespmem:s12], [sflag:$0x1] =	stream.indirect.gather [hbm4b:s7+s8], $0x80, s21, s8, $0xb8;
	[tilespmem:$0x10400] =	vst v63  }
0x2f: {  	s22 =	simm.s32 $0x380  }
0x30: {  	[tilespmem:s14], [sflag:$0x2] =	stream.indirect.gather [hbm4b:s10+s8], $0x80, s22, s8, $0xb8;
	[tilespmem:$0x10400] =	vst v63  }
0x31: {  	_ =	swait.ge [sflag:s15], $0x4000  }
0x32: {  	[sflag:s15] =	ssyncset.done $0x0  }
0x33: {  	[sflag:s15] =	ssyncadd.s32 $0xFFFFC000  }
0x34: {  	_ =	swait.ge [sflag:s16], $0x4000  }
0x35: {  	[sflag:s16] =	ssyncset.done $0x0  }
0x36: {  	[sflag:s16] =	ssyncadd.s32 $0xFFFFC000  }
0x37: {  	_ =	swait.ge [sflag:s15], $0x4000  }
0x38: {  	[sflag:s15] =	ssyncset.done $0x0  }
0x39: {  	s28 =	ssub.s32 $0x2, s23;
	[sflag:s15] =	ssyncadd.s32 $0xFFFFC000  }
0x3a: {  	s30 =	sshrl.u32 s28, $0x1;
	_ =	swait.ge [sflag:s16], $0x4000  }
0x3b: {  	s25 =	sor.u32 $0x1000, s25;
	s28 =	ssub.s32 s28, s30;
	[sflag:s16] =	ssyncset.done $0x0  }
0x3c: {  	s23 =	sadd.s32 s24, s25;
	s31 =	smax.u32 s28, $0x1;
	[sflag:s16] =	ssyncadd.s32 $0xFFFFC000  }
0x3d: {  	[hbm4b:s23+s2] =	stream.linear.scatter [tilespmem:s9], [sflag:$0x3], $0x8000, $0x38;
	[tilespmem:$0x10400] =	vst v63  }
0x3e: {  	p0 =	sne.s32 s31, $0x1;
	_ =	swait.ge [sflag:s3], $0x8000  }
.Ltmp0:
0x3f: {  	[sflag:s3] =	ssyncset.done $0x0;
	(pc) =	sbr.rel @!p0 .LBB2_2-.Ltmp0, $4  }
0x40: {  	s24 =	sadd.s32 s26, s25;
	[sflag:s3] =	ssyncadd.s32 $0xFFFF8000  }
0x41: {  	[hbm4b:s24+s2] =	stream.linear.scatter [tilespmem:s11], [sflag:$0x3], $0x8000, $0x38;
	[tilespmem:$0x10400] =	vst v63  }
0x42: {  	_ =	swait.ge [sflag:s3], $0x8000  }
0x43: {  	s25 =	sadd.s32 $0xFFFFFFFF, s31;
	[sflag:s3] =	ssyncset.done $0x0  }
.LBB2_1:
0x44: {  	p0 =	sne.s32 s25, $0x1;
	s25 =	sadd.s32 $0xFFFFFFFF, s25;
	[sflag:s3] =	ssyncadd.s32 $0xFFFF8000  }
0x45: {  	[tilespmem:s2], [sflag:$0x3] =	stream.linear.gather [hbm4b:s4+s2], $0x200, $0x38;
	[tilespmem:$0x10400] =	vst v63  }
0x46: {  	_ =	swait.ge [sflag:s3], $0x200  }
0x47: {  	[sflag:s3] =	ssyncset.done $0x0  }
0x48: {  	[sflag:s3] =	ssyncadd.s32 $0xFFFFFE00  }
0x49: {  	[tilespmem:s6], [sflag:$0x3] =	stream.linear.gather [hbm4b:s5+s2], $0x200, $0x38;
	[tilespmem:$0x10400] =	vst v63  }
0x4a: {  	_ =	swait.ge [sflag:s3], $0x200  }
0x4b: {  	[sflag:s3] =	ssyncset.done $0x0  }
0x4c: {  	[sflag:s3] =	ssyncadd.s32 $0xFFFFFE00  }
0x4d: {  	[tilespmem:s9], [sflag:$0x1] =	stream.indirect.gather [hbm4b:s7+s8], $0x80, s2, s8, $0xb8;
	[tilespmem:$0x10400] =	vst v63  }
0x4e: {  	_ = 	snop  }
0x4f: {  	[tilespmem:s11], [sflag:$0x2] =	stream.indirect.gather [hbm4b:s10+s8], $0x80, s6, s8, $0xb8;
	[tilespmem:$0x10400] =	vst v63  }
0x50: {  	_ = 	snop  }
0x51: {  	[tilespmem:s12], [sflag:$0x1] =	stream.indirect.gather [hbm4b:s7+s8], $0x80, s8, s8, $0xb8;
	[tilespmem:$0x10400] =	vst v63  }
0x52: {  	_ = 	snop  }
0x53: {  	[tilespmem:s14], [sflag:$0x2] =	stream.indirect.gather [hbm4b:s10+s8], $0x80, s13, s8, $0xb8;
	[tilespmem:$0x10400] =	vst v63  }
0x54: {  	_ =	swait.ge [sflag:s15], $0x4000  }
0x55: {  	[sflag:s15] =	ssyncset.done $0x0  }
0x56: {  	[sflag:s15] =	ssyncadd.s32 $0xFFFFC000  }
0x57: {  	_ =	swait.ge [sflag:s16], $0x4000  }
0x58: {  	[sflag:s16] =	ssyncset.done $0x0  }
0x59: {  	[sflag:s16] =	ssyncadd.s32 $0xFFFFC000  }
0x5a: {  	_ =	swait.ge [sflag:s15], $0x4000  }
0x5b: {  	[sflag:s15] =	ssyncset.done $0x0  }
0x5c: {  	[sflag:s15] =	ssyncadd.s32 $0xFFFFC000  }
0x5d: {  	_ =	swait.ge [sflag:s16], $0x4000  }
0x5e: {  	[sflag:s16] =	ssyncset.done $0x0  }
0x5f: {  	[sflag:s16] =	ssyncadd.s32 $0xFFFFC000  }
0x60: {  	[hbm4b:s17+s2] =	stream.linear.scatter [tilespmem:s9], [sflag:$0x3], $0x8000, $0x38;
	[tilespmem:$0x10400] =	vst v63  }
0x61: {  	_ =	swait.ge [sflag:s3], $0x8000  }
0x62: {  	[sflag:s3] =	ssyncset.done $0x0  }
0x63: {  	[sflag:s3] =	ssyncadd.s32 $0xFFFF8000  }
0x64: {  	[hbm4b:s18+s2] =	stream.linear.scatter [tilespmem:s11], [sflag:$0x3], $0x8000, $0x38;
	[tilespmem:$0x10400] =	vst v63  }
0x65: {  	_ =	swait.ge [sflag:s3], $0x8000  }
0x66: {  	[sflag:s3] =	ssyncset.done $0x0  }
0x67: {  	[sflag:s3] =	ssyncadd.s32 $0xFFFF8000  }
0x68: {  	[tilespmem:s9], [sflag:$0x1] =	stream.indirect.gather [hbm4b:s7+s8], $0x80, s19, s8, $0xb8;
	[tilespmem:$0x10400] =	vst v63  }
0x69: {  	_ = 	snop  }
0x6a: {  	[tilespmem:s11], [sflag:$0x2] =	stream.indirect.gather [hbm4b:s10+s8], $0x80, s20, s8, $0xb8;
	[tilespmem:$0x10400] =	vst v63  }
0x6b: {  	_ = 	snop  }
0x6c: {  	[tilespmem:s12], [sflag:$0x1] =	stream.indirect.gather [hbm4b:s7+s8], $0x80, s21, s8, $0xb8;
	[tilespmem:$0x10400] =	vst v63  }
0x6d: {  	_ = 	snop  }
0x6e: {  	[tilespmem:s14], [sflag:$0x2] =	stream.indirect.gather [hbm4b:s10+s8], $0x80, s22, s8, $0xb8;
	[tilespmem:$0x10400] =	vst v63  }
0x6f: {  	_ =	swait.ge [sflag:s15], $0x4000  }
0x70: {  	[sflag:s15] =	ssyncset.done $0x0  }
0x71: {  	[sflag:s15] =	ssyncadd.s32 $0xFFFFC000  }
0x72: {  	_ =	swait.ge [sflag:s16], $0x4000  }
0x73: {  	[sflag:s16] =	ssyncset.done $0x0  }
0x74: {  	[sflag:s16] =	ssyncadd.s32 $0xFFFFC000  }
0x75: {  	_ =	swait.ge [sflag:s15], $0x4000  }
0x76: {  	[sflag:s15] =	ssyncset.done $0x0  }
0x77: {  	[sflag:s15] =	ssyncadd.s32 $0xFFFFC000  }
0x78: {  	_ =	swait.ge [sflag:s16], $0x4000  }
0x79: {  	[sflag:s16] =	ssyncset.done $0x0  }
0x7a: {  	[sflag:s16] =	ssyncadd.s32 $0xFFFFC000  }
0x7b: {  	[hbm4b:s23+s2] =	stream.linear.scatter [tilespmem:s9], [sflag:$0x3], $0x8000, $0x38;
	[tilespmem:$0x10400] =	vst v63  }
0x7c: {  	_ =	swait.ge [sflag:s3], $0x8000  }
.Ltmp1:
0x7d: {  	[sflag:s3] =	ssyncset.done $0x0;
	(pc) =	sbr.rel @p0 .LBB2_1-.Ltmp1, $4  }
0x7e: {  	[sflag:s3] =	ssyncadd.s32 $0xFFFF8000  }
0x7f: {  	[hbm4b:s24+s2] =	stream.linear.scatter [tilespmem:s11], [sflag:$0x3], $0x8000, $0x38;
	[tilespmem:$0x10400] =	vst v63  }
0x80: {  	_ =	swait.ge [sflag:s3], $0x8000  }
0x81: {  	[sflag:s3] =	ssyncset.done $0x0  }
.LBB2_2:
0x82: {  	[sflag:s3] =	ssyncadd.s32 $0xFFFF8000  }
0x83: {  	_ =	sfence.sel $0x180000  }
0x84: {  	[bflag:$0x0] =	sbarrier.arrive $0xFFFF  }
0x85: {  	p0 =	sne.s32 s0, $0x0;
	_ =	strace $0x90000047  }
0x86: {  	s0 =	sadd.s32 @!p0 $0x100000, s1;
	[bflag:$0x2] =	sbarrier.arrive $0xFFFF  }
0x87: {  	[sflag:s0] =	ssyncadd.tile.s32 @!p0 $0x1;
	_ =	shalt  }
.Lfunc_end2:
_tile_overlayer_lowered:
.L_overlay_start_2:
0x88: {  	(tag) =	ssettag $0x2  }
0x89: {  	s0 =	rddreg [dreg:$0x0];
	s2 =	stileid.u32  }
0x8a: {  	s1 =	rddreg [dreg:$0x1];
	p0 =	sne.s32 s2, $0x0  }
0x8b: {  	s3 =	rddreg [dreg:$0x2];
	[bflag:$0x3] =	sbarrier.arrive $0xFFFF;
	s2 =	simm.s32 @!p0 $0x1C03  }
0x8c: {  	[timem:s3], [sflag:s2] =	dma.local @!p0 [hbm:s0], s1  }
0x8d: {  	s0 =	simm.s32 @!p0 $0x3  }
0x8e: {  	_ =	swait.ge @!p0 [sflag:s0], s1  }
0x8f: {  	s1 =	ssub.s32 @!p0 $0x0, s1;
	[sflag:s0] =	ssyncset.done @!p0 $0x0  }
0x90: {  	[sflag:s0] =	ssyncadd.s32 @!p0 s1  }
0x91: {  	[bflag:$0x3] =	sbarrier.arrive $0xFFFF  }
0x92: {  	_ =	shalt  }

</sc_bundles>
